<compile_context>
chip_gen: v7x
topology: tpu7x:2x2x1
jax: 0.10.2.dev20260603
libtpu: 0.0.44.dev20260713+nightly
codegen_flags: <defaults>
</compile_context>

<pallas_src>
import functools

import jax
import jax.numpy as jnp
from jax import lax
from jax.experimental import pallas as pl
from jax.experimental.pallas import tpu as pltpu
from jax.experimental.pallas import tpu_sc as plsc

E = 320000
T = 1280000
EMB = 128
INT_EMB = 64

F32 = jnp.float32
I32 = jnp.int32


def _silu(x):
    return x * (1.0 / (1.0 + jnp.exp(-x)))


def _bdot(a, w):
    return jnp.dot(a.astype(jnp.bfloat16), w.astype(jnp.bfloat16),
                   preferred_element_type=F32)



def _prologue_body(x0_ref, rbf_ref, wkj_ref, bkj_ref, wr1_ref, wr2_ref,
                   wdn_ref, xdown_ref):
    x0 = x0_ref[...]
    h = _silu(_bdot(x0, wkj_ref[...]) + bkj_ref[...])
    rbf_e = jnp.dot(jnp.dot(rbf_ref[...], wr1_ref[...],
                            preferred_element_type=F32),
                    wr2_ref[...], preferred_element_type=F32)
    h = h * rbf_e
    xdown_ref[...] = _silu(_bdot(h, wdn_ref[...]))


def _prologue(x0, rbf, w_kj, b_kj, w_rbf1, w_rbf2, w_down):
    blk = 2000
    grid = E // blk
    full = lambda a: pl.BlockSpec(a.shape, lambda i: (0,) * a.ndim)
    b_kj2 = b_kj.reshape(1, EMB)
    return pl.pallas_call(
        _prologue_body,
        grid=(grid,),
        in_specs=[
            pl.BlockSpec((blk, EMB), lambda i: (i, 0)),
            pl.BlockSpec((blk, rbf.shape[1]), lambda i: (i, 0)),
            full(w_kj), full(b_kj2), full(w_rbf1), full(w_rbf2), full(w_down),
        ],
        out_specs=pl.BlockSpec((blk, INT_EMB), lambda i: (i, 0)),
        out_shape=jax.ShapeDtypeStruct((E, INT_EMB), F32),
    )(x0, rbf, w_kj, b_kj2, w_rbf1, w_rbf2, w_down)



def _sbf_body(sbf_ref, w1_ref, w2_ref, out_ref):
    out_ref[...] = jnp.dot(
        jnp.dot(sbf_ref[...], w1_ref[...], preferred_element_type=F32),
        w2_ref[...], preferred_element_type=F32)


def _sbf_transform(sbf, w_sbf1, w_sbf2):
    blk = 4000
    grid = T // blk
    full = lambda a: pl.BlockSpec(a.shape, lambda i: (0,) * a.ndim)
    return pl.pallas_call(
        _sbf_body,
        grid=(grid,),
        in_specs=[
            pl.BlockSpec((blk, sbf.shape[1]), lambda i: (i, 0)),
            full(w_sbf1), full(w_sbf2),
        ],
        out_specs=pl.BlockSpec((blk, INT_EMB), lambda i: (i, 0)),
        out_shape=jax.ShapeDtypeStruct((T, INT_EMB), F32),
    )(sbf, w_sbf1, w_sbf2)



def _make_sc_segment(e_total, t_total, n_chunks, blk_ids, gfix,
                     interpret=False):
    info_tiles = 16
    n_sc = 2
    ec = e_total // n_chunks
    npc = n_chunks // n_sc
    t_per_tile = t_total // info_tiles
    nblk = t_per_tile // blk_ids
    ngrp = blk_ids // 16
    d = INT_EMB
    rows_per_tile = ec // info_tiles
    zrows = next(z for z in (200, 128, 125, 100, 80, 50, 25)
                 if rows_per_tile % z == 0 and z <= gfix)
    nzcp = rows_per_tile // zrows
    nring = 16
    gsh = gfix.bit_length() - 1
    assert (1 << gsh) == gfix
    assert ec * n_chunks == e_total and t_per_tile * info_tiles == t_total
    assert nblk * blk_ids == t_per_tile and ngrp * 16 == blk_ids
    assert nzcp * zrows * info_tiles == ec and ngrp % 2 == 0
    assert nring * gfix >= blk_ids + 2 * gfix
    assert zrows <= gfix

    mesh = plsc.VectorSubcoreMesh(core_axis_name="c", subcore_axis_name="s",
                                  num_cores=n_sc, num_subcores=info_tiles)

    @functools.partial(
        pl.kernel,
        out_type=jax.ShapeDtypeStruct((e_total, d), F32),
        mesh=mesh,
        scratch_types=[
            pltpu.VMEM((2, blk_ids), I32),
            pltpu.VMEM((2, blk_ids), I32),
            pltpu.VMEM((nring, gfix), I32),
            pltpu.VMEM((nring, gfix), I32),
            pltpu.VMEM((nring, gfix), I32),
            pltpu.VMEM((gfix, d), F32),
            pltpu.VMEM((gfix, d), F32),
            pltpu.VMEM((gfix, d), F32),
            pltpu.VMEM_SHARED((ec + 16, d), F32),
            pltpu.SemaphoreType.DMA,
            pltpu.SemaphoreType.DMA,
            pltpu.SemaphoreType.DMA,
            pltpu.SemaphoreType.DMA,
        ],
        compiler_params=pltpu.CompilerParams(needs_layout_passes=False,
                                             use_tc_tiling_on_sc=False),
        interpret=interpret,
    )
    def sc_segment(xdown_hbm, sbfe_hbm, idr_hbm, ide_hbm, out_hbm,
                   idr_v, ide_v, dstb, srcb, ttb, xrows, srows, prod,
                   accum, sem1, sem2, sem3, sem4):
        sc_id = lax.axis_index("c")
        s = lax.axis_index("s")
        lane = lax.iota(I32, 16)
        nr1 = nring - 1

        for j in range(nring):
            def _init(g, _):
                v = (j * gfix + g * 16) + lane
                srcb[j, pl.ds(g * 16, 16)] = v
                ttb[j, pl.ds(g * 16, 16)] = v
                return 0
            lax.fori_loop(0, gfix // 16, _init, 0)

        def _zero_prod():
            def _zrow(r, _):
                for cg in range(d // 16):
                    prod[r, pl.ds(cg * 16, 16)] = jnp.zeros((16,), F32)
                return 0
            lax.fori_loop(0, zrows, _zrow, 0)

        def start_fire(j):
            pltpu.make_async_copy(xdown_hbm.at[srcb.at[j]], xrows, sem1).start()
            pltpu.make_async_copy(sbfe_hbm.at[ttb.at[j]], srows, sem2).start()

        def finish_fire(j):
            pltpu.make_async_copy(xdown_hbm.at[srcb.at[j]], xrows, sem1).wait()
            pltpu.make_async_copy(sbfe_hbm.at[ttb.at[j]], srows, sem2).wait()

            def _mul(r, _):
                for u in range(4):
                    row = r * 4 + u
                    for cg in range(d // 16):
                        sl = pl.ds(cg * 16, 16)
                        prod[row, sl] = xrows[row, sl] * srows[row, sl]
                return 0
            lax.fori_loop(0, gfix // 4, _mul, 0)
            pltpu.sync_copy(prod, accum.at[dstb.at[j]], add=True)

        def pump(cons, pend, off_s):
            def cond(st):
                return off_s - st[0] >= gfix

            def body(st):
                cons_, pend_ = st

                @pl.when(pend_ == 1)
                def _():
                    finish_fire(((cons_ >> gsh) + nr1) & nr1)
                start_fire((cons_ >> gsh) & nr1)
                return (cons_ + gfix, jnp.int32(1))

            return lax.while_loop(cond, body, (cons, pend))

        def chunk_body(c, _):
            c0 = (sc_id * npc + c) * ec
            row0 = s * rows_per_tile
            base0 = s * t_per_tile
            _zero_prod()
            for k in range(nzcp):
                pltpu.sync_copy(prod.at[pl.ds(0, zrows)],
                                accum.at[pl.ds(row0 + k * zrows, zrows)])
            plsc.subcore_barrier()
            pltpu.sync_copy(idr_hbm.at[pl.ds(base0, blk_ids)], idr_v.at[0])
            pltpu.sync_copy(ide_hbm.at[pl.ds(base0, blk_ids)], ide_v.at[0])

            def blk_body(b, carry):
                off_vec, cons, pend = carry
                par = b & 1
                nb = b + 1
                nbase = base0 + nb * blk_ids
                npar = nb & 1

                @pl.when(nb < nblk)
                def _():
                    pltpu.make_async_copy(
                        idr_hbm.at[pl.ds(nbase, blk_ids)], idr_v.at[npar],
                        sem3).start()
                    pltpu.make_async_copy(
                        ide_hbm.at[pl.ds(nbase, blk_ids)], ide_v.at[npar],
                        sem4).start()

                base = base0 + b * blk_ids

                def grp_pair(ip, off_vec):
                    for u in range(2):
                        i = ip * 2 + u
                        sl = pl.ds(i * 16, 16)
                        loc = idr_v[par, sl] - c0
                        m = loc.astype(jnp.uint32) < jnp.uint32(ec)
                        cnt_vec = plsc.all_reduce_population_count(m)

                        @pl.when(jnp.any(m))
                        def _(loc=loc, m=m, i=i, off_vec=off_vec, sl=sl):
                            mi = m.astype(I32)
                            pos = off_vec + plsc.cumsum(mi) - 1
                            slc = (pos >> gsh) & nr1
                            col = pos & (gfix - 1)
                            plsc.store_scatter(dstb, [slc, col], loc, mask=m)
                            plsc.store_scatter(srcb, [slc, col],
                                               ide_v[par, sl], mask=m)
                            plsc.store_scatter(ttb, [slc, col],
                                               base + i * 16 + lane, mask=m)
                        off_vec = off_vec + cnt_vec
                    return off_vec

                off_vec = lax.fori_loop(0, ngrp // 2, grp_pair, off_vec)
                off_s = jnp.max(off_vec)
                cons, pend = pump(cons, pend, off_s)

                @pl.when(nb < nblk)
                def _():
                    pltpu.make_async_copy(
                        idr_hbm.at[pl.ds(nbase, blk_ids)], idr_v.at[npar],
                        sem3).wait()
                    pltpu.make_async_copy(
                        ide_hbm.at[pl.ds(nbase, blk_ids)], ide_v.at[npar],
                        sem4).wait()
                return (off_vec, cons, pend)

            carry0 = (jnp.zeros((16,), I32), jnp.int32(0), jnp.int32(0))
            off_vec, cons, pend = lax.fori_loop(0, nblk, blk_body, carry0)

            @pl.when(pend == 1)
            def _():
                finish_fire(((cons >> gsh) + nr1) & nr1)
            off_s = jnp.max(off_vec)
            rem = off_s - cons
            jd = (cons >> gsh) & nr1
            jd_vec = jnp.zeros((16,), I32) + jd
            for g in range(gfix // 16):
                p = g * 16 + lane
                plsc.store_scatter(dstb, [jd_vec, p], ec + lane,
                                   mask=(p >= rem))
            start_fire(jd)
            finish_fire(jd)
            plsc.subcore_barrier()
            for k in range(nzcp):
                rsl = pl.ds(row0 + k * zrows, zrows)
                pltpu.sync_copy(accum.at[rsl],
                                out_hbm.at[pl.ds(c0 + row0 + k * zrows, zrows)])
            plsc.subcore_barrier()
            return 0

        lax.fori_loop(0, npc, chunk_body, 0)

    return sc_segment



def _epilogue_body(x0_ref, seg_ref, wji_ref, bji_ref, wup_ref,
                   wb1a_ref, bb1a_ref, wb1b_ref, bb1b_ref,
                   wfbs_ref, bfbs_ref,
                   wa1a_ref, ba1a_ref, wa1b_ref, ba1b_ref,
                   wa2a_ref, ba2a_ref, wa2b_ref, ba2b_ref, out_ref):
    x0 = x0_ref[...]

    def mm(a, w):
        return _bdot(a, w[...])

    def res(x, wa, ba, wb, bb):
        h = _silu(mm(x, wa) + ba[...])
        h = _silu(mm(h, wb) + bb[...])
        return x + h

    x_ji = _silu(mm(x0, wji_ref) + bji_ref[...])
    x_kj = _silu(mm(seg_ref[...], wup_ref))
    x2 = x_ji + x_kj
    x2 = res(x2, wb1a_ref, bb1a_ref, wb1b_ref, bb1b_ref)
    x2 = _silu(mm(x2, wfbs_ref) + bfbs_ref[...])
    x = x0 + x2
    x = res(x, wa1a_ref, ba1a_ref, wa1b_ref, ba1b_ref)
    x = res(x, wa2a_ref, ba2a_ref, wa2b_ref, ba2b_ref)
    out_ref[...] = x


def _epilogue(x0, seg, w_ji, b_ji, w_up, w_bs1a, b_bs1a, w_bs1b, b_bs1b,
              w_fbs, b_fbs, w_as1a, b_as1a, w_as1b, b_as1b,
              w_as2a, b_as2a, w_as2b, b_as2b):
    blk = 2000
    grid = E // blk
    full = lambda a: pl.BlockSpec(a.shape, lambda i: (0,) * a.ndim)
    args = [w_ji, b_ji.reshape(1, EMB), w_up,
            w_bs1a, b_bs1a.reshape(1, EMB), w_bs1b, b_bs1b.reshape(1, EMB),
            w_fbs, b_fbs.reshape(1, EMB),
            w_as1a, b_as1a.reshape(1, EMB), w_as1b, b_as1b.reshape(1, EMB),
            w_as2a, b_as2a.reshape(1, EMB), w_as2b, b_as2b.reshape(1, EMB)]
    return pl.pallas_call(
        _epilogue_body,
        grid=(grid,),
        in_specs=[
            pl.BlockSpec((blk, EMB), lambda i: (i, 0)),
            pl.BlockSpec((blk, INT_EMB), lambda i: (i, 0)),
        ] + [full(a) for a in args],
        out_specs=pl.BlockSpec((blk, EMB), lambda i: (i, 0)),
        out_shape=jax.ShapeDtypeStruct((E, EMB), F32),
    )(x0, seg, *args)



def kernel(x0, rbf, sbf, id_expand_kj, id_reduce_ji, R,
           W_rbf1, W_rbf2, W_sbf1, W_sbf2, W_ji, b_ji, W_kj, b_kj,
           W_down, W_up, W_bs1a, b_bs1a, W_bs1b, b_bs1b, W_fbs, b_fbs,
           W_as1a, b_as1a, W_as1b, b_as1b, W_as2a, b_as2a, W_as2b, b_as2b):
    x_down = _prologue(x0, rbf, W_kj, b_kj, W_rbf1, W_rbf2, W_down)
    sbf_e = _sbf_transform(sbf, W_sbf1, W_sbf2)
    sc_seg = _make_sc_segment(E, T, n_chunks=16, blk_ids=1600, gfix=128)
    seg = sc_seg(x_down, sbf_e, id_reduce_ji, id_expand_kj)
    return _epilogue(x0, seg, W_ji, b_ji, W_up, W_bs1a, b_bs1a,
                     W_bs1b, b_bs1b, W_fbs, b_fbs, W_as1a, b_as1a,
                     W_as1b, b_as1b, W_as2a, b_as2a, W_as2b, b_as2b)

# --- scband reference (transcript-rebuilt; emitter-appended) ---
"""Pipeline reference for scband-equivariant-interaction-ppblock-62457414418909 (READ-ONLY COPY).

The authoritative reference and input builder live on the scoring server;
editing this copy changes nothing except your own understanding.
"""

import jax, jax.numpy as jnp
import numpy as np

E = 320000
T = 1280000
N = 10000
EMB = 128
INT_EMB = 64
BASIS = 8
NRBF = 6
NSBF = 42

def _glorot(key, shape):
    fan_in, fan_out = shape
    return jax.random.normal(key, shape, dtype=jnp.float32) * jnp.sqrt(2.0 / (fan_in + fan_out))

def setup_inputs(seed: int = 0) -> dict:
    key = jax.random.key(seed)
    ks = jax.random.split(key, 32)
    inp = {}
    inp['x0'] = jax.random.normal(ks[0], (E, EMB), dtype=jnp.float32)
    inp['rbf'] = jax.random.uniform(ks[1], (E, NRBF), dtype=jnp.float32)
    inp['sbf'] = jax.random.uniform(ks[2], (T, NSBF), dtype=jnp.float32)
    inp['id_expand_kj'] = jax.random.randint(ks[3], (T,), 0, E, dtype=jnp.int32)
    inp['id_reduce_ji'] = jax.random.randint(ks[4], (T,), 0, E, dtype=jnp.int32)
    inp['R'] = jax.random.normal(ks[5], (N, 3), dtype=jnp.float32)
    inp['W_rbf1'] = _glorot(ks[6], (NRBF, BASIS))
    inp['W_rbf2'] = _glorot(ks[7], (BASIS, EMB))
    inp['W_sbf1'] = _glorot(ks[8], (NSBF, BASIS))
    inp['W_sbf2'] = _glorot(ks[9], (BASIS, INT_EMB))
    inp['W_ji'] = _glorot(ks[10], (EMB, EMB)); inp['b_ji'] = jnp.zeros((EMB,), jnp.float32)
    inp['W_kj'] = _glorot(ks[11], (EMB, EMB)); inp['b_kj'] = jnp.zeros((EMB,), jnp.float32)
    inp['W_down'] = _glorot(ks[12], (EMB, INT_EMB))
    inp['W_up'] = _glorot(ks[13], (INT_EMB, EMB))
    inp['W_bs1a'] = _glorot(ks[14], (EMB, EMB)); inp['b_bs1a'] = jnp.zeros((EMB,), jnp.float32)
    inp['W_bs1b'] = _glorot(ks[15], (EMB, EMB)); inp['b_bs1b'] = jnp.zeros((EMB,), jnp.float32)
    inp['W_fbs'] = _glorot(ks[16], (EMB, EMB)); inp['b_fbs'] = jnp.zeros((EMB,), jnp.float32)
    inp['W_as1a'] = _glorot(ks[17], (EMB, EMB)); inp['b_as1a'] = jnp.zeros((EMB,), jnp.float32)
    inp['W_as1b'] = _glorot(ks[18], (EMB, EMB)); inp['b_as1b'] = jnp.zeros((EMB,), jnp.float32)
    inp['W_as2a'] = _glorot(ks[19], (EMB, EMB)); inp['b_as2a'] = jnp.zeros((EMB,), jnp.float32)
    inp['W_as2b'] = _glorot(ks[20], (EMB, EMB)); inp['b_as2b'] = jnp.zeros((EMB,), jnp.float32)
    return inp

def reference(x0, rbf, sbf, id_expand_kj, id_reduce_ji, R, W_rbf1, W_rbf2, W_sbf1, W_sbf2, W_ji, b_ji, W_kj, b_kj, W_down, W_up, W_bs1a, b_bs1a, W_bs1b, b_bs1b, W_fbs, b_fbs, W_as1a, b_as1a, W_as1b, b_as1b, W_as2a, b_as2a, W_as2b, b_as2b):
    act = jax.nn.silu  # swish
    def res(x, Wa, ba, Wb, bb):
        h = act(x @ Wa + ba)
        h = act(h @ Wb + bb)
        return x + h
    num_interactions = x0.shape[0]
    # basis transforms
    rbf_e = (rbf @ W_rbf1) @ W_rbf2
    sbf_e = (sbf @ W_sbf1) @ W_sbf2
    # l == 0 branch (features = {0: x0}; l=1 not present so skipped, faithful to call())
    x_ji = act(x0 @ W_ji + b_ji)
    x_kj = act(x0 @ W_kj + b_kj)
    x_kj = x_kj * rbf_e
    x_kj = act(x_kj @ W_down)
    x_kj = jnp.take(x_kj, id_expand_kj, axis=0)
    x_kj = x_kj * sbf_e
    x_kj = jax.ops.segment_sum(x_kj, id_reduce_ji, num_segments=num_interactions)
    x_kj = act(x_kj @ W_up)
    x2 = x_ji + x_kj
    x2 = res(x2, W_bs1a, b_bs1a, W_bs1b, b_bs1b)
    x2 = act(x2 @ W_fbs + b_fbs)
    x = x0 + x2
    x = res(x, W_as1a, b_as1a, W_as1b, b_as1b)
    x = res(x, W_as2a, b_as2a, W_as2b, b_as2b)
    return x

if __name__ == "__main__":
    import jax
    _d = setup_inputs()
    print(jax.jit(kernel)(*tuple(_d.values())))

</pallas_src>

<mosaic_0001>
#map = affine_map<(d0, d1) -> (0, 0)>
#map1 = affine_map<(d0, d1) -> (0)>
module attributes {stable_mosaic.version = 14 : i64} {
  func.func @sc_segment(%arg0: i32, %arg1: i32, %arg2: memref<320000x64xf32, #tpu.memory_space<hbm>>, %arg3: memref<1280000x64xf32, #tpu.memory_space<hbm>>, %arg4: memref<1280000xi32, #tpu.memory_space<hbm>>, %arg5: memref<1280000xi32, #tpu.memory_space<hbm>>, %arg6: memref<320000x64xf32, #tpu.memory_space<hbm>>, %arg7: memref<2x1600xi32, #tpu.memory_space<vmem>>, %arg8: memref<2x1600xi32, #tpu.memory_space<vmem>>, %arg9: memref<16x128xi32, #tpu.memory_space<vmem>>, %arg10: memref<16x128xi32, #tpu.memory_space<vmem>>, %arg11: memref<16x128xi32, #tpu.memory_space<vmem>>, %arg12: memref<128x64xf32, #tpu.memory_space<vmem>>, %arg13: memref<128x64xf32, #tpu.memory_space<vmem>>, %arg14: memref<128x64xf32, #tpu.memory_space<vmem>>, %arg15: memref<20016x64xf32, #tpu.memory_space<vmem_shared>>, %arg16: memref<!tpu.dma_semaphore, #tpu.memory_space<semaphore_mem>>, %arg17: memref<!tpu.dma_semaphore, #tpu.memory_space<semaphore_mem>>, %arg18: memref<!tpu.dma_semaphore, #tpu.memory_space<semaphore_mem>>, %arg19: memref<!tpu.dma_semaphore, #tpu.memory_space<semaphore_mem>>) attributes {dimension_semantics = [#tpu.dimension_semantics<core_parallel>, #tpu.dimension_semantics<subcore_parallel>], iteration_bounds = array<i64: 2, 16>, scalar_prefetch = 0 : i64, scratch_operands = 13 : i64, tpu.core_type = #tpu.core_type<sc_vector_subcore>, window_params = [{transform_indices = #map}, {transform_indices = #map}, {transform_indices = #map1}, {transform_indices = #map1}, {transform_indices = #map}]} {
    %iota3A = tpu.iota {dimensions = array<i32: 0>} : vector<16xi32>
    %scan3A = arith.constant 0 : i32
    %scan3A_0 = arith.constant 0 : i32
    %scan3A_1 = arith.constant 8 : i32
    %scan3A_2 = arith.addi %scan3A_0, %scan3A_1 : i32
    %scan3A_3 = arith.constant 1 : i32
    %scan3A_4 = scf.for %scan3A_118 = %scan3A_0 to %scan3A_2 step %scan3A_3 iter_args(%scan3A_119 = %scan3A) -> (i32)  : i32 {
      %mul3A = arith.constant 16 : i32
      %mul3A_120 = arith.muli %scan3A_118, %mul3A : i32
      %add3A = arith.constant 0 : i32
      %add3A_121 = arith.addi %add3A, %mul3A_120 : i32
      %add3A_122 = vector.broadcast %add3A_121 : i32 to vector<16xi32>
      %add3A_123 = arith.addi %add3A_122, %iota3A : vector<16xi32>
      %mul3A_124 = arith.constant 16 : i32
      %mul3A_125 = arith.muli %scan3A_118, %mul3A_124 : i32
      %swap3A = arith.constant 0 : i32
      %swap3A_126 = arith.index_cast %swap3A : i32 to index
      %swap3A_127 = arith.index_cast %mul3A_125 : i32 to index
      %swap3A_128 = tpu.vector_load %arg10[%swap3A_126, %swap3A_127] {strides = array<i32>} : memref<16x128xi32, #tpu.memory_space<vmem>>, vector<16xi32>,
      tpu.vector_store %arg10[%swap3A_126, %swap3A_127], %add3A_123 {strides = array<i32>} : memref<16x128xi32, #tpu.memory_space<vmem>>, vector<16xi32>,
      %mul3A_129 = arith.constant 16 : i32
      %mul3A_130 = arith.muli %scan3A_118, %mul3A_129 : i32
      %swap3A_131 = arith.constant 0 : i32
      %swap3A_132 = arith.index_cast %swap3A_131 : i32 to index
      %swap3A_133 = arith.index_cast %mul3A_130 : i32 to index
      %swap3A_134 = tpu.vector_load %arg11[%swap3A_132, %swap3A_133] {strides = array<i32>} : memref<16x128xi32, #tpu.memory_space<vmem>>, vector<16xi32>,
      tpu.vector_store %arg11[%swap3A_132, %swap3A_133], %add3A_123 {strides = array<i32>} : memref<16x128xi32, #tpu.memory_space<vmem>>, vector<16xi32>,
      %scan3A_135 = arith.constant 0 : i32
      scf.yield %scan3A_135 : i32
    }
    %scan3A_5 = arith.constant 8 : i32
    %scan3A_6 = arith.constant 0 : i32
    %scan3A_7 = arith.constant 0 : i32
    %scan3A_8 = arith.constant 8 : i32
    %scan3A_9 = arith.addi %scan3A_7, %scan3A_8 : i32
    %scan3A_10 = arith.constant 1 : i32
    %scan3A_11 = scf.for %scan3A_118 = %scan3A_7 to %scan3A_9 step %scan3A_10 iter_args(%scan3A_119 = %scan3A_6) -> (i32)  : i32 {
      %mul3A = arith.constant 16 : i32
      %mul3A_120 = arith.muli %scan3A_118, %mul3A : i32
      %add3A = arith.constant 128 : i32
      %add3A_121 = arith.addi %add3A, %mul3A_120 : i32
      %add3A_122 = vector.broadcast %add3A_121 : i32 to vector<16xi32>
      %add3A_123 = arith.addi %add3A_122, %iota3A : vector<16xi32>
      %mul3A_124 = arith.constant 16 : i32
      %mul3A_125 = arith.muli %scan3A_118, %mul3A_124 : i32
      %swap3A = arith.constant 1 : i32
      %swap3A_126 = arith.index_cast %swap3A : i32 to index
      %swap3A_127 = arith.index_cast %mul3A_125 : i32 to index
      %swap3A_128 = tpu.vector_load %arg10[%swap3A_126, %swap3A_127] {strides = array<i32>} : memref<16x128xi32, #tpu.memory_space<vmem>>, vector<16xi32>,
      tpu.vector_store %arg10[%swap3A_126, %swap3A_127], %add3A_123 {strides = array<i32>} : memref<16x128xi32, #tpu.memory_space<vmem>>, vector<16xi32>,
      %mul3A_129 = arith.constant 16 : i32
      %mul3A_130 = arith.muli %scan3A_118, %mul3A_129 : i32
      %swap3A_131 = arith.constant 1 : i32
      %swap3A_132 = arith.index_cast %swap3A_131 : i32 to index
      %swap3A_133 = arith.index_cast %mul3A_130 : i32 to index
      %swap3A_134 = tpu.vector_load %arg11[%swap3A_132, %swap3A_133] {strides = array<i32>} : memref<16x128xi32, #tpu.memory_space<vmem>>, vector<16xi32>,
      tpu.vector_store %arg11[%swap3A_132, %swap3A_133], %add3A_123 {strides = array<i32>} : memref<16x128xi32, #tpu.memory_space<vmem>>, vector<16xi32>,
      %scan3A_135 = arith.constant 0 : i32
      scf.yield %scan3A_135 : i32
    }
    %scan3A_12 = arith.constant 8 : i32
    %scan3A_13 = arith.constant 0 : i32
    %scan3A_14 = arith.constant 0 : i32
    %scan3A_15 = arith.constant 8 : i32
    %scan3A_16 = arith.addi %scan3A_14, %scan3A_15 : i32
    %scan3A_17 = arith.constant 1 : i32
    %scan3A_18 = scf.for %scan3A_118 = %scan3A_14 to %scan3A_16 step %scan3A_17 iter_args(%scan3A_119 = %scan3A_13) -> (i32)  : i32 {
      %mul3A = arith.constant 16 : i32
      %mul3A_120 = arith.muli %scan3A_118, %mul3A : i32
      %add3A = arith.constant 256 : i32
      %add3A_121 = arith.addi %add3A, %mul3A_120 : i32
      %add3A_122 = vector.broadcast %add3A_121 : i32 to vector<16xi32>
      %add3A_123 = arith.addi %add3A_122, %iota3A : vector<16xi32>
      %mul3A_124 = arith.constant 16 : i32
      %mul3A_125 = arith.muli %scan3A_118, %mul3A_124 : i32
      %swap3A = arith.constant 2 : i32
      %swap3A_126 = arith.index_cast %swap3A : i32 to index
      %swap3A_127 = arith.index_cast %mul3A_125 : i32 to index
      %swap3A_128 = tpu.vector_load %arg10[%swap3A_126, %swap3A_127] {strides = array<i32>} : memref<16x128xi32, #tpu.memory_space<vmem>>, vector<16xi32>,
      tpu.vector_store %arg10[%swap3A_126, %swap3A_127], %add3A_123 {strides = array<i32>} : memref<16x128xi32, #tpu.memory_space<vmem>>, vector<16xi32>,
      %mul3A_129 = arith.constant 16 : i32
      %mul3A_130 = arith.muli %scan3A_118, %mul3A_129 : i32
      %swap3A_131 = arith.constant 2 : i32
      %swap3A_132 = arith.index_cast %swap3A_131 : i32 to index
      %swap3A_133 = arith.index_cast %mul3A_130 : i32 to index
      %swap3A_134 = tpu.vector_load %arg11[%swap3A_132, %swap3A_133] {strides = array<i32>} : memref<16x128xi32, #tpu.memory_space<vmem>>, vector<16xi32>,
      tpu.vector_store %arg11[%swap3A_132, %swap3A_133], %add3A_123 {strides = array<i32>} : memref<16x128xi32, #tpu.memory_space<vmem>>, vector<16xi32>,
      %scan3A_135 = arith.constant 0 : i32
      scf.yield %scan3A_135 : i32
    }
    %scan3A_19 = arith.constant 8 : i32
    %scan3A_20 = arith.constant 0 : i32
    %scan3A_21 = arith.constant 0 : i32
    %scan3A_22 = arith.constant 8 : i32
    %scan3A_23 = arith.addi %scan3A_21, %scan3A_22 : i32
    %scan3A_24 = arith.constant 1 : i32
    %scan3A_25 = scf.for %scan3A_118 = %scan3A_21 to %scan3A_23 step %scan3A_24 iter_args(%scan3A_119 = %scan3A_20) -> (i32)  : i32 {
      %mul3A = arith.constant 16 : i32
      %mul3A_120 = arith.muli %scan3A_118, %mul3A : i32
      %add3A = arith.constant 384 : i32
      %add3A_121 = arith.addi %add3A, %mul3A_120 : i32
      %add3A_122 = vector.broadcast %add3A_121 : i32 to vector<16xi32>
      %add3A_123 = arith.addi %add3A_122, %iota3A : vector<16xi32>
      %mul3A_124 = arith.constant 16 : i32
      %mul3A_125 = arith.muli %scan3A_118, %mul3A_124 : i32
      %swap3A = arith.constant 3 : i32
      %swap3A_126 = arith.index_cast %swap3A : i32 to index
      %swap3A_127 = arith.index_cast %mul3A_125 : i32 to index
      %swap3A_128 = tpu.vector_load %arg10[%swap3A_126, %swap3A_127] {strides = array<i32>} : memref<16x128xi32, #tpu.memory_space<vmem>>, vector<16xi32>,
      tpu.vector_store %arg10[%swap3A_126, %swap3A_127], %add3A_123 {strides = array<i32>} : memref<16x128xi32, #tpu.memory_space<vmem>>, vector<16xi32>,
      %mul3A_129 = arith.constant 16 : i32
      %mul3A_130 = arith.muli %scan3A_118, %mul3A_129 : i32
      %swap3A_131 = arith.constant 3 : i32
      %swap3A_132 = arith.index_cast %swap3A_131 : i32 to index
      %swap3A_133 = arith.index_cast %mul3A_130 : i32 to index
      %swap3A_134 = tpu.vector_load %arg11[%swap3A_132, %swap3A_133] {strides = array<i32>} : memref<16x128xi32, #tpu.memory_space<vmem>>, vector<16xi32>,
      tpu.vector_store %arg11[%swap3A_132, %swap3A_133], %add3A_123 {strides = array<i32>} : memref<16x128xi32, #tpu.memory_space<vmem>>, vector<16xi32>,
      %scan3A_135 = arith.constant 0 : i32
      scf.yield %scan3A_135 : i32
    }
    %scan3A_26 = arith.constant 8 : i32
    %scan3A_27 = arith.constant 0 : i32
    %scan3A_28 = arith.constant 0 : i32
    %scan3A_29 = arith.constant 8 : i32
    %scan3A_30 = arith.addi %scan3A_28, %scan3A_29 : i32
    %scan3A_31 = arith.constant 1 : i32
    %scan3A_32 = scf.for %scan3A_118 = %scan3A_28 to %scan3A_30 step %scan3A_31 iter_args(%scan3A_119 = %scan3A_27) -> (i32)  : i32 {
      %mul3A = arith.constant 16 : i32
      %mul3A_120 = arith.muli %scan3A_118, %mul3A : i32
      %add3A = arith.constant 512 : i32
      %add3A_121 = arith.addi %add3A, %mul3A_120 : i32
      %add3A_122 = vector.broadcast %add3A_121 : i32 to vector<16xi32>
      %add3A_123 = arith.addi %add3A_122, %iota3A : vector<16xi32>
      %mul3A_124 = arith.constant 16 : i32
      %mul3A_125 = arith.muli %scan3A_118, %mul3A_124 : i32
      %swap3A = arith.constant 4 : i32
      %swap3A_126 = arith.index_cast %swap3A : i32 to index
      %swap3A_127 = arith.index_cast %mul3A_125 : i32 to index
      %swap3A_128 = tpu.vector_load %arg10[%swap3A_126, %swap3A_127] {strides = array<i32>} : memref<16x128xi32, #tpu.memory_space<vmem>>, vector<16xi32>,
      tpu.vector_store %arg10[%swap3A_126, %swap3A_127], %add3A_123 {strides = array<i32>} : memref<16x128xi32, #tpu.memory_space<vmem>>, vector<16xi32>,
      %mul3A_129 = arith.constant 16 : i32
      %mul3A_130 = arith.muli %scan3A_118, %mul3A_129 : i32
      %swap3A_131 = arith.constant 4 : i32
      %swap3A_132 = arith.index_cast %swap3A_131 : i32 to index
      %swap3A_133 = arith.index_cast %mul3A_130 : i32 to index
      %swap3A_134 = tpu.vector_load %arg11[%swap3A_132, %swap3A_133] {strides = array<i32>} : memref<16x128xi32, #tpu.memory_space<vmem>>, vector<16xi32>,
      tpu.vector_store %arg11[%swap3A_132, %swap3A_133], %add3A_123 {strides = array<i32>} : memref<16x128xi32, #tpu.memory_space<vmem>>, vector<16xi32>,
      %scan3A_135 = arith.constant 0 : i32
      scf.yield %scan3A_135 : i32
    }
    %scan3A_33 = arith.constant 8 : i32
    %scan3A_34 = arith.constant 0 : i32
    %scan3A_35 = arith.constant 0 : i32
    %scan3A_36 = arith.constant 8 : i32
    %scan3A_37 = arith.addi %scan3A_35, %scan3A_36 : i32
    %scan3A_38 = arith.constant 1 : i32
    %scan3A_39 = scf.for %scan3A_118 = %scan3A_35 to %scan3A_37 step %scan3A_38 iter_args(%scan3A_119 = %scan3A_34) -> (i32)  : i32 {
      %mul3A = arith.constant 16 : i32
      %mul3A_120 = arith.muli %scan3A_118, %mul3A : i32
      %add3A = arith.constant 640 : i32
      %add3A_121 = arith.addi %add3A, %mul3A_120 : i32
      %add3A_122 = vector.broadcast %add3A_121 : i32 to vector<16xi32>
      %add3A_123 = arith.addi %add3A_122, %iota3A : vector<16xi32>
      %mul3A_124 = arith.constant 16 : i32
      %mul3A_125 = arith.muli %scan3A_118, %mul3A_124 : i32
      %swap3A = arith.constant 5 : i32
      %swap3A_126 = arith.index_cast %swap3A : i32 to index
      %swap3A_127 = arith.index_cast %mul3A_125 : i32 to index
      %swap3A_128 = tpu.vector_load %arg10[%swap3A_126, %swap3A_127] {strides = array<i32>} : memref<16x128xi32, #tpu.memory_space<vmem>>, vector<16xi32>,
      tpu.vector_store %arg10[%swap3A_126, %swap3A_127], %add3A_123 {strides = array<i32>} : memref<16x128xi32, #tpu.memory_space<vmem>>, vector<16xi32>,
      %mul3A_129 = arith.constant 16 : i32
      %mul3A_130 = arith.muli %scan3A_118, %mul3A_129 : i32
      %swap3A_131 = arith.constant 5 : i32
      %swap3A_132 = arith.index_cast %swap3A_131 : i32 to index
      %swap3A_133 = arith.index_cast %mul3A_130 : i32 to index
      %swap3A_134 = tpu.vector_load %arg11[%swap3A_132, %swap3A_133] {strides = array<i32>} : memref<16x128xi32, #tpu.memory_space<vmem>>, vector<16xi32>,
      tpu.vector_store %arg11[%swap3A_132, %swap3A_133], %add3A_123 {strides = array<i32>} : memref<16x128xi32, #tpu.memory_space<vmem>>, vector<16xi32>,
      %scan3A_135 = arith.constant 0 : i32
      scf.yield %scan3A_135 : i32
    }
    %scan3A_40 = arith.constant 8 : i32
    %scan3A_41 = arith.constant 0 : i32
    %scan3A_42 = arith.constant 0 : i32
    %scan3A_43 = arith.constant 8 : i32
    %scan3A_44 = arith.addi %scan3A_42, %scan3A_43 : i32
    %scan3A_45 = arith.constant 1 : i32
    %scan3A_46 = scf.for %scan3A_118 = %scan3A_42 to %scan3A_44 step %scan3A_45 iter_args(%scan3A_119 = %scan3A_41) -> (i32)  : i32 {
      %mul3A = arith.constant 16 : i32
      %mul3A_120 = arith.muli %scan3A_118, %mul3A : i32
      %add3A = arith.constant 768 : i32
      %add3A_121 = arith.addi %add3A, %mul3A_120 : i32
      %add3A_122 = vector.broadcast %add3A_121 : i32 to vector<16xi32>
      %add3A_123 = arith.addi %add3A_122, %iota3A : vector<16xi32>
      %mul3A_124 = arith.constant 16 : i32
      %mul3A_125 = arith.muli %scan3A_118, %mul3A_124 : i32
      %swap3A = arith.constant 6 : i32
      %swap3A_126 = arith.index_cast %swap3A : i32 to index
      %swap3A_127 = arith.index_cast %mul3A_125 : i32 to index
      %swap3A_128 = tpu.vector_load %arg10[%swap3A_126, %swap3A_127] {strides = array<i32>} : memref<16x128xi32, #tpu.memory_space<vmem>>, vector<16xi32>,
      tpu.vector_store %arg10[%swap3A_126, %swap3A_127], %add3A_123 {strides = array<i32>} : memref<16x128xi32, #tpu.memory_space<vmem>>, vector<16xi32>,
      %mul3A_129 = arith.constant 16 : i32
      %mul3A_130 = arith.muli %scan3A_118, %mul3A_129 : i32
      %swap3A_131 = arith.constant 6 : i32
      %swap3A_132 = arith.index_cast %swap3A_131 : i32 to index
      %swap3A_133 = arith.index_cast %mul3A_130 : i32 to index
      %swap3A_134 = tpu.vector_load %arg11[%swap3A_132, %swap3A_133] {strides = array<i32>} : memref<16x128xi32, #tpu.memory_space<vmem>>, vector<16xi32>,
      tpu.vector_store %arg11[%swap3A_132, %swap3A_133], %add3A_123 {strides = array<i32>} : memref<16x128xi32, #tpu.memory_space<vmem>>, vector<16xi32>,
      %scan3A_135 = arith.constant 0 : i32
      scf.yield %scan3A_135 : i32
    }
    %scan3A_47 = arith.constant 8 : i32
    %scan3A_48 = arith.constant 0 : i32
    %scan3A_49 = arith.constant 0 : i32
    %scan3A_50 = arith.constant 8 : i32
    %scan3A_51 = arith.addi %scan3A_49, %scan3A_50 : i32
    %scan3A_52 = arith.constant 1 : i32
    %scan3A_53 = scf.for %scan3A_118 = %scan3A_49 to %scan3A_51 step %scan3A_52 iter_args(%scan3A_119 = %scan3A_48) -> (i32)  : i32 {
      %mul3A = arith.constant 16 : i32
      %mul3A_120 = arith.muli %scan3A_118, %mul3A : i32
      %add3A = arith.constant 896 : i32
      %add3A_121 = arith.addi %add3A, %mul3A_120 : i32
      %add3A_122 = vector.broadcast %add3A_121 : i32 to vector<16xi32>
      %add3A_123 = arith.addi %add3A_122, %iota3A : vector<16xi32>
      %mul3A_124 = arith.constant 16 : i32
      %mul3A_125 = arith.muli %scan3A_118, %mul3A_124 : i32
      %swap3A = arith.constant 7 : i32
      %swap3A_126 = arith.index_cast %swap3A : i32 to index
      %swap3A_127 = arith.index_cast %mul3A_125 : i32 to index
      %swap3A_128 = tpu.vector_load %arg10[%swap3A_126, %swap3A_127] {strides = array<i32>} : memref<16x128xi32, #tpu.memory_space<vmem>>, vector<16xi32>,
      tpu.vector_store %arg10[%swap3A_126, %swap3A_127], %add3A_123 {strides = array<i32>} : memref<16x128xi32, #tpu.memory_space<vmem>>, vector<16xi32>,
      %mul3A_129 = arith.constant 16 : i32
      %mul3A_130 = arith.muli %scan3A_118, %mul3A_129 : i32
      %swap3A_131 = arith.constant 7 : i32
      %swap3A_132 = arith.index_cast %swap3A_131 : i32 to index
      %swap3A_133 = arith.index_cast %mul3A_130 : i32 to index
      %swap3A_134 = tpu.vector_load %arg11[%swap3A_132, %swap3A_133] {strides = array<i32>} : memref<16x128xi32, #tpu.memory_space<vmem>>, vector<16xi32>,
      tpu.vector_store %arg11[%swap3A_132, %swap3A_133], %add3A_123 {strides = array<i32>} : memref<16x128xi32, #tpu.memory_space<vmem>>, vector<16xi32>,
      %scan3A_135 = arith.constant 0 : i32
      scf.yield %scan3A_135 : i32
    }
    %scan3A_54 = arith.constant 8 : i32
    %scan3A_55 = arith.constant 0 : i32
    %scan3A_56 = arith.constant 0 : i32
    %scan3A_57 = arith.constant 8 : i32
    %scan3A_58 = arith.addi %scan3A_56, %scan3A_57 : i32
    %scan3A_59 = arith.constant 1 : i32
    %scan3A_60 = scf.for %scan3A_118 = %scan3A_56 to %scan3A_58 step %scan3A_59 iter_args(%scan3A_119 = %scan3A_55) -> (i32)  : i32 {
      %mul3A = arith.constant 16 : i32
      %mul3A_120 = arith.muli %scan3A_118, %mul3A : i32
      %add3A = arith.constant 1024 : i32
      %add3A_121 = arith.addi %add3A, %mul3A_120 : i32
      %add3A_122 = vector.broadcast %add3A_121 : i32 to vector<16xi32>
      %add3A_123 = arith.addi %add3A_122, %iota3A : vector<16xi32>
      %mul3A_124 = arith.constant 16 : i32
      %mul3A_125 = arith.muli %scan3A_118, %mul3A_124 : i32
      %swap3A = arith.constant 8 : i32
      %swap3A_126 = arith.index_cast %swap3A : i32 to index
      %swap3A_127 = arith.index_cast %mul3A_125 : i32 to index
      %swap3A_128 = tpu.vector_load %arg10[%swap3A_126, %swap3A_127] {strides = array<i32>} : memref<16x128xi32, #tpu.memory_space<vmem>>, vector<16xi32>,
      tpu.vector_store %arg10[%swap3A_126, %swap3A_127], %add3A_123 {strides = array<i32>} : memref<16x128xi32, #tpu.memory_space<vmem>>, vector<16xi32>,
      %mul3A_129 = arith.constant 16 : i32
      %mul3A_130 = arith.muli %scan3A_118, %mul3A_129 : i32
      %swap3A_131 = arith.constant 8 : i32
      %swap3A_132 = arith.index_cast %swap3A_131 : i32 to index
      %swap3A_133 = arith.index_cast %mul3A_130 : i32 to index
      %swap3A_134 = tpu.vector_load %arg11[%swap3A_132, %swap3A_133] {strides = array<i32>} : memref<16x128xi32, #tpu.memory_space<vmem>>, vector<16xi32>,
      tpu.vector_store %arg11[%swap3A_132, %swap3A_133], %add3A_123 {strides = array<i32>} : memref<16x128xi32, #tpu.memory_space<vmem>>, vector<16xi32>,
      %scan3A_135 = arith.constant 0 : i32
      scf.yield %scan3A_135 : i32
    }
    %scan3A_61 = arith.constant 8 : i32
    %scan3A_62 = arith.constant 0 : i32
    %scan3A_63 = arith.constant 0 : i32
    %scan3A_64 = arith.constant 8 : i32
    %scan3A_65 = arith.addi %scan3A_63, %scan3A_64 : i32
    %scan3A_66 = arith.constant 1 : i32
    %scan3A_67 = scf.for %scan3A_118 = %scan3A_63 to %scan3A_65 step %scan3A_66 iter_args(%scan3A_119 = %scan3A_62) -> (i32)  : i32 {
      %mul3A = arith.constant 16 : i32
      %mul3A_120 = arith.muli %scan3A_118, %mul3A : i32
      %add3A = arith.constant 1152 : i32
      %add3A_121 = arith.addi %add3A, %mul3A_120 : i32
      %add3A_122 = vector.broadcast %add3A_121 : i32 to vector<16xi32>
      %add3A_123 = arith.addi %add3A_122, %iota3A : vector<16xi32>
      %mul3A_124 = arith.constant 16 : i32
      %mul3A_125 = arith.muli %scan3A_118, %mul3A_124 : i32
      %swap3A = arith.constant 9 : i32
      %swap3A_126 = arith.index_cast %swap3A : i32 to index
      %swap3A_127 = arith.index_cast %mul3A_125 : i32 to index
      %swap3A_128 = tpu.vector_load %arg10[%swap3A_126, %swap3A_127] {strides = array<i32>} : memref<16x128xi32, #tpu.memory_space<vmem>>, vector<16xi32>,
      tpu.vector_store %arg10[%swap3A_126, %swap3A_127], %add3A_123 {strides = array<i32>} : memref<16x128xi32, #tpu.memory_space<vmem>>, vector<16xi32>,
      %mul3A_129 = arith.constant 16 : i32
      %mul3A_130 = arith.muli %scan3A_118, %mul3A_129 : i32
      %swap3A_131 = arith.constant 9 : i32
      %swap3A_132 = arith.index_cast %swap3A_131 : i32 to index
      %swap3A_133 = arith.index_cast %mul3A_130 : i32 to index
      %swap3A_134 = tpu.vector_load %arg11[%swap3A_132, %swap3A_133] {strides = array<i32>} : memref<16x128xi32, #tpu.memory_space<vmem>>, vector<16xi32>,
      tpu.vector_store %arg11[%swap3A_132, %swap3A_133], %add3A_123 {strides = array<i32>} : memref<16x128xi32, #tpu.memory_space<vmem>>, vector<16xi32>,
      %scan3A_135 = arith.constant 0 : i32
      scf.yield %scan3A_135 : i32
    }
    %scan3A_68 = arith.constant 8 : i32
    %scan3A_69 = arith.constant 0 : i32
    %scan3A_70 = arith.constant 0 : i32
    %scan3A_71 = arith.constant 8 : i32
    %scan3A_72 = arith.addi %scan3A_70, %scan3A_71 : i32
    %scan3A_73 = arith.constant 1 : i32
    %scan3A_74 = scf.for %scan3A_118 = %scan3A_70 to %scan3A_72 step %scan3A_73 iter_args(%scan3A_119 = %scan3A_69) -> (i32)  : i32 {
      %mul3A = arith.constant 16 : i32
      %mul3A_120 = arith.muli %scan3A_118, %mul3A : i32
      %add3A = arith.constant 1280 : i32
      %add3A_121 = arith.addi %add3A, %mul3A_120 : i32
      %add3A_122 = vector.broadcast %add3A_121 : i32 to vector<16xi32>
      %add3A_123 = arith.addi %add3A_122, %iota3A : vector<16xi32>
      %mul3A_124 = arith.constant 16 : i32
      %mul3A_125 = arith.muli %scan3A_118, %mul3A_124 : i32
      %swap3A = arith.constant 10 : i32
      %swap3A_126 = arith.index_cast %swap3A : i32 to index
      %swap3A_127 = arith.index_cast %mul3A_125 : i32 to index
      %swap3A_128 = tpu.vector_load %arg10[%swap3A_126, %swap3A_127] {strides = array<i32>} : memref<16x128xi32, #tpu.memory_space<vmem>>, vector<16xi32>,
      tpu.vector_store %arg10[%swap3A_126, %swap3A_127], %add3A_123 {strides = array<i32>} : memref<16x128xi32, #tpu.memory_space<vmem>>, vector<16xi32>,
      %mul3A_129 = arith.constant 16 : i32
      %mul3A_130 = arith.muli %scan3A_118, %mul3A_129 : i32
      %swap3A_131 = arith.constant 10 : i32
      %swap3A_132 = arith.index_cast %swap3A_131 : i32 to index
      %swap3A_133 = arith.index_cast %mul3A_130 : i32 to index
      %swap3A_134 = tpu.vector_load %arg11[%swap3A_132, %swap3A_133] {strides = array<i32>} : memref<16x128xi32, #tpu.memory_space<vmem>>, vector<16xi32>,
      tpu.vector_store %arg11[%swap3A_132, %swap3A_133], %add3A_123 {strides = array<i32>} : memref<16x128xi32, #tpu.memory_space<vmem>>, vector<16xi32>,
      %scan3A_135 = arith.constant 0 : i32
      scf.yield %scan3A_135 : i32
    }
    %scan3A_75 = arith.constant 8 : i32
    %scan3A_76 = arith.constant 0 : i32
    %scan3A_77 = arith.constant 0 : i32
    %scan3A_78 = arith.constant 8 : i32
    %scan3A_79 = arith.addi %scan3A_77, %scan3A_78 : i32
    %scan3A_80 = arith.constant 1 : i32
    %scan3A_81 = scf.for %scan3A_118 = %scan3A_77 to %scan3A_79 step %scan3A_80 iter_args(%scan3A_119 = %scan3A_76) -> (i32)  : i32 {
      %mul3A = arith.constant 16 : i32
      %mul3A_120 = arith.muli %scan3A_118, %mul3A : i32
      %add3A = arith.constant 1408 : i32
      %add3A_121 = arith.addi %add3A, %mul3A_120 : i32
      %add3A_122 = vector.broadcast %add3A_121 : i32 to vector<16xi32>
      %add3A_123 = arith.addi %add3A_122, %iota3A : vector<16xi32>
      %mul3A_124 = arith.constant 16 : i32
      %mul3A_125 = arith.muli %scan3A_118, %mul3A_124 : i32
      %swap3A = arith.constant 11 : i32
      %swap3A_126 = arith.index_cast %swap3A : i32 to index
      %swap3A_127 = arith.index_cast %mul3A_125 : i32 to index
      %swap3A_128 = tpu.vector_load %arg10[%swap3A_126, %swap3A_127] {strides = array<i32>} : memref<16x128xi32, #tpu.memory_space<vmem>>, vector<16xi32>,
      tpu.vector_store %arg10[%swap3A_126, %swap3A_127], %add3A_123 {strides = array<i32>} : memref<16x128xi32, #tpu.memory_space<vmem>>, vector<16xi32>,
      %mul3A_129 = arith.constant 16 : i32
      %mul3A_130 = arith.muli %scan3A_118, %mul3A_129 : i32
      %swap3A_131 = arith.constant 11 : i32
      %swap3A_132 = arith.index_cast %swap3A_131 : i32 to index
      %swap3A_133 = arith.index_cast %mul3A_130 : i32 to index
      %swap3A_134 = tpu.vector_load %arg11[%swap3A_132, %swap3A_133] {strides = array<i32>} : memref<16x128xi32, #tpu.memory_space<vmem>>, vector<16xi32>,
      tpu.vector_store %arg11[%swap3A_132, %swap3A_133], %add3A_123 {strides = array<i32>} : memref<16x128xi32, #tpu.memory_space<vmem>>, vector<16xi32>,
      %scan3A_135 = arith.constant 0 : i32
      scf.yield %scan3A_135 : i32
    }
    %scan3A_82 = arith.constant 8 : i32
    %scan3A_83 = arith.constant 0 : i32
    %scan3A_84 = arith.constant 0 : i32
    %scan3A_85 = arith.constant 8 : i32
    %scan3A_86 = arith.addi %scan3A_84, %scan3A_85 : i32
    %scan3A_87 = arith.constant 1 : i32
    %scan3A_88 = scf.for %scan3A_118 = %scan3A_84 to %scan3A_86 step %scan3A_87 iter_args(%scan3A_119 = %scan3A_83) -> (i32)  : i32 {
      %mul3A = arith.constant 16 : i32
      %mul3A_120 = arith.muli %scan3A_118, %mul3A : i32
      %add3A = arith.constant 1536 : i32
      %add3A_121 = arith.addi %add3A, %mul3A_120 : i32
      %add3A_122 = vector.broadcast %add3A_121 : i32 to vector<16xi32>
      %add3A_123 = arith.addi %add3A_122, %iota3A : vector<16xi32>
      %mul3A_124 = arith.constant 16 : i32
      %mul3A_125 = arith.muli %scan3A_118, %mul3A_124 : i32
      %swap3A = arith.constant 12 : i32
      %swap3A_126 = arith.index_cast %swap3A : i32 to index
      %swap3A_127 = arith.index_cast %mul3A_125 : i32 to index
      %swap3A_128 = tpu.vector_load %arg10[%swap3A_126, %swap3A_127] {strides = array<i32>} : memref<16x128xi32, #tpu.memory_space<vmem>>, vector<16xi32>,
      tpu.vector_store %arg10[%swap3A_126, %swap3A_127], %add3A_123 {strides = array<i32>} : memref<16x128xi32, #tpu.memory_space<vmem>>, vector<16xi32>,
      %mul3A_129 = arith.constant 16 : i32
      %mul3A_130 = arith.muli %scan3A_118, %mul3A_129 : i32
      %swap3A_131 = arith.constant 12 : i32
      %swap3A_132 = arith.index_cast %swap3A_131 : i32 to index
      %swap3A_133 = arith.index_cast %mul3A_130 : i32 to index
      %swap3A_134 = tpu.vector_load %arg11[%swap3A_132, %swap3A_133] {strides = array<i32>} : memref<16x128xi32, #tpu.memory_space<vmem>>, vector<16xi32>,
      tpu.vector_store %arg11[%swap3A_132, %swap3A_133], %add3A_123 {strides = array<i32>} : memref<16x128xi32, #tpu.memory_space<vmem>>, vector<16xi32>,
      %scan3A_135 = arith.constant 0 : i32
      scf.yield %scan3A_135 : i32
    }
    %scan3A_89 = arith.constant 8 : i32
    %scan3A_90 = arith.constant 0 : i32
    %scan3A_91 = arith.constant 0 : i32
    %scan3A_92 = arith.constant 8 : i32
    %scan3A_93 = arith.addi %scan3A_91, %scan3A_92 : i32
    %scan3A_94 = arith.constant 1 : i32
    %scan3A_95 = scf.for %scan3A_118 = %scan3A_91 to %scan3A_93 step %scan3A_94 iter_args(%scan3A_119 = %scan3A_90) -> (i32)  : i32 {
      %mul3A = arith.constant 16 : i32
      %mul3A_120 = arith.muli %scan3A_118, %mul3A : i32
      %add3A = arith.constant 1664 : i32
      %add3A_121 = arith.addi %add3A, %mul3A_120 : i32
      %add3A_122 = vector.broadcast %add3A_121 : i32 to vector<16xi32>
      %add3A_123 = arith.addi %add3A_122, %iota3A : vector<16xi32>
      %mul3A_124 = arith.constant 16 : i32
      %mul3A_125 = arith.muli %scan3A_118, %mul3A_124 : i32
      %swap3A = arith.constant 13 : i32
      %swap3A_126 = arith.index_cast %swap3A : i32 to index
      %swap3A_127 = arith.index_cast %mul3A_125 : i32 to index
      %swap3A_128 = tpu.vector_load %arg10[%swap3A_126, %swap3A_127] {strides = array<i32>} : memref<16x128xi32, #tpu.memory_space<vmem>>, vector<16xi32>,
      tpu.vector_store %arg10[%swap3A_126, %swap3A_127], %add3A_123 {strides = array<i32>} : memref<16x128xi32, #tpu.memory_space<vmem>>, vector<16xi32>,
      %mul3A_129 = arith.constant 16 : i32
      %mul3A_130 = arith.muli %scan3A_118, %mul3A_129 : i32
      %swap3A_131 = arith.constant 13 : i32
      %swap3A_132 = arith.index_cast %swap3A_131 : i32 to index
      %swap3A_133 = arith.index_cast %mul3A_130 : i32 to index
      %swap3A_134 = tpu.vector_load %arg11[%swap3A_132, %swap3A_133] {strides = array<i32>} : memref<16x128xi32, #tpu.memory_space<vmem>>, vector<16xi32>,
      tpu.vector_store %arg11[%swap3A_132, %swap3A_133], %add3A_123 {strides = array<i32>} : memref<16x128xi32, #tpu.memory_space<vmem>>, vector<16xi32>,
      %scan3A_135 = arith.constant 0 : i32
      scf.yield %scan3A_135 : i32
    }
    %scan3A_96 = arith.constant 8 : i32
    %scan3A_97 = arith.constant 0 : i32
    %scan3A_98 = arith.constant 0 : i32
    %scan3A_99 = arith.constant 8 : i32
    %scan3A_100 = arith.addi %scan3A_98, %scan3A_99 : i32
    %scan3A_101 = arith.constant 1 : i32
    %scan3A_102 = scf.for %scan3A_118 = %scan3A_98 to %scan3A_100 step %scan3A_101 iter_args(%scan3A_119 = %scan3A_97) -> (i32)  : i32 {
      %mul3A = arith.constant 16 : i32
      %mul3A_120 = arith.muli %scan3A_118, %mul3A : i32
      %add3A = arith.constant 1792 : i32
      %add3A_121 = arith.addi %add3A, %mul3A_120 : i32
      %add3A_122 = vector.broadcast %add3A_121 : i32 to vector<16xi32>
      %add3A_123 = arith.addi %add3A_122, %iota3A : vector<16xi32>
      %mul3A_124 = arith.constant 16 : i32
      %mul3A_125 = arith.muli %scan3A_118, %mul3A_124 : i32
      %swap3A = arith.constant 14 : i32
      %swap3A_126 = arith.index_cast %swap3A : i32 to index
      %swap3A_127 = arith.index_cast %mul3A_125 : i32 to index
      %swap3A_128 = tpu.vector_load %arg10[%swap3A_126, %swap3A_127] {strides = array<i32>} : memref<16x128xi32, #tpu.memory_space<vmem>>, vector<16xi32>,
      tpu.vector_store %arg10[%swap3A_126, %swap3A_127], %add3A_123 {strides = array<i32>} : memref<16x128xi32, #tpu.memory_space<vmem>>, vector<16xi32>,
      %mul3A_129 = arith.constant 16 : i32
      %mul3A_130 = arith.muli %scan3A_118, %mul3A_129 : i32
      %swap3A_131 = arith.constant 14 : i32
      %swap3A_132 = arith.index_cast %swap3A_131 : i32 to index
      %swap3A_133 = arith.index_cast %mul3A_130 : i32 to index
      %swap3A_134 = tpu.vector_load %arg11[%swap3A_132, %swap3A_133] {strides = array<i32>} : memref<16x128xi32, #tpu.memory_space<vmem>>, vector<16xi32>,
      tpu.vector_store %arg11[%swap3A_132, %swap3A_133], %add3A_123 {strides = array<i32>} : memref<16x128xi32, #tpu.memory_space<vmem>>, vector<16xi32>,
      %scan3A_135 = arith.constant 0 : i32
      scf.yield %scan3A_135 : i32
    }
    %scan3A_103 = arith.constant 8 : i32
    %scan3A_104 = arith.constant 0 : i32
    %scan3A_105 = arith.constant 0 : i32
    %scan3A_106 = arith.constant 8 : i32
    %scan3A_107 = arith.addi %scan3A_105, %scan3A_106 : i32
    %scan3A_108 = arith.constant 1 : i32
    %scan3A_109 = scf.for %scan3A_118 = %scan3A_105 to %scan3A_107 step %scan3A_108 iter_args(%scan3A_119 = %scan3A_104) -> (i32)  : i32 {
      %mul3A = arith.constant 16 : i32
      %mul3A_120 = arith.muli %scan3A_118, %mul3A : i32
      %add3A = arith.constant 1920 : i32
      %add3A_121 = arith.addi %add3A, %mul3A_120 : i32
      %add3A_122 = vector.broadcast %add3A_121 : i32 to vector<16xi32>
      %add3A_123 = arith.addi %add3A_122, %iota3A : vector<16xi32>
      %mul3A_124 = arith.constant 16 : i32
      %mul3A_125 = arith.muli %scan3A_118, %mul3A_124 : i32
      %swap3A = arith.constant 15 : i32
      %swap3A_126 = arith.index_cast %swap3A : i32 to index
      %swap3A_127 = arith.index_cast %mul3A_125 : i32 to index
      %swap3A_128 = tpu.vector_load %arg10[%swap3A_126, %swap3A_127] {strides = array<i32>} : memref<16x128xi32, #tpu.memory_space<vmem>>, vector<16xi32>,
      tpu.vector_store %arg10[%swap3A_126, %swap3A_127], %add3A_123 {strides = array<i32>} : memref<16x128xi32, #tpu.memory_space<vmem>>, vector<16xi32>,
      %mul3A_129 = arith.constant 16 : i32
      %mul3A_130 = arith.muli %scan3A_118, %mul3A_129 : i32
      %swap3A_131 = arith.constant 15 : i32
      %swap3A_132 = arith.index_cast %swap3A_131 : i32 to index
      %swap3A_133 = arith.index_cast %mul3A_130 : i32 to index
      %swap3A_134 = tpu.vector_load %arg11[%swap3A_132, %swap3A_133] {strides = array<i32>} : memref<16x128xi32, #tpu.memory_space<vmem>>, vector<16xi32>,
      tpu.vector_store %arg11[%swap3A_132, %swap3A_133], %add3A_123 {strides = array<i32>} : memref<16x128xi32, #tpu.memory_space<vmem>>, vector<16xi32>,
      %scan3A_135 = arith.constant 0 : i32
      scf.yield %scan3A_135 : i32
    }
    %scan3A_110 = arith.constant 8 : i32
    %scan3A_111 = arith.constant 0 : i32
    %scan3A_112 = arith.constant 0 : i32
    %scan3A_113 = arith.constant 8 : i32
    %scan3A_114 = arith.addi %scan3A_112, %scan3A_113 : i32
    %scan3A_115 = arith.constant 1 : i32
    %scan3A_116 = scf.for %scan3A_118 = %scan3A_112 to %scan3A_114 step %scan3A_115 iter_args(%scan3A_119 = %scan3A_111) -> (i32)  : i32 {
      %mul3A = arith.constant 8 : i32
      %mul3A_120 = arith.muli %arg0, %mul3A : i32
      %add3A = arith.addi %mul3A_120, %scan3A_118 : i32
      %mul3A_121 = arith.constant 20000 : i32
      %mul3A_122 = arith.muli %add3A, %mul3A_121 : i32
      %mul3A_123 = arith.constant 1250 : i32
      %mul3A_124 = arith.muli %arg1, %mul3A_123 : i32
      %mul3A_125 = arith.constant 80000 : i32
      %mul3A_126 = arith.muli %arg1, %mul3A_125 : i32
      %scan3A_127 = arith.constant 0 : i32
      %scan3A_128 = arith.constant 0 : i32
      %scan3A_129 = arith.constant 125 : i32
      %scan3A_130 = arith.addi %scan3A_128, %scan3A_129 : i32
      %scan3A_131 = arith.constant 1 : i32
      %scan3A_132 = scf.for %scan3A_324 = %scan3A_128 to %scan3A_130 step %scan3A_131 iter_args(%scan3A_325 = %scan3A_127) -> (i32)  : i32 {
        %broadcast_in_dim3A_326 = arith.constant 0.000000e+00 : f32
        %broadcast_in_dim3A_327 = vector.broadcast %broadcast_in_dim3A_326 : f32 to vector<16xf32>
        %swap3A = arith.index_cast %scan3A_324 : i32 to index
        %swap3A_328 = arith.constant 0 : index
        %swap3A_329 = tpu.vector_load %arg14[%swap3A, %swap3A_328] {strides = array<i32>} : memref<128x64xf32, #tpu.memory_space<vmem>>, vector<16xf32>,
        tpu.vector_store %arg14[%swap3A, %swap3A_328], %broadcast_in_dim3A_327 {strides = array<i32>} : memref<128x64xf32, #tpu.memory_space<vmem>>, vector<16xf32>,
        %broadcast_in_dim3A_330 = arith.constant 0.000000e+00 : f32
        %broadcast_in_dim3A_331 = vector.broadcast %broadcast_in_dim3A_330 : f32 to vector<16xf32>
        %swap3A_332 = arith.index_cast %scan3A_324 : i32 to index
        %swap3A_333 = arith.constant 16 : index
        %swap3A_334 = tpu.vector_load %arg14[%swap3A_332, %swap3A_333] {strides = array<i32>} : memref<128x64xf32, #tpu.memory_space<vmem>>, vector<16xf32>,
        tpu.vector_store %arg14[%swap3A_332, %swap3A_333], %broadcast_in_dim3A_331 {strides = array<i32>} : memref<128x64xf32, #tpu.memory_space<vmem>>, vector<16xf32>,
        %broadcast_in_dim3A_335 = arith.constant 0.000000e+00 : f32
        %broadcast_in_dim3A_336 = vector.broadcast %broadcast_in_dim3A_335 : f32 to vector<16xf32>
        %swap3A_337 = arith.index_cast %scan3A_324 : i32 to index
        %swap3A_338 = arith.constant 32 : index
        %swap3A_339 = tpu.vector_load %arg14[%swap3A_337, %swap3A_338] {strides = array<i32>} : memref<128x64xf32, #tpu.memory_space<vmem>>, vector<16xf32>,
        tpu.vector_store %arg14[%swap3A_337, %swap3A_338], %broadcast_in_dim3A_336 {strides = array<i32>} : memref<128x64xf32, #tpu.memory_space<vmem>>, vector<16xf32>,
        %broadcast_in_dim3A_340 = arith.constant 0.000000e+00 : f32
        %broadcast_in_dim3A_341 = vector.broadcast %broadcast_in_dim3A_340 : f32 to vector<16xf32>
        %swap3A_342 = arith.index_cast %scan3A_324 : i32 to index
        %swap3A_343 = arith.constant 48 : index
        %swap3A_344 = tpu.vector_load %arg14[%swap3A_342, %swap3A_343] {strides = array<i32>} : memref<128x64xf32, #tpu.memory_space<vmem>>, vector<16xf32>,
        tpu.vector_store %arg14[%swap3A_342, %swap3A_343], %broadcast_in_dim3A_341 {strides = array<i32>} : memref<128x64xf32, #tpu.memory_space<vmem>>, vector<16xf32>,
        %scan3A_345 = arith.constant 0 : i32
        scf.yield %scan3A_345 : i32
      }
      %scan3A_133 = arith.constant 125 : i32
      %add3A_134 = arith.constant 0 : i32
      %add3A_135 = arith.addi %mul3A_124, %add3A_134 : i32
      "tpu.region"() ({
        %run_scoped3A_324 = tpu.sem_alloc : memref<!tpu.dma_semaphore, #tpu.memory_space<semaphore_mem>>
        %dma_start3A_325 = arith.constant 0 : i32
        %dma_start3A_326 = arith.constant 0 : i32
        %dma_start3A_327 = tpu.memref_slice %arg14[%dma_start3A_325, %dma_start3A_326] : memref<128x64xf32, #tpu.memory_space<vmem>> -> memref<125x64xf32, #tpu.memory_space<vmem>>
        %dma_start3A_328 = arith.constant 0 : i32
        %dma_start3A_329 = tpu.memref_slice %arg15[%add3A_135, %dma_start3A_328] : memref<20016x64xf32, #tpu.memory_space<vmem_shared>> -> memref<125x64xf32, #tpu.memory_space<vmem_shared>>
        %dma_start3A_330 = arith.constant 0 : i32
        %dma_start3A_331 = tpu.memref_slice %arg15[%add3A_135, %dma_start3A_330] : memref<20016x64xf32, #tpu.memory_space<vmem_shared>> -> memref<125x64xf32, #tpu.memory_space<vmem_shared>>
        %dma_start3A_332 = arith.constant 0 : i32
        %dma_start3A_333 = arith.constant 0 : i32
        %dma_start3A_334 = tpu.memref_slice %arg14[%dma_start3A_332, %dma_start3A_333] : memref<128x64xf32, #tpu.memory_space<vmem>> -> memref<125x64xf32, #tpu.memory_space<vmem>>
        tpu.enqueue_dma source(%dma_start3A_334 : memref<125x64xf32, #tpu.memory_space<vmem>>) target(%dma_start3A_331 : memref<125x64xf32, #tpu.memory_space<vmem_shared>>) target_semaphore(%run_scoped3A_324 : memref<!tpu.dma_semaphore, #tpu.memory_space<semaphore_mem>>)
        %dma_wait3A_335 = arith.constant 0 : i32
        %dma_wait3A_336 = arith.constant 0 : i32
        %dma_wait3A_337 = tpu.memref_slice %arg14[%dma_wait3A_335, %dma_wait3A_336] : memref<128x64xf32, #tpu.memory_space<vmem>> -> memref<125x64xf32, #tpu.memory_space<vmem>>
        %dma_wait3A_338 = arith.constant 0 : i32
        %dma_wait3A_339 = tpu.memref_slice %arg15[%add3A_135, %dma_wait3A_338] : memref<20016x64xf32, #tpu.memory_space<vmem_shared>> -> memref<125x64xf32, #tpu.memory_space<vmem_shared>>
        %dma_wait3A_340 = arith.constant 0 : i32
        %dma_wait3A_341 = tpu.memref_slice %arg15[%add3A_135, %dma_wait3A_340] : memref<20016x64xf32, #tpu.memory_space<vmem_shared>> -> memref<125x64xf32, #tpu.memory_space<vmem_shared>>
        %dma_wait3A_342 = arith.constant 0 : i32
        %dma_wait3A_343 = arith.constant 0 : i32
        %dma_wait3A_344 = tpu.memref_slice %arg14[%dma_wait3A_342, %dma_wait3A_343] : memref<128x64xf32, #tpu.memory_space<vmem>> -> memref<125x64xf32, #tpu.memory_space<vmem>>
        tpu.wait_dma2 semaphore(%run_scoped3A_324 : memref<!tpu.dma_semaphore, #tpu.memory_space<semaphore_mem>>) src(%dma_wait3A_344 : memref<125x64xf32, #tpu.memory_space<vmem>>) dst(%dma_wait3A_341 : memref<125x64xf32, #tpu.memory_space<vmem_shared>>)
        tpu.yield
      }) : () -> ()
      %add3A_136 = arith.constant 125 : i32
      %add3A_137 = arith.addi %mul3A_124, %add3A_136 : i32
      "tpu.region"() ({
        %run_scoped3A_324 = tpu.sem_alloc : memref<!tpu.dma_semaphore, #tpu.memory_space<semaphore_mem>>
        %dma_start3A_325 = arith.constant 0 : i32
        %dma_start3A_326 = arith.constant 0 : i32
        %dma_start3A_327 = tpu.memref_slice %arg14[%dma_start3A_325, %dma_start3A_326] : memref<128x64xf32, #tpu.memory_space<vmem>> -> memref<125x64xf32, #tpu.memory_space<vmem>>
        %dma_start3A_328 = arith.constant 0 : i32
        %dma_start3A_329 = tpu.memref_slice %arg15[%add3A_137, %dma_start3A_328] : memref<20016x64xf32, #tpu.memory_space<vmem_shared>> -> memref<125x64xf32, #tpu.memory_space<vmem_shared>>
        %dma_start3A_330 = arith.constant 0 : i32
        %dma_start3A_331 = tpu.memref_slice %arg15[%add3A_137, %dma_start3A_330] : memref<20016x64xf32, #tpu.memory_space<vmem_shared>> -> memref<125x64xf32, #tpu.memory_space<vmem_shared>>
        %dma_start3A_332 = arith.constant 0 : i32
        %dma_start3A_333 = arith.constant 0 : i32
        %dma_start3A_334 = tpu.memref_slice %arg14[%dma_start3A_332, %dma_start3A_333] : memref<128x64xf32, #tpu.memory_space<vmem>> -> memref<125x64xf32, #tpu.memory_space<vmem>>
        tpu.enqueue_dma source(%dma_start3A_334 : memref<125x64xf32, #tpu.memory_space<vmem>>) target(%dma_start3A_331 : memref<125x64xf32, #tpu.memory_space<vmem_shared>>) target_semaphore(%run_scoped3A_324 : memref<!tpu.dma_semaphore, #tpu.memory_space<semaphore_mem>>)
        %dma_wait3A_335 = arith.constant 0 : i32
        %dma_wait3A_336 = arith.constant 0 : i32
        %dma_wait3A_337 = tpu.memref_slice %arg14[%dma_wait3A_335, %dma_wait3A_336] : memref<128x64xf32, #tpu.memory_space<vmem>> -> memref<125x64xf32, #tpu.memory_space<vmem>>
        %dma_wait3A_338 = arith.constant 0 : i32
        %dma_wait3A_339 = tpu.memref_slice %arg15[%add3A_137, %dma_wait3A_338] : memref<20016x64xf32, #tpu.memory_space<vmem_shared>> -> memref<125x64xf32, #tpu.memory_space<vmem_shared>>
        %dma_wait3A_340 = arith.constant 0 : i32
        %dma_wait3A_341 = tpu.memref_slice %arg15[%add3A_137, %dma_wait3A_340] : memref<20016x64xf32, #tpu.memory_space<vmem_shared>> -> memref<125x64xf32, #tpu.memory_space<vmem_shared>>
        %dma_wait3A_342 = arith.constant 0 : i32
        %dma_wait3A_343 = arith.constant 0 : i32
        %dma_wait3A_344 = tpu.memref_slice %arg14[%dma_wait3A_342, %dma_wait3A_343] : memref<128x64xf32, #tpu.memory_space<vmem>> -> memref<125x64xf32, #tpu.memory_space<vmem>>
        tpu.wait_dma2 semaphore(%run_scoped3A_324 : memref<!tpu.dma_semaphore, #tpu.memory_space<semaphore_mem>>) src(%dma_wait3A_344 : memref<125x64xf32, #tpu.memory_space<vmem>>) dst(%dma_wait3A_341 : memref<125x64xf32, #tpu.memory_space<vmem_shared>>)
        tpu.yield
      }) : () -> ()
      %add3A_138 = arith.constant 250 : i32
      %add3A_139 = arith.addi %mul3A_124, %add3A_138 : i32
      "tpu.region"() ({
        %run_scoped3A_324 = tpu.sem_alloc : memref<!tpu.dma_semaphore, #tpu.memory_space<semaphore_mem>>
        %dma_start3A_325 = arith.constant 0 : i32
        %dma_start3A_326 = arith.constant 0 : i32
        %dma_start3A_327 = tpu.memref_slice %arg14[%dma_start3A_325, %dma_start3A_326] : memref<128x64xf32, #tpu.memory_space<vmem>> -> memref<125x64xf32, #tpu.memory_space<vmem>>
        %dma_start3A_328 = arith.constant 0 : i32
        %dma_start3A_329 = tpu.memref_slice %arg15[%add3A_139, %dma_start3A_328] : memref<20016x64xf32, #tpu.memory_space<vmem_shared>> -> memref<125x64xf32, #tpu.memory_space<vmem_shared>>
        %dma_start3A_330 = arith.constant 0 : i32
        %dma_start3A_331 = tpu.memref_slice %arg15[%add3A_139, %dma_start3A_330] : memref<20016x64xf32, #tpu.memory_space<vmem_shared>> -> memref<125x64xf32, #tpu.memory_space<vmem_shared>>
        %dma_start3A_332 = arith.constant 0 : i32
        %dma_start3A_333 = arith.constant 0 : i32
        %dma_start3A_334 = tpu.memref_slice %arg14[%dma_start3A_332, %dma_start3A_333] : memref<128x64xf32, #tpu.memory_space<vmem>> -> memref<125x64xf32, #tpu.memory_space<vmem>>
        tpu.enqueue_dma source(%dma_start3A_334 : memref<125x64xf32, #tpu.memory_space<vmem>>) target(%dma_start3A_331 : memref<125x64xf32, #tpu.memory_space<vmem_shared>>) target_semaphore(%run_scoped3A_324 : memref<!tpu.dma_semaphore, #tpu.memory_space<semaphore_mem>>)
        %dma_wait3A_335 = arith.constant 0 : i32
        %dma_wait3A_336 = arith.constant 0 : i32
        %dma_wait3A_337 = tpu.memref_slice %arg14[%dma_wait3A_335, %dma_wait3A_336] : memref<128x64xf32, #tpu.memory_space<vmem>> -> memref<125x64xf32, #tpu.memory_space<vmem>>
        %dma_wait3A_338 = arith.constant 0 : i32
        %dma_wait3A_339 = tpu.memref_slice %arg15[%add3A_139, %dma_wait3A_338] : memref<20016x64xf32, #tpu.memory_space<vmem_shared>> -> memref<125x64xf32, #tpu.memory_space<vmem_shared>>
        %dma_wait3A_340 = arith.constant 0 : i32
        %dma_wait3A_341 = tpu.memref_slice %arg15[%add3A_139, %dma_wait3A_340] : memref<20016x64xf32, #tpu.memory_space<vmem_shared>> -> memref<125x64xf32, #tpu.memory_space<vmem_shared>>
        %dma_wait3A_342 = arith.constant 0 : i32
        %dma_wait3A_343 = arith.constant 0 : i32
        %dma_wait3A_344 = tpu.memref_slice %arg14[%dma_wait3A_342, %dma_wait3A_343] : memref<128x64xf32, #tpu.memory_space<vmem>> -> memref<125x64xf32, #tpu.memory_space<vmem>>
        tpu.wait_dma2 semaphore(%run_scoped3A_324 : memref<!tpu.dma_semaphore, #tpu.memory_space<semaphore_mem>>) src(%dma_wait3A_344 : memref<125x64xf32, #tpu.memory_space<vmem>>) dst(%dma_wait3A_341 : memref<125x64xf32, #tpu.memory_space<vmem_shared>>)
        tpu.yield
      }) : () -> ()
      %add3A_140 = arith.constant 375 : i32
      %add3A_141 = arith.addi %mul3A_124, %add3A_140 : i32
      "tpu.region"() ({
        %run_scoped3A_324 = tpu.sem_alloc : memref<!tpu.dma_semaphore, #tpu.memory_space<semaphore_mem>>
        %dma_start3A_325 = arith.constant 0 : i32
        %dma_start3A_326 = arith.constant 0 : i32
        %dma_start3A_327 = tpu.memref_slice %arg14[%dma_start3A_325, %dma_start3A_326] : memref<128x64xf32, #tpu.memory_space<vmem>> -> memref<125x64xf32, #tpu.memory_space<vmem>>
        %dma_start3A_328 = arith.constant 0 : i32
        %dma_start3A_329 = tpu.memref_slice %arg15[%add3A_141, %dma_start3A_328] : memref<20016x64xf32, #tpu.memory_space<vmem_shared>> -> memref<125x64xf32, #tpu.memory_space<vmem_shared>>
        %dma_start3A_330 = arith.constant 0 : i32
        %dma_start3A_331 = tpu.memref_slice %arg15[%add3A_141, %dma_start3A_330] : memref<20016x64xf32, #tpu.memory_space<vmem_shared>> -> memref<125x64xf32, #tpu.memory_space<vmem_shared>>
        %dma_start3A_332 = arith.constant 0 : i32
        %dma_start3A_333 = arith.constant 0 : i32
        %dma_start3A_334 = tpu.memref_slice %arg14[%dma_start3A_332, %dma_start3A_333] : memref<128x64xf32, #tpu.memory_space<vmem>> -> memref<125x64xf32, #tpu.memory_space<vmem>>
        tpu.enqueue_dma source(%dma_start3A_334 : memref<125x64xf32, #tpu.memory_space<vmem>>) target(%dma_start3A_331 : memref<125x64xf32, #tpu.memory_space<vmem_shared>>) target_semaphore(%run_scoped3A_324 : memref<!tpu.dma_semaphore, #tpu.memory_space<semaphore_mem>>)
        %dma_wait3A_335 = arith.constant 0 : i32
        %dma_wait3A_336 = arith.constant 0 : i32
        %dma_wait3A_337 = tpu.memref_slice %arg14[%dma_wait3A_335, %dma_wait3A_336] : memref<128x64xf32, #tpu.memory_space<vmem>> -> memref<125x64xf32, #tpu.memory_space<vmem>>
        %dma_wait3A_338 = arith.constant 0 : i32
        %dma_wait3A_339 = tpu.memref_slice %arg15[%add3A_141, %dma_wait3A_338] : memref<20016x64xf32, #tpu.memory_space<vmem_shared>> -> memref<125x64xf32, #tpu.memory_space<vmem_shared>>
        %dma_wait3A_340 = arith.constant 0 : i32
        %dma_wait3A_341 = tpu.memref_slice %arg15[%add3A_141, %dma_wait3A_340] : memref<20016x64xf32, #tpu.memory_space<vmem_shared>> -> memref<125x64xf32, #tpu.memory_space<vmem_shared>>
        %dma_wait3A_342 = arith.constant 0 : i32
        %dma_wait3A_343 = arith.constant 0 : i32
        %dma_wait3A_344 = tpu.memref_slice %arg14[%dma_wait3A_342, %dma_wait3A_343] : memref<128x64xf32, #tpu.memory_space<vmem>> -> memref<125x64xf32, #tpu.memory_space<vmem>>
        tpu.wait_dma2 semaphore(%run_scoped3A_324 : memref<!tpu.dma_semaphore, #tpu.memory_space<semaphore_mem>>) src(%dma_wait3A_344 : memref<125x64xf32, #tpu.memory_space<vmem>>) dst(%dma_wait3A_341 : memref<125x64xf32, #tpu.memory_space<vmem_shared>>)
        tpu.yield
      }) : () -> ()
      %add3A_142 = arith.constant 500 : i32
      %add3A_143 = arith.addi %mul3A_124, %add3A_142 : i32
      "tpu.region"() ({
        %run_scoped3A_324 = tpu.sem_alloc : memref<!tpu.dma_semaphore, #tpu.memory_space<semaphore_mem>>
        %dma_start3A_325 = arith.constant 0 : i32
        %dma_start3A_326 = arith.constant 0 : i32
        %dma_start3A_327 = tpu.memref_slice %arg14[%dma_start3A_325, %dma_start3A_326] : memref<128x64xf32, #tpu.memory_space<vmem>> -> memref<125x64xf32, #tpu.memory_space<vmem>>
        %dma_start3A_328 = arith.constant 0 : i32
        %dma_start3A_329 = tpu.memref_slice %arg15[%add3A_143, %dma_start3A_328] : memref<20016x64xf32, #tpu.memory_space<vmem_shared>> -> memref<125x64xf32, #tpu.memory_space<vmem_shared>>
        %dma_start3A_330 = arith.constant 0 : i32
        %dma_start3A_331 = tpu.memref_slice %arg15[%add3A_143, %dma_start3A_330] : memref<20016x64xf32, #tpu.memory_space<vmem_shared>> -> memref<125x64xf32, #tpu.memory_space<vmem_shared>>
        %dma_start3A_332 = arith.constant 0 : i32
        %dma_start3A_333 = arith.constant 0 : i32
        %dma_start3A_334 = tpu.memref_slice %arg14[%dma_start3A_332, %dma_start3A_333] : memref<128x64xf32, #tpu.memory_space<vmem>> -> memref<125x64xf32, #tpu.memory_space<vmem>>
        tpu.enqueue_dma source(%dma_start3A_334 : memref<125x64xf32, #tpu.memory_space<vmem>>) target(%dma_start3A_331 : memref<125x64xf32, #tpu.memory_space<vmem_shared>>) target_semaphore(%run_scoped3A_324 : memref<!tpu.dma_semaphore, #tpu.memory_space<semaphore_mem>>)
        %dma_wait3A_335 = arith.constant 0 : i32
        %dma_wait3A_336 = arith.constant 0 : i32
        %dma_wait3A_337 = tpu.memref_slice %arg14[%dma_wait3A_335, %dma_wait3A_336] : memref<128x64xf32, #tpu.memory_space<vmem>> -> memref<125x64xf32, #tpu.memory_space<vmem>>
        %dma_wait3A_338 = arith.constant 0 : i32
        %dma_wait3A_339 = tpu.memref_slice %arg15[%add3A_143, %dma_wait3A_338] : memref<20016x64xf32, #tpu.memory_space<vmem_shared>> -> memref<125x64xf32, #tpu.memory_space<vmem_shared>>
        %dma_wait3A_340 = arith.constant 0 : i32
        %dma_wait3A_341 = tpu.memref_slice %arg15[%add3A_143, %dma_wait3A_340] : memref<20016x64xf32, #tpu.memory_space<vmem_shared>> -> memref<125x64xf32, #tpu.memory_space<vmem_shared>>
        %dma_wait3A_342 = arith.constant 0 : i32
        %dma_wait3A_343 = arith.constant 0 : i32
        %dma_wait3A_344 = tpu.memref_slice %arg14[%dma_wait3A_342, %dma_wait3A_343] : memref<128x64xf32, #tpu.memory_space<vmem>> -> memref<125x64xf32, #tpu.memory_space<vmem>>
        tpu.wait_dma2 semaphore(%run_scoped3A_324 : memref<!tpu.dma_semaphore, #tpu.memory_space<semaphore_mem>>) src(%dma_wait3A_344 : memref<125x64xf32, #tpu.memory_space<vmem>>) dst(%dma_wait3A_341 : memref<125x64xf32, #tpu.memory_space<vmem_shared>>)
        tpu.yield
      }) : () -> ()
      %add3A_144 = arith.constant 625 : i32
      %add3A_145 = arith.addi %mul3A_124, %add3A_144 : i32
      "tpu.region"() ({
        %run_scoped3A_324 = tpu.sem_alloc : memref<!tpu.dma_semaphore, #tpu.memory_space<semaphore_mem>>
        %dma_start3A_325 = arith.constant 0 : i32
        %dma_start3A_326 = arith.constant 0 : i32
        %dma_start3A_327 = tpu.memref_slice %arg14[%dma_start3A_325, %dma_start3A_326] : memref<128x64xf32, #tpu.memory_space<vmem>> -> memref<125x64xf32, #tpu.memory_space<vmem>>
        %dma_start3A_328 = arith.constant 0 : i32
        %dma_start3A_329 = tpu.memref_slice %arg15[%add3A_145, %dma_start3A_328] : memref<20016x64xf32, #tpu.memory_space<vmem_shared>> -> memref<125x64xf32, #tpu.memory_space<vmem_shared>>
        %dma_start3A_330 = arith.constant 0 : i32
        %dma_start3A_331 = tpu.memref_slice %arg15[%add3A_145, %dma_start3A_330] : memref<20016x64xf32, #tpu.memory_space<vmem_shared>> -> memref<125x64xf32, #tpu.memory_space<vmem_shared>>
        %dma_start3A_332 = arith.constant 0 : i32
        %dma_start3A_333 = arith.constant 0 : i32
        %dma_start3A_334 = tpu.memref_slice %arg14[%dma_start3A_332, %dma_start3A_333] : memref<128x64xf32, #tpu.memory_space<vmem>> -> memref<125x64xf32, #tpu.memory_space<vmem>>
        tpu.enqueue_dma source(%dma_start3A_334 : memref<125x64xf32, #tpu.memory_space<vmem>>) target(%dma_start3A_331 : memref<125x64xf32, #tpu.memory_space<vmem_shared>>) target_semaphore(%run_scoped3A_324 : memref<!tpu.dma_semaphore, #tpu.memory_space<semaphore_mem>>)
        %dma_wait3A_335 = arith.constant 0 : i32
        %dma_wait3A_336 = arith.constant 0 : i32
        %dma_wait3A_337 = tpu.memref_slice %arg14[%dma_wait3A_335, %dma_wait3A_336] : memref<128x64xf32, #tpu.memory_space<vmem>> -> memref<125x64xf32, #tpu.memory_space<vmem>>
        %dma_wait3A_338 = arith.constant 0 : i32
        %dma_wait3A_339 = tpu.memref_slice %arg15[%add3A_145, %dma_wait3A_338] : memref<20016x64xf32, #tpu.memory_space<vmem_shared>> -> memref<125x64xf32, #tpu.memory_space<vmem_shared>>
        %dma_wait3A_340 = arith.constant 0 : i32
        %dma_wait3A_341 = tpu.memref_slice %arg15[%add3A_145, %dma_wait3A_340] : memref<20016x64xf32, #tpu.memory_space<vmem_shared>> -> memref<125x64xf32, #tpu.memory_space<vmem_shared>>
        %dma_wait3A_342 = arith.constant 0 : i32
        %dma_wait3A_343 = arith.constant 0 : i32
        %dma_wait3A_344 = tpu.memref_slice %arg14[%dma_wait3A_342, %dma_wait3A_343] : memref<128x64xf32, #tpu.memory_space<vmem>> -> memref<125x64xf32, #tpu.memory_space<vmem>>
        tpu.wait_dma2 semaphore(%run_scoped3A_324 : memref<!tpu.dma_semaphore, #tpu.memory_space<semaphore_mem>>) src(%dma_wait3A_344 : memref<125x64xf32, #tpu.memory_space<vmem>>) dst(%dma_wait3A_341 : memref<125x64xf32, #tpu.memory_space<vmem_shared>>)
        tpu.yield
      }) : () -> ()
      %add3A_146 = arith.constant 750 : i32
      %add3A_147 = arith.addi %mul3A_124, %add3A_146 : i32
      "tpu.region"() ({
        %run_scoped3A_324 = tpu.sem_alloc : memref<!tpu.dma_semaphore, #tpu.memory_space<semaphore_mem>>
        %dma_start3A_325 = arith.constant 0 : i32
        %dma_start3A_326 = arith.constant 0 : i32
        %dma_start3A_327 = tpu.memref_slice %arg14[%dma_start3A_325, %dma_start3A_326] : memref<128x64xf32, #tpu.memory_space<vmem>> -> memref<125x64xf32, #tpu.memory_space<vmem>>
        %dma_start3A_328 = arith.constant 0 : i32
        %dma_start3A_329 = tpu.memref_slice %arg15[%add3A_147, %dma_start3A_328] : memref<20016x64xf32, #tpu.memory_space<vmem_shared>> -> memref<125x64xf32, #tpu.memory_space<vmem_shared>>
        %dma_start3A_330 = arith.constant 0 : i32
        %dma_start3A_331 = tpu.memref_slice %arg15[%add3A_147, %dma_start3A_330] : memref<20016x64xf32, #tpu.memory_space<vmem_shared>> -> memref<125x64xf32, #tpu.memory_space<vmem_shared>>
        %dma_start3A_332 = arith.constant 0 : i32
        %dma_start3A_333 = arith.constant 0 : i32
        %dma_start3A_334 = tpu.memref_slice %arg14[%dma_start3A_332, %dma_start3A_333] : memref<128x64xf32, #tpu.memory_space<vmem>> -> memref<125x64xf32, #tpu.memory_space<vmem>>
        tpu.enqueue_dma source(%dma_start3A_334 : memref<125x64xf32, #tpu.memory_space<vmem>>) target(%dma_start3A_331 : memref<125x64xf32, #tpu.memory_space<vmem_shared>>) target_semaphore(%run_scoped3A_324 : memref<!tpu.dma_semaphore, #tpu.memory_space<semaphore_mem>>)
        %dma_wait3A_335 = arith.constant 0 : i32
        %dma_wait3A_336 = arith.constant 0 : i32
        %dma_wait3A_337 = tpu.memref_slice %arg14[%dma_wait3A_335, %dma_wait3A_336] : memref<128x64xf32, #tpu.memory_space<vmem>> -> memref<125x64xf32, #tpu.memory_space<vmem>>
        %dma_wait3A_338 = arith.constant 0 : i32
        %dma_wait3A_339 = tpu.memref_slice %arg15[%add3A_147, %dma_wait3A_338] : memref<20016x64xf32, #tpu.memory_space<vmem_shared>> -> memref<125x64xf32, #tpu.memory_space<vmem_shared>>
        %dma_wait3A_340 = arith.constant 0 : i32
        %dma_wait3A_341 = tpu.memref_slice %arg15[%add3A_147, %dma_wait3A_340] : memref<20016x64xf32, #tpu.memory_space<vmem_shared>> -> memref<125x64xf32, #tpu.memory_space<vmem_shared>>
        %dma_wait3A_342 = arith.constant 0 : i32
        %dma_wait3A_343 = arith.constant 0 : i32
        %dma_wait3A_344 = tpu.memref_slice %arg14[%dma_wait3A_342, %dma_wait3A_343] : memref<128x64xf32, #tpu.memory_space<vmem>> -> memref<125x64xf32, #tpu.memory_space<vmem>>
        tpu.wait_dma2 semaphore(%run_scoped3A_324 : memref<!tpu.dma_semaphore, #tpu.memory_space<semaphore_mem>>) src(%dma_wait3A_344 : memref<125x64xf32, #tpu.memory_space<vmem>>) dst(%dma_wait3A_341 : memref<125x64xf32, #tpu.memory_space<vmem_shared>>)
        tpu.yield
      }) : () -> ()
      %add3A_148 = arith.constant 875 : i32
      %add3A_149 = arith.addi %mul3A_124, %add3A_148 : i32
      "tpu.region"() ({
        %run_scoped3A_324 = tpu.sem_alloc : memref<!tpu.dma_semaphore, #tpu.memory_space<semaphore_mem>>
        %dma_start3A_325 = arith.constant 0 : i32
        %dma_start3A_326 = arith.constant 0 : i32
        %dma_start3A_327 = tpu.memref_slice %arg14[%dma_start3A_325, %dma_start3A_326] : memref<128x64xf32, #tpu.memory_space<vmem>> -> memref<125x64xf32, #tpu.memory_space<vmem>>
        %dma_start3A_328 = arith.constant 0 : i32
        %dma_start3A_329 = tpu.memref_slice %arg15[%add3A_149, %dma_start3A_328] : memref<20016x64xf32, #tpu.memory_space<vmem_shared>> -> memref<125x64xf32, #tpu.memory_space<vmem_shared>>
        %dma_start3A_330 = arith.constant 0 : i32
        %dma_start3A_331 = tpu.memref_slice %arg15[%add3A_149, %dma_start3A_330] : memref<20016x64xf32, #tpu.memory_space<vmem_shared>> -> memref<125x64xf32, #tpu.memory_space<vmem_shared>>
        %dma_start3A_332 = arith.constant 0 : i32
        %dma_start3A_333 = arith.constant 0 : i32
        %dma_start3A_334 = tpu.memref_slice %arg14[%dma_start3A_332, %dma_start3A_333] : memref<128x64xf32, #tpu.memory_space<vmem>> -> memref<125x64xf32, #tpu.memory_space<vmem>>
        tpu.enqueue_dma source(%dma_start3A_334 : memref<125x64xf32, #tpu.memory_space<vmem>>) target(%dma_start3A_331 : memref<125x64xf32, #tpu.memory_space<vmem_shared>>) target_semaphore(%run_scoped3A_324 : memref<!tpu.dma_semaphore, #tpu.memory_space<semaphore_mem>>)
        %dma_wait3A_335 = arith.constant 0 : i32
        %dma_wait3A_336 = arith.constant 0 : i32
        %dma_wait3A_337 = tpu.memref_slice %arg14[%dma_wait3A_335, %dma_wait3A_336] : memref<128x64xf32, #tpu.memory_space<vmem>> -> memref<125x64xf32, #tpu.memory_space<vmem>>
        %dma_wait3A_338 = arith.constant 0 : i32
        %dma_wait3A_339 = tpu.memref_slice %arg15[%add3A_149, %dma_wait3A_338] : memref<20016x64xf32, #tpu.memory_space<vmem_shared>> -> memref<125x64xf32, #tpu.memory_space<vmem_shared>>
        %dma_wait3A_340 = arith.constant 0 : i32
        %dma_wait3A_341 = tpu.memref_slice %arg15[%add3A_149, %dma_wait3A_340] : memref<20016x64xf32, #tpu.memory_space<vmem_shared>> -> memref<125x64xf32, #tpu.memory_space<vmem_shared>>
        %dma_wait3A_342 = arith.constant 0 : i32
        %dma_wait3A_343 = arith.constant 0 : i32
        %dma_wait3A_344 = tpu.memref_slice %arg14[%dma_wait3A_342, %dma_wait3A_343] : memref<128x64xf32, #tpu.memory_space<vmem>> -> memref<125x64xf32, #tpu.memory_space<vmem>>
        tpu.wait_dma2 semaphore(%run_scoped3A_324 : memref<!tpu.dma_semaphore, #tpu.memory_space<semaphore_mem>>) src(%dma_wait3A_344 : memref<125x64xf32, #tpu.memory_space<vmem>>) dst(%dma_wait3A_341 : memref<125x64xf32, #tpu.memory_space<vmem_shared>>)
        tpu.yield
      }) : () -> ()
      %add3A_150 = arith.constant 1000 : i32
      %add3A_151 = arith.addi %mul3A_124, %add3A_150 : i32
      "tpu.region"() ({
        %run_scoped3A_324 = tpu.sem_alloc : memref<!tpu.dma_semaphore, #tpu.memory_space<semaphore_mem>>
        %dma_start3A_325 = arith.constant 0 : i32
        %dma_start3A_326 = arith.constant 0 : i32
        %dma_start3A_327 = tpu.memref_slice %arg14[%dma_start3A_325, %dma_start3A_326] : memref<128x64xf32, #tpu.memory_space<vmem>> -> memref<125x64xf32, #tpu.memory_space<vmem>>
        %dma_start3A_328 = arith.constant 0 : i32
        %dma_start3A_329 = tpu.memref_slice %arg15[%add3A_151, %dma_start3A_328] : memref<20016x64xf32, #tpu.memory_space<vmem_shared>> -> memref<125x64xf32, #tpu.memory_space<vmem_shared>>
        %dma_start3A_330 = arith.constant 0 : i32
        %dma_start3A_331 = tpu.memref_slice %arg15[%add3A_151, %dma_start3A_330] : memref<20016x64xf32, #tpu.memory_space<vmem_shared>> -> memref<125x64xf32, #tpu.memory_space<vmem_shared>>
        %dma_start3A_332 = arith.constant 0 : i32
        %dma_start3A_333 = arith.constant 0 : i32
        %dma_start3A_334 = tpu.memref_slice %arg14[%dma_start3A_332, %dma_start3A_333] : memref<128x64xf32, #tpu.memory_space<vmem>> -> memref<125x64xf32, #tpu.memory_space<vmem>>
        tpu.enqueue_dma source(%dma_start3A_334 : memref<125x64xf32, #tpu.memory_space<vmem>>) target(%dma_start3A_331 : memref<125x64xf32, #tpu.memory_space<vmem_shared>>) target_semaphore(%run_scoped3A_324 : memref<!tpu.dma_semaphore, #tpu.memory_space<semaphore_mem>>)
        %dma_wait3A_335 = arith.constant 0 : i32
        %dma_wait3A_336 = arith.constant 0 : i32
        %dma_wait3A_337 = tpu.memref_slice %arg14[%dma_wait3A_335, %dma_wait3A_336] : memref<128x64xf32, #tpu.memory_space<vmem>> -> memref<125x64xf32, #tpu.memory_space<vmem>>
        %dma_wait3A_338 = arith.constant 0 : i32
        %dma_wait3A_339 = tpu.memref_slice %arg15[%add3A_151, %dma_wait3A_338] : memref<20016x64xf32, #tpu.memory_space<vmem_shared>> -> memref<125x64xf32, #tpu.memory_space<vmem_shared>>
        %dma_wait3A_340 = arith.constant 0 : i32
        %dma_wait3A_341 = tpu.memref_slice %arg15[%add3A_151, %dma_wait3A_340] : memref<20016x64xf32, #tpu.memory_space<vmem_shared>> -> memref<125x64xf32, #tpu.memory_space<vmem_shared>>
        %dma_wait3A_342 = arith.constant 0 : i32
        %dma_wait3A_343 = arith.constant 0 : i32
        %dma_wait3A_344 = tpu.memref_slice %arg14[%dma_wait3A_342, %dma_wait3A_343] : memref<128x64xf32, #tpu.memory_space<vmem>> -> memref<125x64xf32, #tpu.memory_space<vmem>>
        tpu.wait_dma2 semaphore(%run_scoped3A_324 : memref<!tpu.dma_semaphore, #tpu.memory_space<semaphore_mem>>) src(%dma_wait3A_344 : memref<125x64xf32, #tpu.memory_space<vmem>>) dst(%dma_wait3A_341 : memref<125x64xf32, #tpu.memory_space<vmem_shared>>)
        tpu.yield
      }) : () -> ()
      %add3A_152 = arith.constant 1125 : i32
      %add3A_153 = arith.addi %mul3A_124, %add3A_152 : i32
      "tpu.region"() ({
        %run_scoped3A_324 = tpu.sem_alloc : memref<!tpu.dma_semaphore, #tpu.memory_space<semaphore_mem>>
        %dma_start3A_325 = arith.constant 0 : i32
        %dma_start3A_326 = arith.constant 0 : i32
        %dma_start3A_327 = tpu.memref_slice %arg14[%dma_start3A_325, %dma_start3A_326] : memref<128x64xf32, #tpu.memory_space<vmem>> -> memref<125x64xf32, #tpu.memory_space<vmem>>
        %dma_start3A_328 = arith.constant 0 : i32
        %dma_start3A_329 = tpu.memref_slice %arg15[%add3A_153, %dma_start3A_328] : memref<20016x64xf32, #tpu.memory_space<vmem_shared>> -> memref<125x64xf32, #tpu.memory_space<vmem_shared>>
        %dma_start3A_330 = arith.constant 0 : i32
        %dma_start3A_331 = tpu.memref_slice %arg15[%add3A_153, %dma_start3A_330] : memref<20016x64xf32, #tpu.memory_space<vmem_shared>> -> memref<125x64xf32, #tpu.memory_space<vmem_shared>>
        %dma_start3A_332 = arith.constant 0 : i32
        %dma_start3A_333 = arith.constant 0 : i32
        %dma_start3A_334 = tpu.memref_slice %arg14[%dma_start3A_332, %dma_start3A_333] : memref<128x64xf32, #tpu.memory_space<vmem>> -> memref<125x64xf32, #tpu.memory_space<vmem>>
        tpu.enqueue_dma source(%dma_start3A_334 : memref<125x64xf32, #tpu.memory_space<vmem>>) target(%dma_start3A_331 : memref<125x64xf32, #tpu.memory_space<vmem_shared>>) target_semaphore(%run_scoped3A_324 : memref<!tpu.dma_semaphore, #tpu.memory_space<semaphore_mem>>)
        %dma_wait3A_335 = arith.constant 0 : i32
        %dma_wait3A_336 = arith.constant 0 : i32
        %dma_wait3A_337 = tpu.memref_slice %arg14[%dma_wait3A_335, %dma_wait3A_336] : memref<128x64xf32, #tpu.memory_space<vmem>> -> memref<125x64xf32, #tpu.memory_space<vmem>>
        %dma_wait3A_338 = arith.constant 0 : i32
        %dma_wait3A_339 = tpu.memref_slice %arg15[%add3A_153, %dma_wait3A_338] : memref<20016x64xf32, #tpu.memory_space<vmem_shared>> -> memref<125x64xf32, #tpu.memory_space<vmem_shared>>
        %dma_wait3A_340 = arith.constant 0 : i32
        %dma_wait3A_341 = tpu.memref_slice %arg15[%add3A_153, %dma_wait3A_340] : memref<20016x64xf32, #tpu.memory_space<vmem_shared>> -> memref<125x64xf32, #tpu.memory_space<vmem_shared>>
        %dma_wait3A_342 = arith.constant 0 : i32
        %dma_wait3A_343 = arith.constant 0 : i32
        %dma_wait3A_344 = tpu.memref_slice %arg14[%dma_wait3A_342, %dma_wait3A_343] : memref<128x64xf32, #tpu.memory_space<vmem>> -> memref<125x64xf32, #tpu.memory_space<vmem>>
        tpu.wait_dma2 semaphore(%run_scoped3A_324 : memref<!tpu.dma_semaphore, #tpu.memory_space<semaphore_mem>>) src(%dma_wait3A_344 : memref<125x64xf32, #tpu.memory_space<vmem>>) dst(%dma_wait3A_341 : memref<125x64xf32, #tpu.memory_space<vmem_shared>>)
        tpu.yield
      }) : () -> ()
      %barrier3A = arith.constant 0 : index
      tpu.barrier barrier_id(%barrier3A)
      %run_scoped3A = arith.constant 0 : i32
      "tpu.region"() ({
        %run_scoped3A_324 = tpu.sem_alloc : memref<!tpu.dma_semaphore, #tpu.memory_space<semaphore_mem>>
        %dma_start3A_325 = arith.constant 0 : i32
        %dma_start3A_326 = tpu.memref_slice %arg7[%run_scoped3A, %dma_start3A_325] : memref<2x1600xi32, #tpu.memory_space<vmem>> -> memref<1x1600xi32, #tpu.memory_space<vmem>>
        %dma_start3A_327 = tpu.memref_squeeze %dma_start3A_326 : memref<1x1600xi32, #tpu.memory_space<vmem>> -> memref<1600xi32, #tpu.memory_space<vmem>>
        %dma_start3A_328 = tpu.memref_slice %arg4[%mul3A_126] : memref<1280000xi32, #tpu.memory_space<hbm>> -> memref<1600xi32, #tpu.memory_space<hbm>>
        %dma_start3A_329 = arith.constant 0 : i32
        %dma_start3A_330 = tpu.memref_slice %arg7[%run_scoped3A, %dma_start3A_329] : memref<2x1600xi32, #tpu.memory_space<vmem>> -> memref<1x1600xi32, #tpu.memory_space<vmem>>
        %dma_start3A_331 = tpu.memref_squeeze %dma_start3A_330 : memref<1x1600xi32, #tpu.memory_space<vmem>> -> memref<1600xi32, #tpu.memory_space<vmem>>
        %dma_start3A_332 = tpu.memref_slice %arg4[%mul3A_126] : memref<1280000xi32, #tpu.memory_space<hbm>> -> memref<1600xi32, #tpu.memory_space<hbm>>
        tpu.enqueue_dma source(%dma_start3A_332 : memref<1600xi32, #tpu.memory_space<hbm>>) target(%dma_start3A_331 : memref<1600xi32, #tpu.memory_space<vmem>>) target_semaphore(%run_scoped3A_324 : memref<!tpu.dma_semaphore, #tpu.memory_space<semaphore_mem>>)
        %dma_wait3A_333 = arith.constant 0 : i32
        %dma_wait3A_334 = tpu.memref_slice %arg7[%run_scoped3A, %dma_wait3A_333] : memref<2x1600xi32, #tpu.memory_space<vmem>> -> memref<1x1600xi32, #tpu.memory_space<vmem>>
        %dma_wait3A_335 = tpu.memref_squeeze %dma_wait3A_334 : memref<1x1600xi32, #tpu.memory_space<vmem>> -> memref<1600xi32, #tpu.memory_space<vmem>>
        %dma_wait3A_336 = tpu.memref_slice %arg4[%mul3A_126] : memref<1280000xi32, #tpu.memory_space<hbm>> -> memref<1600xi32, #tpu.memory_space<hbm>>
        %dma_wait3A_337 = arith.constant 0 : i32
        %dma_wait3A_338 = tpu.memref_slice %arg7[%run_scoped3A, %dma_wait3A_337] : memref<2x1600xi32, #tpu.memory_space<vmem>> -> memref<1x1600xi32, #tpu.memory_space<vmem>>
        %dma_wait3A_339 = tpu.memref_squeeze %dma_wait3A_338 : memref<1x1600xi32, #tpu.memory_space<vmem>> -> memref<1600xi32, #tpu.memory_space<vmem>>
        %dma_wait3A_340 = tpu.memref_slice %arg4[%mul3A_126] : memref<1280000xi32, #tpu.memory_space<hbm>> -> memref<1600xi32, #tpu.memory_space<hbm>>
        tpu.wait_dma2 semaphore(%run_scoped3A_324 : memref<!tpu.dma_semaphore, #tpu.memory_space<semaphore_mem>>) src(%dma_wait3A_340 : memref<1600xi32, #tpu.memory_space<hbm>>) dst(%dma_wait3A_339 : memref<1600xi32, #tpu.memory_space<vmem>>)
        tpu.yield
      }) : () -> ()
      %run_scoped3A_154 = arith.constant 0 : i32
      "tpu.region"() ({
        %run_scoped3A_324 = tpu.sem_alloc : memref<!tpu.dma_semaphore, #tpu.memory_space<semaphore_mem>>
        %dma_start3A_325 = arith.constant 0 : i32
        %dma_start3A_326 = tpu.memref_slice %arg8[%run_scoped3A_154, %dma_start3A_325] : memref<2x1600xi32, #tpu.memory_space<vmem>> -> memref<1x1600xi32, #tpu.memory_space<vmem>>
        %dma_start3A_327 = tpu.memref_squeeze %dma_start3A_326 : memref<1x1600xi32, #tpu.memory_space<vmem>> -> memref<1600xi32, #tpu.memory_space<vmem>>
        %dma_start3A_328 = tpu.memref_slice %arg5[%mul3A_126] : memref<1280000xi32, #tpu.memory_space<hbm>> -> memref<1600xi32, #tpu.memory_space<hbm>>
        %dma_start3A_329 = arith.constant 0 : i32
        %dma_start3A_330 = tpu.memref_slice %arg8[%run_scoped3A_154, %dma_start3A_329] : memref<2x1600xi32, #tpu.memory_space<vmem>> -> memref<1x1600xi32, #tpu.memory_space<vmem>>
        %dma_start3A_331 = tpu.memref_squeeze %dma_start3A_330 : memref<1x1600xi32, #tpu.memory_space<vmem>> -> memref<1600xi32, #tpu.memory_space<vmem>>
        %dma_start3A_332 = tpu.memref_slice %arg5[%mul3A_126] : memref<1280000xi32, #tpu.memory_space<hbm>> -> memref<1600xi32, #tpu.memory_space<hbm>>
        tpu.enqueue_dma source(%dma_start3A_332 : memref<1600xi32, #tpu.memory_space<hbm>>) target(%dma_start3A_331 : memref<1600xi32, #tpu.memory_space<vmem>>) target_semaphore(%run_scoped3A_324 : memref<!tpu.dma_semaphore, #tpu.memory_space<semaphore_mem>>)
        %dma_wait3A_333 = arith.constant 0 : i32
        %dma_wait3A_334 = tpu.memref_slice %arg8[%run_scoped3A_154, %dma_wait3A_333] : memref<2x1600xi32, #tpu.memory_space<vmem>> -> memref<1x1600xi32, #tpu.memory_space<vmem>>
        %dma_wait3A_335 = tpu.memref_squeeze %dma_wait3A_334 : memref<1x1600xi32, #tpu.memory_space<vmem>> -> memref<1600xi32, #tpu.memory_space<vmem>>
        %dma_wait3A_336 = tpu.memref_slice %arg5[%mul3A_126] : memref<1280000xi32, #tpu.memory_space<hbm>> -> memref<1600xi32, #tpu.memory_space<hbm>>
        %dma_wait3A_337 = arith.constant 0 : i32
        %dma_wait3A_338 = tpu.memref_slice %arg8[%run_scoped3A_154, %dma_wait3A_337] : memref<2x1600xi32, #tpu.memory_space<vmem>> -> memref<1x1600xi32, #tpu.memory_space<vmem>>
        %dma_wait3A_339 = tpu.memref_squeeze %dma_wait3A_338 : memref<1x1600xi32, #tpu.memory_space<vmem>> -> memref<1600xi32, #tpu.memory_space<vmem>>
        %dma_wait3A_340 = tpu.memref_slice %arg5[%mul3A_126] : memref<1280000xi32, #tpu.memory_space<hbm>> -> memref<1600xi32, #tpu.memory_space<hbm>>
        tpu.wait_dma2 semaphore(%run_scoped3A_324 : memref<!tpu.dma_semaphore, #tpu.memory_space<semaphore_mem>>) src(%dma_wait3A_340 : memref<1600xi32, #tpu.memory_space<hbm>>) dst(%dma_wait3A_339 : memref<1600xi32, #tpu.memory_space<vmem>>)
        tpu.yield
      }) : () -> ()
      %broadcast_in_dim3A = arith.constant 0 : i32
      %broadcast_in_dim3A_155 = vector.broadcast %broadcast_in_dim3A : i32 to vector<16xi32>
      %scan3A_156 = arith.constant 0 : i32
      %scan3A_157 = arith.constant 0 : i32
      %scan3A_158 = arith.constant 0 : i32
      %scan3A_159 = arith.constant 50 : i32
      %scan3A_160 = arith.addi %scan3A_158, %scan3A_159 : i32
      %scan3A_161 = arith.constant 1 : i32
      %scan3A_162:3 = scf.for %scan3A_324 = %scan3A_158 to %scan3A_160 step %scan3A_161 iter_args(%scan3A_325 = %broadcast_in_dim3A_155, %scan3A_326 = %scan3A_156, %scan3A_327 = %scan3A_157) -> (vector<16xi32>, i32, i32)  : i32 {
        %and3A_328 = arith.constant 1 : i32
        %and3A_329 = arith.andi %scan3A_324, %and3A_328 : i32
        %add3A_330 = arith.constant 1 : i32
        %add3A_331 = arith.addi %scan3A_324, %add3A_330 : i32
        %mul3A_332 = arith.constant 1600 : i32
        %mul3A_333 = arith.muli %add3A_331, %mul3A_332 : i32
        %add3A_334 = arith.addi %mul3A_126, %mul3A_333 : i32
        %and3A_335 = arith.constant 1 : i32
        %and3A_336 = arith.andi %add3A_331, %and3A_335 : i32
        %lt3A = arith.constant 50 : i32
        %lt3A_337 = arith.cmpi slt, %add3A_331, %lt3A : i32
        %convert_element_type3A_338 = arith.extui %lt3A_337 : i1 to i32
        %cond3A_339 = arith.constant 0 : i32
        %cond3A_340 = arith.cmpi ne, %convert_element_type3A_338, %cond3A_339 : i32
        scf.if %cond3A_340 {
          %dma_start3A_363 = arith.constant 0 : i32
          %dma_start3A_364 = tpu.memref_slice %arg7[%and3A_336, %dma_start3A_363] : memref<2x1600xi32, #tpu.memory_space<vmem>> -> memref<1x1600xi32, #tpu.memory_space<vmem>>
          %dma_start3A_365 = tpu.memref_squeeze %dma_start3A_364 : memref<1x1600xi32, #tpu.memory_space<vmem>> -> memref<1600xi32, #tpu.memory_space<vmem>>
          %dma_start3A_366 = tpu.memref_slice %arg4[%add3A_334] : memref<1280000xi32, #tpu.memory_space<hbm>> -> memref<1600xi32, #tpu.memory_space<hbm>>
          %dma_start3A_367 = arith.constant 0 : i32
          %dma_start3A_368 = tpu.memref_slice %arg7[%and3A_336, %dma_start3A_367] : memref<2x1600xi32, #tpu.memory_space<vmem>> -> memref<1x1600xi32, #tpu.memory_space<vmem>>
          %dma_start3A_369 = tpu.memref_squeeze %dma_start3A_368 : memref<1x1600xi32, #tpu.memory_space<vmem>> -> memref<1600xi32, #tpu.memory_space<vmem>>
          %dma_start3A_370 = tpu.memref_slice %arg4[%add3A_334] : memref<1280000xi32, #tpu.memory_space<hbm>> -> memref<1600xi32, #tpu.memory_space<hbm>>
          tpu.enqueue_dma source(%dma_start3A_370 : memref<1600xi32, #tpu.memory_space<hbm>>) target(%dma_start3A_369 : memref<1600xi32, #tpu.memory_space<vmem>>) target_semaphore(%arg18 : memref<!tpu.dma_semaphore, #tpu.memory_space<semaphore_mem>>)
          %dma_start3A_371 = arith.constant 0 : i32
          %dma_start3A_372 = tpu.memref_slice %arg8[%and3A_336, %dma_start3A_371] : memref<2x1600xi32, #tpu.memory_space<vmem>> -> memref<1x1600xi32, #tpu.memory_space<vmem>>
          %dma_start3A_373 = tpu.memref_squeeze %dma_start3A_372 : memref<1x1600xi32, #tpu.memory_space<vmem>> -> memref<1600xi32, #tpu.memory_space<vmem>>
          %dma_start3A_374 = tpu.memref_slice %arg5[%add3A_334] : memref<1280000xi32, #tpu.memory_space<hbm>> -> memref<1600xi32, #tpu.memory_space<hbm>>
          %dma_start3A_375 = arith.constant 0 : i32
          %dma_start3A_376 = tpu.memref_slice %arg8[%and3A_336, %dma_start3A_375] : memref<2x1600xi32, #tpu.memory_space<vmem>> -> memref<1x1600xi32, #tpu.memory_space<vmem>>
          %dma_start3A_377 = tpu.memref_squeeze %dma_start3A_376 : memref<1x1600xi32, #tpu.memory_space<vmem>> -> memref<1600xi32, #tpu.memory_space<vmem>>
          %dma_start3A_378 = tpu.memref_slice %arg5[%add3A_334] : memref<1280000xi32, #tpu.memory_space<hbm>> -> memref<1600xi32, #tpu.memory_space<hbm>>
          tpu.enqueue_dma source(%dma_start3A_378 : memref<1600xi32, #tpu.memory_space<hbm>>) target(%dma_start3A_377 : memref<1600xi32, #tpu.memory_space<vmem>>) target_semaphore(%arg19 : memref<!tpu.dma_semaphore, #tpu.memory_space<semaphore_mem>>)
        } else {
        }
        %mul3A_341 = arith.constant 1600 : i32
        %mul3A_342 = arith.muli %scan3A_324, %mul3A_341 : i32
        %add3A_343 = arith.addi %mul3A_126, %mul3A_342 : i32
        %scan3A_344 = arith.constant 0 : i32
        %scan3A_345 = arith.constant 50 : i32
        %scan3A_346 = arith.addi %scan3A_344, %scan3A_345 : i32
        %scan3A_347 = arith.constant 1 : i32
        %scan3A_348 = scf.for %scan3A_363 = %scan3A_344 to %scan3A_346 step %scan3A_347 iter_args(%scan3A_364 = %scan3A_325) -> (vector<16xi32>)  : i32 {
          %mul3A_365 = arith.constant 2 : i32
          %mul3A_366 = arith.muli %scan3A_363, %mul3A_365 : i32
          %add3A_367 = arith.constant 0 : i32
          %add3A_368 = arith.addi %mul3A_366, %add3A_367 : i32
          %mul3A_369 = arith.constant 16 : i32
          %mul3A_370 = arith.muli %add3A_368, %mul3A_369 : i32
          %get3A = arith.index_cast %and3A_329 : i32 to index
          %get3A_371 = arith.index_cast %mul3A_370 : i32 to index
          %get3A_372 = tpu.vector_load %arg7[%get3A, %get3A_371] {strides = array<i32>} : memref<2x1600xi32, #tpu.memory_space<vmem>>, vector<16xi32>,
          %sub3A_373 = vector.broadcast %mul3A_122 : i32 to vector<16xi32>
          %sub3A_374 = arith.subi %get3A_372, %sub3A_373 : vector<16xi32>
          %lt3A_375 = arith.constant 20000 : i32
          %lt3A_376 = vector.broadcast %lt3A_375 : i32 to vector<16xi32>
          %lt3A_377 = arith.cmpi ult, %sub3A_374, %lt3A_376 : vector<16xi32>
          %all_reduce_population_count3A = tpu.all_reduce %lt3A_377 {dim = 0 : i64, kind = #tpu.reduction_kind<sum>} : vector<16xi1> -> vector<16xi32>
          %reduce_or3A = arith.constant 1.000000e+00 : f32
          %reduce_or3A_378 = arith.constant 0.000000e+00 : f32
          %reduce_or3A_379 = vector.broadcast %reduce_or3A : f32 to vector<16xf32>
          %reduce_or3A_380 = vector.broadcast %reduce_or3A_378 : f32 to vector<16xf32>
          %reduce_or3A_381 = arith.select %lt3A_377, %reduce_or3A_379, %reduce_or3A_380 : vector<16xi1>, vector<16xf32>
          %reduce_or3A_382 = arith.constant true
          %reduce_or3A_383 = vector.broadcast %reduce_or3A_382 : i1 to vector<16xi1>
          %reduce_or3A_384 = tpu.scan <max>, %reduce_or3A_381 masked %reduce_or3A_383 : vector<16xf32>, vector<16xi1> -> vector<16xf32>
          %reduce_or3A_385 = vector.extract %reduce_or3A_384[15] : f32 from vector<16xf32>
          %reduce_or3A_386 = arith.constant 0.000000e+00 : f32
          %reduce_or3A_387 = arith.cmpf ogt, %reduce_or3A_385, %reduce_or3A_386 : f32
          %convert_element_type3A_388 = arith.extui %reduce_or3A_387 : i1 to i32
          %cond3A_389 = arith.constant 0 : i32
          %cond3A_390 = arith.cmpi ne, %convert_element_type3A_388, %cond3A_389 : i32
          scf.if %cond3A_390 {
            %convert_element_type3A_422 = arith.extui %lt3A_377 : vector<16xi1> to vector<16xi32>
            %broadcast_in_dim3A_423 = arith.constant true
            %broadcast_in_dim3A_424 = vector.broadcast %broadcast_in_dim3A_423 : i1 to vector<16xi1>
            %masked_cumsum3A = tpu.scan <sum>, %convert_element_type3A_422 masked %broadcast_in_dim3A_424 : vector<16xi32>, vector<16xi1> -> vector<16xi32>
            %add3A_425 = arith.addi %scan3A_364, %masked_cumsum3A : vector<16xi32>
            %sub3A_426 = arith.constant 1 : i32
            %sub3A_427 = vector.broadcast %sub3A_426 : i32 to vector<16xi32>
            %sub3A_428 = arith.subi %add3A_425, %sub3A_427 : vector<16xi32>
            %shift_right_arithmetic3A_429 = arith.constant 7 : i32
            %shift_right_arithmetic3A_430 = vector.broadcast %shift_right_arithmetic3A_429 : i32 to vector<16xi32>
            %shift_right_arithmetic3A_431 = arith.shrsi %sub3A_428, %shift_right_arithmetic3A_430 : vector<16xi32>
            %and3A_432 = arith.constant 15 : i32
            %and3A_433 = vector.broadcast %and3A_432 : i32 to vector<16xi32>
            %and3A_434 = arith.andi %shift_right_arithmetic3A_431, %and3A_433 : vector<16xi32>
            %and3A_435 = arith.constant 127 : i32
            %and3A_436 = vector.broadcast %and3A_435 : i32 to vector<16xi32>
            %and3A_437 = arith.andi %sub3A_428, %and3A_436 : vector<16xi32>
            tpu.vector_store_idx %arg9[%and3A_434, %and3A_437], %sub3A_374 masked %lt3A_377 : memref<16x128xi32, #tpu.memory_space<vmem>>[vector<16xi32>, vector<16xi32>], vector<16xi32>, vector<16xi1>
            %get3A_438 = arith.index_cast %and3A_329 : i32 to index
            %get3A_439 = arith.index_cast %mul3A_370 : i32 to index
            %get3A_440 = tpu.vector_load %arg8[%get3A_438, %get3A_439] {strides = array<i32>} : memref<2x1600xi32, #tpu.memory_space<vmem>>, vector<16xi32>,
            tpu.vector_store_idx %arg10[%and3A_434, %and3A_437], %get3A_440 masked %lt3A_377 : memref<16x128xi32, #tpu.memory_space<vmem>>[vector<16xi32>, vector<16xi32>], vector<16xi32>, vector<16xi1>
            %mul3A_441 = arith.constant 16 : i32
            %mul3A_442 = arith.muli %add3A_368, %mul3A_441 : i32
            %add3A_443 = arith.addi %add3A_343, %mul3A_442 : i32
            %add3A_444 = vector.broadcast %add3A_443 : i32 to vector<16xi32>
            %add3A_445 = arith.addi %add3A_444, %iota3A : vector<16xi32>
            tpu.vector_store_idx %arg11[%and3A_434, %and3A_437], %add3A_445 masked %lt3A_377 : memref<16x128xi32, #tpu.memory_space<vmem>>[vector<16xi32>, vector<16xi32>], vector<16xi32>, vector<16xi1>
          } else {
          }
          %add3A_391 = arith.addi %scan3A_364, %all_reduce_population_count3A : vector<16xi32>
          %mul3A_392 = arith.constant 2 : i32
          %mul3A_393 = arith.muli %scan3A_363, %mul3A_392 : i32
          %add3A_394 = arith.constant 1 : i32
          %add3A_395 = arith.addi %mul3A_393, %add3A_394 : i32
          %mul3A_396 = arith.constant 16 : i32
          %mul3A_397 = arith.muli %add3A_395, %mul3A_396 : i32
          %get3A_398 = arith.index_cast %and3A_329 : i32 to index
          %get3A_399 = arith.index_cast %mul3A_397 : i32 to index
          %get3A_400 = tpu.vector_load %arg7[%get3A_398, %get3A_399] {strides = array<i32>} : memref<2x1600xi32, #tpu.memory_space<vmem>>, vector<16xi32>,
          %sub3A_401 = vector.broadcast %mul3A_122 : i32 to vector<16xi32>
          %sub3A_402 = arith.subi %get3A_400, %sub3A_401 : vector<16xi32>
          %lt3A_403 = arith.constant 20000 : i32
          %lt3A_404 = vector.broadcast %lt3A_403 : i32 to vector<16xi32>
          %lt3A_405 = arith.cmpi ult, %sub3A_402, %lt3A_404 : vector<16xi32>
          %all_reduce_population_count3A_406 = tpu.all_reduce %lt3A_405 {dim = 0 : i64, kind = #tpu.reduction_kind<sum>} : vector<16xi1> -> vector<16xi32>
          %reduce_or3A_407 = arith.constant 1.000000e+00 : f32
          %reduce_or3A_408 = arith.constant 0.000000e+00 : f32
          %reduce_or3A_409 = vector.broadcast %reduce_or3A_407 : f32 to vector<16xf32>
          %reduce_or3A_410 = vector.broadcast %reduce_or3A_408 : f32 to vector<16xf32>
          %reduce_or3A_411 = arith.select %lt3A_405, %reduce_or3A_409, %reduce_or3A_410 : vector<16xi1>, vector<16xf32>
          %reduce_or3A_412 = arith.constant true
          %reduce_or3A_413 = vector.broadcast %reduce_or3A_412 : i1 to vector<16xi1>
          %reduce_or3A_414 = tpu.scan <max>, %reduce_or3A_411 masked %reduce_or3A_413 : vector<16xf32>, vector<16xi1> -> vector<16xf32>
          %reduce_or3A_415 = vector.extract %reduce_or3A_414[15] : f32 from vector<16xf32>
          %reduce_or3A_416 = arith.constant 0.000000e+00 : f32
          %reduce_or3A_417 = arith.cmpf ogt, %reduce_or3A_415, %reduce_or3A_416 : f32
          %convert_element_type3A_418 = arith.extui %reduce_or3A_417 : i1 to i32
          %cond3A_419 = arith.constant 0 : i32
          %cond3A_420 = arith.cmpi ne, %convert_element_type3A_418, %cond3A_419 : i32
          scf.if %cond3A_420 {
            %convert_element_type3A_422 = arith.extui %lt3A_405 : vector<16xi1> to vector<16xi32>
            %broadcast_in_dim3A_423 = arith.constant true
            %broadcast_in_dim3A_424 = vector.broadcast %broadcast_in_dim3A_423 : i1 to vector<16xi1>
            %masked_cumsum3A = tpu.scan <sum>, %convert_element_type3A_422 masked %broadcast_in_dim3A_424 : vector<16xi32>, vector<16xi1> -> vector<16xi32>
            %add3A_425 = arith.addi %add3A_391, %masked_cumsum3A : vector<16xi32>
            %sub3A_426 = arith.constant 1 : i32
            %sub3A_427 = vector.broadcast %sub3A_426 : i32 to vector<16xi32>
            %sub3A_428 = arith.subi %add3A_425, %sub3A_427 : vector<16xi32>
            %shift_right_arithmetic3A_429 = arith.constant 7 : i32
            %shift_right_arithmetic3A_430 = vector.broadcast %shift_right_arithmetic3A_429 : i32 to vector<16xi32>
            %shift_right_arithmetic3A_431 = arith.shrsi %sub3A_428, %shift_right_arithmetic3A_430 : vector<16xi32>
            %and3A_432 = arith.constant 15 : i32
            %and3A_433 = vector.broadcast %and3A_432 : i32 to vector<16xi32>
            %and3A_434 = arith.andi %shift_right_arithmetic3A_431, %and3A_433 : vector<16xi32>
            %and3A_435 = arith.constant 127 : i32
            %and3A_436 = vector.broadcast %and3A_435 : i32 to vector<16xi32>
            %and3A_437 = arith.andi %sub3A_428, %and3A_436 : vector<16xi32>
            tpu.vector_store_idx %arg9[%and3A_434, %and3A_437], %sub3A_402 masked %lt3A_405 : memref<16x128xi32, #tpu.memory_space<vmem>>[vector<16xi32>, vector<16xi32>], vector<16xi32>, vector<16xi1>
            %get3A_438 = arith.index_cast %and3A_329 : i32 to index
            %get3A_439 = arith.index_cast %mul3A_397 : i32 to index
            %get3A_440 = tpu.vector_load %arg8[%get3A_438, %get3A_439] {strides = array<i32>} : memref<2x1600xi32, #tpu.memory_space<vmem>>, vector<16xi32>,
            tpu.vector_store_idx %arg10[%and3A_434, %and3A_437], %get3A_440 masked %lt3A_405 : memref<16x128xi32, #tpu.memory_space<vmem>>[vector<16xi32>, vector<16xi32>], vector<16xi32>, vector<16xi1>
            %mul3A_441 = arith.constant 16 : i32
            %mul3A_442 = arith.muli %add3A_395, %mul3A_441 : i32
            %add3A_443 = arith.addi %add3A_343, %mul3A_442 : i32
            %add3A_444 = vector.broadcast %add3A_443 : i32 to vector<16xi32>
            %add3A_445 = arith.addi %add3A_444, %iota3A : vector<16xi32>
            tpu.vector_store_idx %arg11[%and3A_434, %and3A_437], %add3A_445 masked %lt3A_405 : memref<16x128xi32, #tpu.memory_space<vmem>>[vector<16xi32>, vector<16xi32>], vector<16xi32>, vector<16xi1>
          } else {
          }
          %add3A_421 = arith.addi %add3A_391, %all_reduce_population_count3A_406 : vector<16xi32>
          scf.yield %add3A_421 : vector<16xi32>
        }
        %scan3A_349 = arith.constant 50 : i32
        %reduce_max3A_350 = arith.constant true
        %reduce_max3A_351 = vector.broadcast %reduce_max3A_350 : i1 to vector<16xi1>
        %reduce_max3A_352 = arith.constant -2147483648 : i32
        %reduce_max3A_353 = vector.broadcast %reduce_max3A_352 : i32 to vector<16xi32>
        %reduce_max3A_354 = arith.xori %scan3A_348, %reduce_max3A_353 : vector<16xi32>
        %reduce_max3A_355 = tpu.scan <max>, %reduce_max3A_354 masked %reduce_max3A_351 : vector<16xi32>, vector<16xi1> -> vector<16xi32>
        %reduce_max3A_356 = arith.xori %reduce_max3A_355, %reduce_max3A_353 : vector<16xi32>
        %reduce_max3A_357 = vector.extract %reduce_max3A_356[15] : i32 from vector<16xi32>
        %while3A:2 = scf.while (%while3A_363 = %scan3A_326, %while3A_364 = %scan3A_327) : (i32, i32) -> (i32, i32) {
          %sub3A_365 = arith.subi %reduce_max3A_357, %while3A_363 : i32
          %ge3A_366 = arith.constant 128 : i32
          %ge3A_367 = arith.cmpi sge, %sub3A_365, %ge3A_366 : i32
          scf.condition(%ge3A_367) %while3A_363, %while3A_364 : i32, i32
        } do {
        ^bb0(%while3A_363: i32, %while3A_364: i32):
          %eq3A_365 = arith.constant 1 : i32
          %eq3A_366 = arith.cmpi eq, %while3A_364, %eq3A_365 : i32
          %convert_element_type3A_367 = arith.extui %eq3A_366 : i1 to i32
          %cond3A_368 = arith.constant 0 : i32
          %cond3A_369 = arith.cmpi ne, %convert_element_type3A_367, %cond3A_368 : i32
          scf.if %cond3A_369 {
            %shift_right_arithmetic3A_389 = arith.constant 7 : i32
            %shift_right_arithmetic3A_390 = arith.shrsi %while3A_363, %shift_right_arithmetic3A_389 : i32
            %add3A_391 = arith.constant 15 : i32
            %add3A_392 = arith.addi %shift_right_arithmetic3A_390, %add3A_391 : i32
            %and3A_393 = arith.constant 15 : i32
            %and3A_394 = arith.andi %add3A_392, %and3A_393 : i32
            %dma_wait3A_395 = arith.constant 0 : i32
            %dma_wait3A_396 = tpu.memref_slice %arg10[%and3A_394, %dma_wait3A_395] : memref<16x128xi32, #tpu.memory_space<vmem>> -> memref<1x128xi32, #tpu.memory_space<vmem>>
            %dma_wait3A_397 = tpu.memref_squeeze %dma_wait3A_396 : memref<1x128xi32, #tpu.memory_space<vmem>> -> memref<128xi32, #tpu.memory_space<vmem>>
            %dma_wait3A_398 = arith.constant 0 : i32
            %dma_wait3A_399 = arith.constant 0 : i32
            %dma_wait3A_400 = tpu.memref_slice %arg2[%dma_wait3A_398, %dma_wait3A_399] : memref<320000x64xf32, #tpu.memory_space<hbm>> -> memref<320000x64xf32, #tpu.memory_space<hbm>>
            tpu.wait_indirect_dma semaphore(%arg16 : memref<!tpu.dma_semaphore, #tpu.memory_space<semaphore_mem>>) src(%dma_wait3A_400 : memref<320000x64xf32, #tpu.memory_space<hbm>>) dst(%arg12 : memref<128x64xf32, #tpu.memory_space<vmem>>)
            %dma_wait3A_401 = arith.constant 0 : i32
            %dma_wait3A_402 = tpu.memref_slice %arg11[%and3A_394, %dma_wait3A_401] : memref<16x128xi32, #tpu.memory_space<vmem>> -> memref<1x128xi32, #tpu.memory_space<vmem>>
            %dma_wait3A_403 = tpu.memref_squeeze %dma_wait3A_402 : memref<1x128xi32, #tpu.memory_space<vmem>> -> memref<128xi32, #tpu.memory_space<vmem>>
            %dma_wait3A_404 = arith.constant 0 : i32
            %dma_wait3A_405 = arith.constant 0 : i32
            %dma_wait3A_406 = tpu.memref_slice %arg3[%dma_wait3A_404, %dma_wait3A_405] : memref<1280000x64xf32, #tpu.memory_space<hbm>> -> memref<1280000x64xf32, #tpu.memory_space<hbm>>
            tpu.wait_indirect_dma semaphore(%arg17 : memref<!tpu.dma_semaphore, #tpu.memory_space<semaphore_mem>>) src(%dma_wait3A_406 : memref<1280000x64xf32, #tpu.memory_space<hbm>>) dst(%arg13 : memref<128x64xf32, #tpu.memory_space<vmem>>)
            %scan3A_407 = arith.constant 0 : i32
            %scan3A_408 = arith.constant 0 : i32
            %scan3A_409 = arith.constant 32 : i32
            %scan3A_410 = arith.addi %scan3A_408, %scan3A_409 : i32
            %scan3A_411 = arith.constant 1 : i32
            %scan3A_412 = scf.for %scan3A_414 = %scan3A_408 to %scan3A_410 step %scan3A_411 iter_args(%scan3A_415 = %scan3A_407) -> (i32)  : i32 {
              %mul3A_416 = arith.constant 4 : i32
              %mul3A_417 = arith.muli %scan3A_414, %mul3A_416 : i32
              %add3A_418 = arith.constant 0 : i32
              %add3A_419 = arith.addi %mul3A_417, %add3A_418 : i32
              %get3A = arith.index_cast %add3A_419 : i32 to index
              %get3A_420 = arith.constant 0 : index
              %get3A_421 = tpu.vector_load %arg12[%get3A, %get3A_420] {strides = array<i32>} : memref<128x64xf32, #tpu.memory_space<vmem>>, vector<16xf32>,
              %get3A_422 = arith.index_cast %add3A_419 : i32 to index
              %get3A_423 = arith.constant 0 : index
              %get3A_424 = tpu.vector_load %arg13[%get3A_422, %get3A_423] {strides = array<i32>} : memref<128x64xf32, #tpu.memory_space<vmem>>, vector<16xf32>,
              %mul3A_425 = arith.mulf %get3A_421, %get3A_424 : vector<16xf32>
              %swap3A = arith.index_cast %add3A_419 : i32 to index
              %swap3A_426 = arith.constant 0 : index
              %swap3A_427 = tpu.vector_load %arg14[%swap3A, %swap3A_426] {strides = array<i32>} : memref<128x64xf32, #tpu.memory_space<vmem>>, vector<16xf32>,
              tpu.vector_store %arg14[%swap3A, %swap3A_426], %mul3A_425 {strides = array<i32>} : memref<128x64xf32, #tpu.memory_space<vmem>>, vector<16xf32>,
              %get3A_428 = arith.index_cast %add3A_419 : i32 to index
              %get3A_429 = arith.constant 16 : index
              %get3A_430 = tpu.vector_load %arg12[%get3A_428, %get3A_429] {strides = array<i32>} : memref<128x64xf32, #tpu.memory_space<vmem>>, vector<16xf32>,
              %get3A_431 = arith.index_cast %add3A_419 : i32 to index
              %get3A_432 = arith.constant 16 : index
              %get3A_433 = tpu.vector_load %arg13[%get3A_431, %get3A_432] {strides = array<i32>} : memref<128x64xf32, #tpu.memory_space<vmem>>, vector<16xf32>,
              %mul3A_434 = arith.mulf %get3A_430, %get3A_433 : vector<16xf32>
              %swap3A_435 = arith.index_cast %add3A_419 : i32 to index
              %swap3A_436 = arith.constant 16 : index
              %swap3A_437 = tpu.vector_load %arg14[%swap3A_435, %swap3A_436] {strides = array<i32>} : memref<128x64xf32, #tpu.memory_space<vmem>>, vector<16xf32>,
              tpu.vector_store %arg14[%swap3A_435, %swap3A_436], %mul3A_434 {strides = array<i32>} : memref<128x64xf32, #tpu.memory_space<vmem>>, vector<16xf32>,
              %get3A_438 = arith.index_cast %add3A_419 : i32 to index
              %get3A_439 = arith.constant 32 : index
              %get3A_440 = tpu.vector_load %arg12[%get3A_438, %get3A_439] {strides = array<i32>} : memref<128x64xf32, #tpu.memory_space<vmem>>, vector<16xf32>,
              %get3A_441 = arith.index_cast %add3A_419 : i32 to index
              %get3A_442 = arith.constant 32 : index
              %get3A_443 = tpu.vector_load %arg13[%get3A_441, %get3A_442] {strides = array<i32>} : memref<128x64xf32, #tpu.memory_space<vmem>>, vector<16xf32>,
              %mul3A_444 = arith.mulf %get3A_440, %get3A_443 : vector<16xf32>
              %swap3A_445 = arith.index_cast %add3A_419 : i32 to index
              %swap3A_446 = arith.constant 32 : index
              %swap3A_447 = tpu.vector_load %arg14[%swap3A_445, %swap3A_446] {strides = array<i32>} : memref<128x64xf32, #tpu.memory_space<vmem>>, vector<16xf32>,
              tpu.vector_store %arg14[%swap3A_445, %swap3A_446], %mul3A_444 {strides = array<i32>} : memref<128x64xf32, #tpu.memory_space<vmem>>, vector<16xf32>,
              %get3A_448 = arith.index_cast %add3A_419 : i32 to index
              %get3A_449 = arith.constant 48 : index
              %get3A_450 = tpu.vector_load %arg12[%get3A_448, %get3A_449] {strides = array<i32>} : memref<128x64xf32, #tpu.memory_space<vmem>>, vector<16xf32>,
              %get3A_451 = arith.index_cast %add3A_419 : i32 to index
              %get3A_452 = arith.constant 48 : index
              %get3A_453 = tpu.vector_load %arg13[%get3A_451, %get3A_452] {strides = array<i32>} : memref<128x64xf32, #tpu.memory_space<vmem>>, vector<16xf32>,
              %mul3A_454 = arith.mulf %get3A_450, %get3A_453 : vector<16xf32>
              %swap3A_455 = arith.index_cast %add3A_419 : i32 to index
              %swap3A_456 = arith.constant 48 : index
              %swap3A_457 = tpu.vector_load %arg14[%swap3A_455, %swap3A_456] {strides = array<i32>} : memref<128x64xf32, #tpu.memory_space<vmem>>, vector<16xf32>,
              tpu.vector_store %arg14[%swap3A_455, %swap3A_456], %mul3A_454 {strides = array<i32>} : memref<128x64xf32, #tpu.memory_space<vmem>>, vector<16xf32>,
              %mul3A_458 = arith.constant 4 : i32
              %mul3A_459 = arith.muli %scan3A_414, %mul3A_458 : i32
              %add3A_460 = arith.constant 1 : i32
              %add3A_461 = arith.addi %mul3A_459, %add3A_460 : i32
              %get3A_462 = arith.index_cast %add3A_461 : i32 to index
              %get3A_463 = arith.constant 0 : index
              %get3A_464 = tpu.vector_load %arg12[%get3A_462, %get3A_463] {strides = array<i32>} : memref<128x64xf32, #tpu.memory_space<vmem>>, vector<16xf32>,
              %get3A_465 = arith.index_cast %add3A_461 : i32 to index
              %get3A_466 = arith.constant 0 : index
              %get3A_467 = tpu.vector_load %arg13[%get3A_465, %get3A_466] {strides = array<i32>} : memref<128x64xf32, #tpu.memory_space<vmem>>, vector<16xf32>,
              %mul3A_468 = arith.mulf %get3A_464, %get3A_467 : vector<16xf32>
              %swap3A_469 = arith.index_cast %add3A_461 : i32 to index
              %swap3A_470 = arith.constant 0 : index
              %swap3A_471 = tpu.vector_load %arg14[%swap3A_469, %swap3A_470] {strides = array<i32>} : memref<128x64xf32, #tpu.memory_space<vmem>>, vector<16xf32>,
              tpu.vector_store %arg14[%swap3A_469, %swap3A_470], %mul3A_468 {strides = array<i32>} : memref<128x64xf32, #tpu.memory_space<vmem>>, vector<16xf32>,
              %get3A_472 = arith.index_cast %add3A_461 : i32 to index
              %get3A_473 = arith.constant 16 : index
              %get3A_474 = tpu.vector_load %arg12[%get3A_472, %get3A_473] {strides = array<i32>} : memref<128x64xf32, #tpu.memory_space<vmem>>, vector<16xf32>,
              %get3A_475 = arith.index_cast %add3A_461 : i32 to index
              %get3A_476 = arith.constant 16 : index
              %get3A_477 = tpu.vector_load %arg13[%get3A_475, %get3A_476] {strides = array<i32>} : memref<128x64xf32, #tpu.memory_space<vmem>>, vector<16xf32>,
              %mul3A_478 = arith.mulf %get3A_474, %get3A_477 : vector<16xf32>
              %swap3A_479 = arith.index_cast %add3A_461 : i32 to index
              %swap3A_480 = arith.constant 16 : index
              %swap3A_481 = tpu.vector_load %arg14[%swap3A_479, %swap3A_480] {strides = array<i32>} : memref<128x64xf32, #tpu.memory_space<vmem>>, vector<16xf32>,
              tpu.vector_store %arg14[%swap3A_479, %swap3A_480], %mul3A_478 {strides = array<i32>} : memref<128x64xf32, #tpu.memory_space<vmem>>, vector<16xf32>,
              %get3A_482 = arith.index_cast %add3A_461 : i32 to index
              %get3A_483 = arith.constant 32 : index
              %get3A_484 = tpu.vector_load %arg12[%get3A_482, %get3A_483] {strides = array<i32>} : memref<128x64xf32, #tpu.memory_space<vmem>>, vector<16xf32>,
              %get3A_485 = arith.index_cast %add3A_461 : i32 to index
              %get3A_486 = arith.constant 32 : index
              %get3A_487 = tpu.vector_load %arg13[%get3A_485, %get3A_486] {strides = array<i32>} : memref<128x64xf32, #tpu.memory_space<vmem>>, vector<16xf32>,
              %mul3A_488 = arith.mulf %get3A_484, %get3A_487 : vector<16xf32>
              %swap3A_489 = arith.index_cast %add3A_461 : i32 to index
              %swap3A_490 = arith.constant 32 : index
              %swap3A_491 = tpu.vector_load %arg14[%swap3A_489, %swap3A_490] {strides = array<i32>} : memref<128x64xf32, #tpu.memory_space<vmem>>, vector<16xf32>,
              tpu.vector_store %arg14[%swap3A_489, %swap3A_490], %mul3A_488 {strides = array<i32>} : memref<128x64xf32, #tpu.memory_space<vmem>>, vector<16xf32>,
              %get3A_492 = arith.index_cast %add3A_461 : i32 to index
              %get3A_493 = arith.constant 48 : index
              %get3A_494 = tpu.vector_load %arg12[%get3A_492, %get3A_493] {strides = array<i32>} : memref<128x64xf32, #tpu.memory_space<vmem>>, vector<16xf32>,
              %get3A_495 = arith.index_cast %add3A_461 : i32 to index
              %get3A_496 = arith.constant 48 : index
              %get3A_497 = tpu.vector_load %arg13[%get3A_495, %get3A_496] {strides = array<i32>} : memref<128x64xf32, #tpu.memory_space<vmem>>, vector<16xf32>,
              %mul3A_498 = arith.mulf %get3A_494, %get3A_497 : vector<16xf32>
              %swap3A_499 = arith.index_cast %add3A_461 : i32 to index
              %swap3A_500 = arith.constant 48 : index
              %swap3A_501 = tpu.vector_load %arg14[%swap3A_499, %swap3A_500] {strides = array<i32>} : memref<128x64xf32, #tpu.memory_space<vmem>>, vector<16xf32>,
              tpu.vector_store %arg14[%swap3A_499, %swap3A_500], %mul3A_498 {strides = array<i32>} : memref<128x64xf32, #tpu.memory_space<vmem>>, vector<16xf32>,
              %mul3A_502 = arith.constant 4 : i32
              %mul3A_503 = arith.muli %scan3A_414, %mul3A_502 : i32
              %add3A_504 = arith.constant 2 : i32
              %add3A_505 = arith.addi %mul3A_503, %add3A_504 : i32
              %get3A_506 = arith.index_cast %add3A_505 : i32 to index
              %get3A_507 = arith.constant 0 : index
              %get3A_508 = tpu.vector_load %arg12[%get3A_506, %get3A_507] {strides = array<i32>} : memref<128x64xf32, #tpu.memory_space<vmem>>, vector<16xf32>,
              %get3A_509 = arith.index_cast %add3A_505 : i32 to index
              %get3A_510 = arith.constant 0 : index
              %get3A_511 = tpu.vector_load %arg13[%get3A_509, %get3A_510] {strides = array<i32>} : memref<128x64xf32, #tpu.memory_space<vmem>>, vector<16xf32>,
              %mul3A_512 = arith.mulf %get3A_508, %get3A_511 : vector<16xf32>
              %swap3A_513 = arith.index_cast %add3A_505 : i32 to index
              %swap3A_514 = arith.constant 0 : index
              %swap3A_515 = tpu.vector_load %arg14[%swap3A_513, %swap3A_514] {strides = array<i32>} : memref<128x64xf32, #tpu.memory_space<vmem>>, vector<16xf32>,
              tpu.vector_store %arg14[%swap3A_513, %swap3A_514], %mul3A_512 {strides = array<i32>} : memref<128x64xf32, #tpu.memory_space<vmem>>, vector<16xf32>,
              %get3A_516 = arith.index_cast %add3A_505 : i32 to index
              %get3A_517 = arith.constant 16 : index
              %get3A_518 = tpu.vector_load %arg12[%get3A_516, %get3A_517] {strides = array<i32>} : memref<128x64xf32, #tpu.memory_space<vmem>>, vector<16xf32>,
              %get3A_519 = arith.index_cast %add3A_505 : i32 to index
              %get3A_520 = arith.constant 16 : index
              %get3A_521 = tpu.vector_load %arg13[%get3A_519, %get3A_520] {strides = array<i32>} : memref<128x64xf32, #tpu.memory_space<vmem>>, vector<16xf32>,
              %mul3A_522 = arith.mulf %get3A_518, %get3A_521 : vector<16xf32>
              %swap3A_523 = arith.index_cast %add3A_505 : i32 to index
              %swap3A_524 = arith.constant 16 : index
              %swap3A_525 = tpu.vector_load %arg14[%swap3A_523, %swap3A_524] {strides = array<i32>} : memref<128x64xf32, #tpu.memory_space<vmem>>, vector<16xf32>,
              tpu.vector_store %arg14[%swap3A_523, %swap3A_524], %mul3A_522 {strides = array<i32>} : memref<128x64xf32, #tpu.memory_space<vmem>>, vector<16xf32>,
              %get3A_526 = arith.index_cast %add3A_505 : i32 to index
              %get3A_527 = arith.constant 32 : index
              %get3A_528 = tpu.vector_load %arg12[%get3A_526, %get3A_527] {strides = array<i32>} : memref<128x64xf32, #tpu.memory_space<vmem>>, vector<16xf32>,
              %get3A_529 = arith.index_cast %add3A_505 : i32 to index
              %get3A_530 = arith.constant 32 : index
              %get3A_531 = tpu.vector_load %arg13[%get3A_529, %get3A_530] {strides = array<i32>} : memref<128x64xf32, #tpu.memory_space<vmem>>, vector<16xf32>,
              %mul3A_532 = arith.mulf %get3A_528, %get3A_531 : vector<16xf32>
              %swap3A_533 = arith.index_cast %add3A_505 : i32 to index
              %swap3A_534 = arith.constant 32 : index
              %swap3A_535 = tpu.vector_load %arg14[%swap3A_533, %swap3A_534] {strides = array<i32>} : memref<128x64xf32, #tpu.memory_space<vmem>>, vector<16xf32>,
              tpu.vector_store %arg14[%swap3A_533, %swap3A_534], %mul3A_532 {strides = array<i32>} : memref<128x64xf32, #tpu.memory_space<vmem>>, vector<16xf32>,
              %get3A_536 = arith.index_cast %add3A_505 : i32 to index
              %get3A_537 = arith.constant 48 : index
              %get3A_538 = tpu.vector_load %arg12[%get3A_536, %get3A_537] {strides = array<i32>} : memref<128x64xf32, #tpu.memory_space<vmem>>, vector<16xf32>,
              %get3A_539 = arith.index_cast %add3A_505 : i32 to index
              %get3A_540 = arith.constant 48 : index
              %get3A_541 = tpu.vector_load %arg13[%get3A_539, %get3A_540] {strides = array<i32>} : memref<128x64xf32, #tpu.memory_space<vmem>>, vector<16xf32>,
              %mul3A_542 = arith.mulf %get3A_538, %get3A_541 : vector<16xf32>
              %swap3A_543 = arith.index_cast %add3A_505 : i32 to index
              %swap3A_544 = arith.constant 48 : index
              %swap3A_545 = tpu.vector_load %arg14[%swap3A_543, %swap3A_544] {strides = array<i32>} : memref<128x64xf32, #tpu.memory_space<vmem>>, vector<16xf32>,
              tpu.vector_store %arg14[%swap3A_543, %swap3A_544], %mul3A_542 {strides = array<i32>} : memref<128x64xf32, #tpu.memory_space<vmem>>, vector<16xf32>,
              %mul3A_546 = arith.constant 4 : i32
              %mul3A_547 = arith.muli %scan3A_414, %mul3A_546 : i32
              %add3A_548 = arith.constant 3 : i32
              %add3A_549 = arith.addi %mul3A_547, %add3A_548 : i32
              %get3A_550 = arith.index_cast %add3A_549 : i32 to index
              %get3A_551 = arith.constant 0 : index
              %get3A_552 = tpu.vector_load %arg12[%get3A_550, %get3A_551] {strides = array<i32>} : memref<128x64xf32, #tpu.memory_space<vmem>>, vector<16xf32>,
              %get3A_553 = arith.index_cast %add3A_549 : i32 to index
              %get3A_554 = arith.constant 0 : index
              %get3A_555 = tpu.vector_load %arg13[%get3A_553, %get3A_554] {strides = array<i32>} : memref<128x64xf32, #tpu.memory_space<vmem>>, vector<16xf32>,
              %mul3A_556 = arith.mulf %get3A_552, %get3A_555 : vector<16xf32>
              %swap3A_557 = arith.index_cast %add3A_549 : i32 to index
              %swap3A_558 = arith.constant 0 : index
              %swap3A_559 = tpu.vector_load %arg14[%swap3A_557, %swap3A_558] {strides = array<i32>} : memref<128x64xf32, #tpu.memory_space<vmem>>, vector<16xf32>,
              tpu.vector_store %arg14[%swap3A_557, %swap3A_558], %mul3A_556 {strides = array<i32>} : memref<128x64xf32, #tpu.memory_space<vmem>>, vector<16xf32>,
              %get3A_560 = arith.index_cast %add3A_549 : i32 to index
              %get3A_561 = arith.constant 16 : index
              %get3A_562 = tpu.vector_load %arg12[%get3A_560, %get3A_561] {strides = array<i32>} : memref<128x64xf32, #tpu.memory_space<vmem>>, vector<16xf32>,
              %get3A_563 = arith.index_cast %add3A_549 : i32 to index
              %get3A_564 = arith.constant 16 : index
              %get3A_565 = tpu.vector_load %arg13[%get3A_563, %get3A_564] {strides = array<i32>} : memref<128x64xf32, #tpu.memory_space<vmem>>, vector<16xf32>,
              %mul3A_566 = arith.mulf %get3A_562, %get3A_565 : vector<16xf32>
              %swap3A_567 = arith.index_cast %add3A_549 : i32 to index
              %swap3A_568 = arith.constant 16 : index
              %swap3A_569 = tpu.vector_load %arg14[%swap3A_567, %swap3A_568] {strides = array<i32>} : memref<128x64xf32, #tpu.memory_space<vmem>>, vector<16xf32>,
              tpu.vector_store %arg14[%swap3A_567, %swap3A_568], %mul3A_566 {strides = array<i32>} : memref<128x64xf32, #tpu.memory_space<vmem>>, vector<16xf32>,
              %get3A_570 = arith.index_cast %add3A_549 : i32 to index
              %get3A_571 = arith.constant 32 : index
              %get3A_572 = tpu.vector_load %arg12[%get3A_570, %get3A_571] {strides = array<i32>} : memref<128x64xf32, #tpu.memory_space<vmem>>, vector<16xf32>,
              %get3A_573 = arith.index_cast %add3A_549 : i32 to index
              %get3A_574 = arith.constant 32 : index
              %get3A_575 = tpu.vector_load %arg13[%get3A_573, %get3A_574] {strides = array<i32>} : memref<128x64xf32, #tpu.memory_space<vmem>>, vector<16xf32>,
              %mul3A_576 = arith.mulf %get3A_572, %get3A_575 : vector<16xf32>
              %swap3A_577 = arith.index_cast %add3A_549 : i32 to index
              %swap3A_578 = arith.constant 32 : index
              %swap3A_579 = tpu.vector_load %arg14[%swap3A_577, %swap3A_578] {strides = array<i32>} : memref<128x64xf32, #tpu.memory_space<vmem>>, vector<16xf32>,
              tpu.vector_store %arg14[%swap3A_577, %swap3A_578], %mul3A_576 {strides = array<i32>} : memref<128x64xf32, #tpu.memory_space<vmem>>, vector<16xf32>,
              %get3A_580 = arith.index_cast %add3A_549 : i32 to index
              %get3A_581 = arith.constant 48 : index
              %get3A_582 = tpu.vector_load %arg12[%get3A_580, %get3A_581] {strides = array<i32>} : memref<128x64xf32, #tpu.memory_space<vmem>>, vector<16xf32>,
              %get3A_583 = arith.index_cast %add3A_549 : i32 to index
              %get3A_584 = arith.constant 48 : index
              %get3A_585 = tpu.vector_load %arg13[%get3A_583, %get3A_584] {strides = array<i32>} : memref<128x64xf32, #tpu.memory_space<vmem>>, vector<16xf32>,
              %mul3A_586 = arith.mulf %get3A_582, %get3A_585 : vector<16xf32>
              %swap3A_587 = arith.index_cast %add3A_549 : i32 to index
              %swap3A_588 = arith.constant 48 : index
              %swap3A_589 = tpu.vector_load %arg14[%swap3A_587, %swap3A_588] {strides = array<i32>} : memref<128x64xf32, #tpu.memory_space<vmem>>, vector<16xf32>,
              tpu.vector_store %arg14[%swap3A_587, %swap3A_588], %mul3A_586 {strides = array<i32>} : memref<128x64xf32, #tpu.memory_space<vmem>>, vector<16xf32>,
              %scan3A_590 = arith.constant 0 : i32
              scf.yield %scan3A_590 : i32
            }
            %scan3A_413 = arith.constant 32 : i32
            "tpu.region"() ({
              %run_scoped3A_414 = tpu.sem_alloc : memref<!tpu.dma_semaphore, #tpu.memory_space<semaphore_mem>>
              %dma_start3A_415 = arith.constant 0 : i32
              %dma_start3A_416 = tpu.memref_slice %arg9[%and3A_394, %dma_start3A_415] : memref<16x128xi32, #tpu.memory_space<vmem>> -> memref<1x128xi32, #tpu.memory_space<vmem>>
              %dma_start3A_417 = tpu.memref_squeeze %dma_start3A_416 : memref<1x128xi32, #tpu.memory_space<vmem>> -> memref<128xi32, #tpu.memory_space<vmem>>
              %dma_start3A_418 = arith.constant 0 : i32
              %dma_start3A_419 = arith.constant 0 : i32
              %dma_start3A_420 = tpu.memref_slice %arg15[%dma_start3A_418, %dma_start3A_419] : memref<20016x64xf32, #tpu.memory_space<vmem_shared>> -> memref<20016x64xf32, #tpu.memory_space<vmem_shared>>
              tpu.enqueue_indirect_dma source(%arg14 : memref<128x64xf32, #tpu.memory_space<vmem>>) target(%dma_start3A_420 : memref<20016x64xf32, #tpu.memory_space<vmem_shared>>) offsets(%dma_start3A_417 : memref<128xi32, #tpu.memory_space<vmem>>) semaphore(%run_scoped3A_414 : memref<!tpu.dma_semaphore, #tpu.memory_space<semaphore_mem>>) {add = true}
              %dma_wait3A_421 = arith.constant 0 : i32
              %dma_wait3A_422 = tpu.memref_slice %arg9[%and3A_394, %dma_wait3A_421] : memref<16x128xi32, #tpu.memory_space<vmem>> -> memref<1x128xi32, #tpu.memory_space<vmem>>
              %dma_wait3A_423 = tpu.memref_squeeze %dma_wait3A_422 : memref<1x128xi32, #tpu.memory_space<vmem>> -> memref<128xi32, #tpu.memory_space<vmem>>
              %dma_wait3A_424 = arith.constant 0 : i32
              %dma_wait3A_425 = arith.constant 0 : i32
              %dma_wait3A_426 = tpu.memref_slice %arg15[%dma_wait3A_424, %dma_wait3A_425] : memref<20016x64xf32, #tpu.memory_space<vmem_shared>> -> memref<20016x64xf32, #tpu.memory_space<vmem_shared>>
              tpu.wait_indirect_dma semaphore(%run_scoped3A_414 : memref<!tpu.dma_semaphore, #tpu.memory_space<semaphore_mem>>) src(%arg14 : memref<128x64xf32, #tpu.memory_space<vmem>>) dst(%dma_wait3A_426 : memref<20016x64xf32, #tpu.memory_space<vmem_shared>>)
              tpu.yield
            }) : () -> ()
          } else {
          }
          %shift_right_arithmetic3A_370 = arith.constant 7 : i32
          %shift_right_arithmetic3A_371 = arith.shrsi %while3A_363, %shift_right_arithmetic3A_370 : i32
          %and3A_372 = arith.constant 15 : i32
          %and3A_373 = arith.andi %shift_right_arithmetic3A_371, %and3A_372 : i32
          %dma_start3A_374 = arith.constant 0 : i32
          %dma_start3A_375 = tpu.memref_slice %arg10[%and3A_373, %dma_start3A_374] : memref<16x128xi32, #tpu.memory_space<vmem>> -> memref<1x128xi32, #tpu.memory_space<vmem>>
          %dma_start3A_376 = tpu.memref_squeeze %dma_start3A_375 : memref<1x128xi32, #tpu.memory_space<vmem>> -> memref<128xi32, #tpu.memory_space<vmem>>
          %dma_start3A_377 = arith.constant 0 : i32
          %dma_start3A_378 = arith.constant 0 : i32
          %dma_start3A_379 = tpu.memref_slice %arg2[%dma_start3A_377, %dma_start3A_378] : memref<320000x64xf32, #tpu.memory_space<hbm>> -> memref<320000x64xf32, #tpu.memory_space<hbm>>
          tpu.enqueue_indirect_dma source(%dma_start3A_379 : memref<320000x64xf32, #tpu.memory_space<hbm>>) target(%arg12 : memref<128x64xf32, #tpu.memory_space<vmem>>) offsets(%dma_start3A_376 : memref<128xi32, #tpu.memory_space<vmem>>) semaphore(%arg16 : memref<!tpu.dma_semaphore, #tpu.memory_space<semaphore_mem>>)
          %dma_start3A_380 = arith.constant 0 : i32
          %dma_start3A_381 = tpu.memref_slice %arg11[%and3A_373, %dma_start3A_380] : memref<16x128xi32, #tpu.memory_space<vmem>> -> memref<1x128xi32, #tpu.memory_space<vmem>>
          %dma_start3A_382 = tpu.memref_squeeze %dma_start3A_381 : memref<1x128xi32, #tpu.memory_space<vmem>> -> memref<128xi32, #tpu.memory_space<vmem>>
          %dma_start3A_383 = arith.constant 0 : i32
          %dma_start3A_384 = arith.constant 0 : i32
          %dma_start3A_385 = tpu.memref_slice %arg3[%dma_start3A_383, %dma_start3A_384] : memref<1280000x64xf32, #tpu.memory_space<hbm>> -> memref<1280000x64xf32, #tpu.memory_space<hbm>>
          tpu.enqueue_indirect_dma source(%dma_start3A_385 : memref<1280000x64xf32, #tpu.memory_space<hbm>>) target(%arg13 : memref<128x64xf32, #tpu.memory_space<vmem>>) offsets(%dma_start3A_382 : memref<128xi32, #tpu.memory_space<vmem>>) semaphore(%arg17 : memref<!tpu.dma_semaphore, #tpu.memory_space<semaphore_mem>>)
          %add3A_386 = arith.constant 128 : i32
          %add3A_387 = arith.addi %while3A_363, %add3A_386 : i32
          %while3A_388 = arith.constant 1 : i32
          scf.yield %add3A_387, %while3A_388 : i32, i32
        }
        %lt3A_358 = arith.constant 50 : i32
        %lt3A_359 = arith.cmpi slt, %add3A_331, %lt3A_358 : i32
        %convert_element_type3A_360 = arith.extui %lt3A_359 : i1 to i32
        %cond3A_361 = arith.constant 0 : i32
        %cond3A_362 = arith.cmpi ne, %convert_element_type3A_360, %cond3A_361 : i32
        scf.if %cond3A_362 {
          %dma_wait3A_363 = arith.constant 0 : i32
          %dma_wait3A_364 = tpu.memref_slice %arg7[%and3A_336, %dma_wait3A_363] : memref<2x1600xi32, #tpu.memory_space<vmem>> -> memref<1x1600xi32, #tpu.memory_space<vmem>>
          %dma_wait3A_365 = tpu.memref_squeeze %dma_wait3A_364 : memref<1x1600xi32, #tpu.memory_space<vmem>> -> memref<1600xi32, #tpu.memory_space<vmem>>
          %dma_wait3A_366 = tpu.memref_slice %arg4[%add3A_334] : memref<1280000xi32, #tpu.memory_space<hbm>> -> memref<1600xi32, #tpu.memory_space<hbm>>
          %dma_wait3A_367 = arith.constant 0 : i32
          %dma_wait3A_368 = tpu.memref_slice %arg7[%and3A_336, %dma_wait3A_367] : memref<2x1600xi32, #tpu.memory_space<vmem>> -> memref<1x1600xi32, #tpu.memory_space<vmem>>
          %dma_wait3A_369 = tpu.memref_squeeze %dma_wait3A_368 : memref<1x1600xi32, #tpu.memory_space<vmem>> -> memref<1600xi32, #tpu.memory_space<vmem>>
          %dma_wait3A_370 = tpu.memref_slice %arg4[%add3A_334] : memref<1280000xi32, #tpu.memory_space<hbm>> -> memref<1600xi32, #tpu.memory_space<hbm>>
          tpu.wait_dma2 semaphore(%arg18 : memref<!tpu.dma_semaphore, #tpu.memory_space<semaphore_mem>>) src(%dma_wait3A_370 : memref<1600xi32, #tpu.memory_space<hbm>>) dst(%dma_wait3A_369 : memref<1600xi32, #tpu.memory_space<vmem>>)
          %dma_wait3A_371 = arith.constant 0 : i32
          %dma_wait3A_372 = tpu.memref_slice %arg8[%and3A_336, %dma_wait3A_371] : memref<2x1600xi32, #tpu.memory_space<vmem>> -> memref<1x1600xi32, #tpu.memory_space<vmem>>
          %dma_wait3A_373 = tpu.memref_squeeze %dma_wait3A_372 : memref<1x1600xi32, #tpu.memory_space<vmem>> -> memref<1600xi32, #tpu.memory_space<vmem>>
          %dma_wait3A_374 = tpu.memref_slice %arg5[%add3A_334] : memref<1280000xi32, #tpu.memory_space<hbm>> -> memref<1600xi32, #tpu.memory_space<hbm>>
          %dma_wait3A_375 = arith.constant 0 : i32
          %dma_wait3A_376 = tpu.memref_slice %arg8[%and3A_336, %dma_wait3A_375] : memref<2x1600xi32, #tpu.memory_space<vmem>> -> memref<1x1600xi32, #tpu.memory_space<vmem>>
          %dma_wait3A_377 = tpu.memref_squeeze %dma_wait3A_376 : memref<1x1600xi32, #tpu.memory_space<vmem>> -> memref<1600xi32, #tpu.memory_space<vmem>>
          %dma_wait3A_378 = tpu.memref_slice %arg5[%add3A_334] : memref<1280000xi32, #tpu.memory_space<hbm>> -> memref<1600xi32, #tpu.memory_space<hbm>>
          tpu.wait_dma2 semaphore(%arg19 : memref<!tpu.dma_semaphore, #tpu.memory_space<semaphore_mem>>) src(%dma_wait3A_378 : memref<1600xi32, #tpu.memory_space<hbm>>) dst(%dma_wait3A_377 : memref<1600xi32, #tpu.memory_space<vmem>>)
        } else {
        }
        scf.yield %scan3A_348, %while3A#0, %while3A#1 : vector<16xi32>, i32, i32
      }
      %scan3A_163 = arith.constant 50 : i32
      %eq3A = arith.constant 1 : i32
      %eq3A_164 = arith.cmpi eq, %scan3A_162#2, %eq3A : i32
      %convert_element_type3A = arith.extui %eq3A_164 : i1 to i32
      %cond3A = arith.constant 0 : i32
      %cond3A_165 = arith.cmpi ne, %convert_element_type3A, %cond3A : i32
      scf.if %cond3A_165 {
        %shift_right_arithmetic3A_324 = arith.constant 7 : i32
        %shift_right_arithmetic3A_325 = arith.shrsi %scan3A_162#1, %shift_right_arithmetic3A_324 : i32
        %add3A_326 = arith.constant 15 : i32
        %add3A_327 = arith.addi %shift_right_arithmetic3A_325, %add3A_326 : i32
        %and3A_328 = arith.constant 15 : i32
        %and3A_329 = arith.andi %add3A_327, %and3A_328 : i32
        %dma_wait3A_330 = arith.constant 0 : i32
        %dma_wait3A_331 = tpu.memref_slice %arg10[%and3A_329, %dma_wait3A_330] : memref<16x128xi32, #tpu.memory_space<vmem>> -> memref<1x128xi32, #tpu.memory_space<vmem>>
        %dma_wait3A_332 = tpu.memref_squeeze %dma_wait3A_331 : memref<1x128xi32, #tpu.memory_space<vmem>> -> memref<128xi32, #tpu.memory_space<vmem>>
        %dma_wait3A_333 = arith.constant 0 : i32
        %dma_wait3A_334 = arith.constant 0 : i32
        %dma_wait3A_335 = tpu.memref_slice %arg2[%dma_wait3A_333, %dma_wait3A_334] : memref<320000x64xf32, #tpu.memory_space<hbm>> -> memref<320000x64xf32, #tpu.memory_space<hbm>>
        tpu.wait_indirect_dma semaphore(%arg16 : memref<!tpu.dma_semaphore, #tpu.memory_space<semaphore_mem>>) src(%dma_wait3A_335 : memref<320000x64xf32, #tpu.memory_space<hbm>>) dst(%arg12 : memref<128x64xf32, #tpu.memory_space<vmem>>)
        %dma_wait3A_336 = arith.constant 0 : i32
        %dma_wait3A_337 = tpu.memref_slice %arg11[%and3A_329, %dma_wait3A_336] : memref<16x128xi32, #tpu.memory_space<vmem>> -> memref<1x128xi32, #tpu.memory_space<vmem>>
        %dma_wait3A_338 = tpu.memref_squeeze %dma_wait3A_337 : memref<1x128xi32, #tpu.memory_space<vmem>> -> memref<128xi32, #tpu.memory_space<vmem>>
        %dma_wait3A_339 = arith.constant 0 : i32
        %dma_wait3A_340 = arith.constant 0 : i32
        %dma_wait3A_341 = tpu.memref_slice %arg3[%dma_wait3A_339, %dma_wait3A_340] : memref<1280000x64xf32, #tpu.memory_space<hbm>> -> memref<1280000x64xf32, #tpu.memory_space<hbm>>
        tpu.wait_indirect_dma semaphore(%arg17 : memref<!tpu.dma_semaphore, #tpu.memory_space<semaphore_mem>>) src(%dma_wait3A_341 : memref<1280000x64xf32, #tpu.memory_space<hbm>>) dst(%arg13 : memref<128x64xf32, #tpu.memory_space<vmem>>)
        %scan3A_342 = arith.constant 0 : i32
        %scan3A_343 = arith.constant 0 : i32
        %scan3A_344 = arith.constant 32 : i32
        %scan3A_345 = arith.addi %scan3A_343, %scan3A_344 : i32
        %scan3A_346 = arith.constant 1 : i32
        %scan3A_347 = scf.for %scan3A_349 = %scan3A_343 to %scan3A_345 step %scan3A_346 iter_args(%scan3A_350 = %scan3A_342) -> (i32)  : i32 {
          %mul3A_351 = arith.constant 4 : i32
          %mul3A_352 = arith.muli %scan3A_349, %mul3A_351 : i32
          %add3A_353 = arith.constant 0 : i32
          %add3A_354 = arith.addi %mul3A_352, %add3A_353 : i32
          %get3A = arith.index_cast %add3A_354 : i32 to index
          %get3A_355 = arith.constant 0 : index
          %get3A_356 = tpu.vector_load %arg12[%get3A, %get3A_355] {strides = array<i32>} : memref<128x64xf32, #tpu.memory_space<vmem>>, vector<16xf32>,
          %get3A_357 = arith.index_cast %add3A_354 : i32 to index
          %get3A_358 = arith.constant 0 : index
          %get3A_359 = tpu.vector_load %arg13[%get3A_357, %get3A_358] {strides = array<i32>} : memref<128x64xf32, #tpu.memory_space<vmem>>, vector<16xf32>,
          %mul3A_360 = arith.mulf %get3A_356, %get3A_359 : vector<16xf32>
          %swap3A = arith.index_cast %add3A_354 : i32 to index
          %swap3A_361 = arith.constant 0 : index
          %swap3A_362 = tpu.vector_load %arg14[%swap3A, %swap3A_361] {strides = array<i32>} : memref<128x64xf32, #tpu.memory_space<vmem>>, vector<16xf32>,
          tpu.vector_store %arg14[%swap3A, %swap3A_361], %mul3A_360 {strides = array<i32>} : memref<128x64xf32, #tpu.memory_space<vmem>>, vector<16xf32>,
          %get3A_363 = arith.index_cast %add3A_354 : i32 to index
          %get3A_364 = arith.constant 16 : index
          %get3A_365 = tpu.vector_load %arg12[%get3A_363, %get3A_364] {strides = array<i32>} : memref<128x64xf32, #tpu.memory_space<vmem>>, vector<16xf32>,
          %get3A_366 = arith.index_cast %add3A_354 : i32 to index
          %get3A_367 = arith.constant 16 : index
          %get3A_368 = tpu.vector_load %arg13[%get3A_366, %get3A_367] {strides = array<i32>} : memref<128x64xf32, #tpu.memory_space<vmem>>, vector<16xf32>,
          %mul3A_369 = arith.mulf %get3A_365, %get3A_368 : vector<16xf32>
          %swap3A_370 = arith.index_cast %add3A_354 : i32 to index
          %swap3A_371 = arith.constant 16 : index
          %swap3A_372 = tpu.vector_load %arg14[%swap3A_370, %swap3A_371] {strides = array<i32>} : memref<128x64xf32, #tpu.memory_space<vmem>>, vector<16xf32>,
          tpu.vector_store %arg14[%swap3A_370, %swap3A_371], %mul3A_369 {strides = array<i32>} : memref<128x64xf32, #tpu.memory_space<vmem>>, vector<16xf32>,
          %get3A_373 = arith.index_cast %add3A_354 : i32 to index
          %get3A_374 = arith.constant 32 : index
          %get3A_375 = tpu.vector_load %arg12[%get3A_373, %get3A_374] {strides = array<i32>} : memref<128x64xf32, #tpu.memory_space<vmem>>, vector<16xf32>,
          %get3A_376 = arith.index_cast %add3A_354 : i32 to index
          %get3A_377 = arith.constant 32 : index
          %get3A_378 = tpu.vector_load %arg13[%get3A_376, %get3A_377] {strides = array<i32>} : memref<128x64xf32, #tpu.memory_space<vmem>>, vector<16xf32>,
          %mul3A_379 = arith.mulf %get3A_375, %get3A_378 : vector<16xf32>
          %swap3A_380 = arith.index_cast %add3A_354 : i32 to index
          %swap3A_381 = arith.constant 32 : index
          %swap3A_382 = tpu.vector_load %arg14[%swap3A_380, %swap3A_381] {strides = array<i32>} : memref<128x64xf32, #tpu.memory_space<vmem>>, vector<16xf32>,
          tpu.vector_store %arg14[%swap3A_380, %swap3A_381], %mul3A_379 {strides = array<i32>} : memref<128x64xf32, #tpu.memory_space<vmem>>, vector<16xf32>,
          %get3A_383 = arith.index_cast %add3A_354 : i32 to index
          %get3A_384 = arith.constant 48 : index
          %get3A_385 = tpu.vector_load %arg12[%get3A_383, %get3A_384] {strides = array<i32>} : memref<128x64xf32, #tpu.memory_space<vmem>>, vector<16xf32>,
          %get3A_386 = arith.index_cast %add3A_354 : i32 to index
          %get3A_387 = arith.constant 48 : index
          %get3A_388 = tpu.vector_load %arg13[%get3A_386, %get3A_387] {strides = array<i32>} : memref<128x64xf32, #tpu.memory_space<vmem>>, vector<16xf32>,
          %mul3A_389 = arith.mulf %get3A_385, %get3A_388 : vector<16xf32>
          %swap3A_390 = arith.index_cast %add3A_354 : i32 to index
          %swap3A_391 = arith.constant 48 : index
          %swap3A_392 = tpu.vector_load %arg14[%swap3A_390, %swap3A_391] {strides = array<i32>} : memref<128x64xf32, #tpu.memory_space<vmem>>, vector<16xf32>,
          tpu.vector_store %arg14[%swap3A_390, %swap3A_391], %mul3A_389 {strides = array<i32>} : memref<128x64xf32, #tpu.memory_space<vmem>>, vector<16xf32>,
          %mul3A_393 = arith.constant 4 : i32
          %mul3A_394 = arith.muli %scan3A_349, %mul3A_393 : i32
          %add3A_395 = arith.constant 1 : i32
          %add3A_396 = arith.addi %mul3A_394, %add3A_395 : i32
          %get3A_397 = arith.index_cast %add3A_396 : i32 to index
          %get3A_398 = arith.constant 0 : index
          %get3A_399 = tpu.vector_load %arg12[%get3A_397, %get3A_398] {strides = array<i32>} : memref<128x64xf32, #tpu.memory_space<vmem>>, vector<16xf32>,
          %get3A_400 = arith.index_cast %add3A_396 : i32 to index
          %get3A_401 = arith.constant 0 : index
          %get3A_402 = tpu.vector_load %arg13[%get3A_400, %get3A_401] {strides = array<i32>} : memref<128x64xf32, #tpu.memory_space<vmem>>, vector<16xf32>,
          %mul3A_403 = arith.mulf %get3A_399, %get3A_402 : vector<16xf32>
          %swap3A_404 = arith.index_cast %add3A_396 : i32 to index
          %swap3A_405 = arith.constant 0 : index
          %swap3A_406 = tpu.vector_load %arg14[%swap3A_404, %swap3A_405] {strides = array<i32>} : memref<128x64xf32, #tpu.memory_space<vmem>>, vector<16xf32>,
          tpu.vector_store %arg14[%swap3A_404, %swap3A_405], %mul3A_403 {strides = array<i32>} : memref<128x64xf32, #tpu.memory_space<vmem>>, vector<16xf32>,
          %get3A_407 = arith.index_cast %add3A_396 : i32 to index
          %get3A_408 = arith.constant 16 : index
          %get3A_409 = tpu.vector_load %arg12[%get3A_407, %get3A_408] {strides = array<i32>} : memref<128x64xf32, #tpu.memory_space<vmem>>, vector<16xf32>,
          %get3A_410 = arith.index_cast %add3A_396 : i32 to index
          %get3A_411 = arith.constant 16 : index
          %get3A_412 = tpu.vector_load %arg13[%get3A_410, %get3A_411] {strides = array<i32>} : memref<128x64xf32, #tpu.memory_space<vmem>>, vector<16xf32>,
          %mul3A_413 = arith.mulf %get3A_409, %get3A_412 : vector<16xf32>
          %swap3A_414 = arith.index_cast %add3A_396 : i32 to index
          %swap3A_415 = arith.constant 16 : index
          %swap3A_416 = tpu.vector_load %arg14[%swap3A_414, %swap3A_415] {strides = array<i32>} : memref<128x64xf32, #tpu.memory_space<vmem>>, vector<16xf32>,
          tpu.vector_store %arg14[%swap3A_414, %swap3A_415], %mul3A_413 {strides = array<i32>} : memref<128x64xf32, #tpu.memory_space<vmem>>, vector<16xf32>,
          %get3A_417 = arith.index_cast %add3A_396 : i32 to index
          %get3A_418 = arith.constant 32 : index
          %get3A_419 = tpu.vector_load %arg12[%get3A_417, %get3A_418] {strides = array<i32>} : memref<128x64xf32, #tpu.memory_space<vmem>>, vector<16xf32>,
          %get3A_420 = arith.index_cast %add3A_396 : i32 to index
          %get3A_421 = arith.constant 32 : index
          %get3A_422 = tpu.vector_load %arg13[%get3A_420, %get3A_421] {strides = array<i32>} : memref<128x64xf32, #tpu.memory_space<vmem>>, vector<16xf32>,
          %mul3A_423 = arith.mulf %get3A_419, %get3A_422 : vector<16xf32>
          %swap3A_424 = arith.index_cast %add3A_396 : i32 to index
          %swap3A_425 = arith.constant 32 : index
          %swap3A_426 = tpu.vector_load %arg14[%swap3A_424, %swap3A_425] {strides = array<i32>} : memref<128x64xf32, #tpu.memory_space<vmem>>, vector<16xf32>,
          tpu.vector_store %arg14[%swap3A_424, %swap3A_425], %mul3A_423 {strides = array<i32>} : memref<128x64xf32, #tpu.memory_space<vmem>>, vector<16xf32>,
          %get3A_427 = arith.index_cast %add3A_396 : i32 to index
          %get3A_428 = arith.constant 48 : index
          %get3A_429 = tpu.vector_load %arg12[%get3A_427, %get3A_428] {strides = array<i32>} : memref<128x64xf32, #tpu.memory_space<vmem>>, vector<16xf32>,
          %get3A_430 = arith.index_cast %add3A_396 : i32 to index
          %get3A_431 = arith.constant 48 : index
          %get3A_432 = tpu.vector_load %arg13[%get3A_430, %get3A_431] {strides = array<i32>} : memref<128x64xf32, #tpu.memory_space<vmem>>, vector<16xf32>,
          %mul3A_433 = arith.mulf %get3A_429, %get3A_432 : vector<16xf32>
          %swap3A_434 = arith.index_cast %add3A_396 : i32 to index
          %swap3A_435 = arith.constant 48 : index
          %swap3A_436 = tpu.vector_load %arg14[%swap3A_434, %swap3A_435] {strides = array<i32>} : memref<128x64xf32, #tpu.memory_space<vmem>>, vector<16xf32>,
          tpu.vector_store %arg14[%swap3A_434, %swap3A_435], %mul3A_433 {strides = array<i32>} : memref<128x64xf32, #tpu.memory_space<vmem>>, vector<16xf32>,
          %mul3A_437 = arith.constant 4 : i32
          %mul3A_438 = arith.muli %scan3A_349, %mul3A_437 : i32
          %add3A_439 = arith.constant 2 : i32
          %add3A_440 = arith.addi %mul3A_438, %add3A_439 : i32
          %get3A_441 = arith.index_cast %add3A_440 : i32 to index
          %get3A_442 = arith.constant 0 : index
          %get3A_443 = tpu.vector_load %arg12[%get3A_441, %get3A_442] {strides = array<i32>} : memref<128x64xf32, #tpu.memory_space<vmem>>, vector<16xf32>,
          %get3A_444 = arith.index_cast %add3A_440 : i32 to index
          %get3A_445 = arith.constant 0 : index
          %get3A_446 = tpu.vector_load %arg13[%get3A_444, %get3A_445] {strides = array<i32>} : memref<128x64xf32, #tpu.memory_space<vmem>>, vector<16xf32>,
          %mul3A_447 = arith.mulf %get3A_443, %get3A_446 : vector<16xf32>
          %swap3A_448 = arith.index_cast %add3A_440 : i32 to index
          %swap3A_449 = arith.constant 0 : index
          %swap3A_450 = tpu.vector_load %arg14[%swap3A_448, %swap3A_449] {strides = array<i32>} : memref<128x64xf32, #tpu.memory_space<vmem>>, vector<16xf32>,
          tpu.vector_store %arg14[%swap3A_448, %swap3A_449], %mul3A_447 {strides = array<i32>} : memref<128x64xf32, #tpu.memory_space<vmem>>, vector<16xf32>,
          %get3A_451 = arith.index_cast %add3A_440 : i32 to index
          %get3A_452 = arith.constant 16 : index
          %get3A_453 = tpu.vector_load %arg12[%get3A_451, %get3A_452] {strides = array<i32>} : memref<128x64xf32, #tpu.memory_space<vmem>>, vector<16xf32>,
          %get3A_454 = arith.index_cast %add3A_440 : i32 to index
          %get3A_455 = arith.constant 16 : index
          %get3A_456 = tpu.vector_load %arg13[%get3A_454, %get3A_455] {strides = array<i32>} : memref<128x64xf32, #tpu.memory_space<vmem>>, vector<16xf32>,
          %mul3A_457 = arith.mulf %get3A_453, %get3A_456 : vector<16xf32>
          %swap3A_458 = arith.index_cast %add3A_440 : i32 to index
          %swap3A_459 = arith.constant 16 : index
          %swap3A_460 = tpu.vector_load %arg14[%swap3A_458, %swap3A_459] {strides = array<i32>} : memref<128x64xf32, #tpu.memory_space<vmem>>, vector<16xf32>,
          tpu.vector_store %arg14[%swap3A_458, %swap3A_459], %mul3A_457 {strides = array<i32>} : memref<128x64xf32, #tpu.memory_space<vmem>>, vector<16xf32>,
          %get3A_461 = arith.index_cast %add3A_440 : i32 to index
          %get3A_462 = arith.constant 32 : index
          %get3A_463 = tpu.vector_load %arg12[%get3A_461, %get3A_462] {strides = array<i32>} : memref<128x64xf32, #tpu.memory_space<vmem>>, vector<16xf32>,
          %get3A_464 = arith.index_cast %add3A_440 : i32 to index
          %get3A_465 = arith.constant 32 : index
          %get3A_466 = tpu.vector_load %arg13[%get3A_464, %get3A_465] {strides = array<i32>} : memref<128x64xf32, #tpu.memory_space<vmem>>, vector<16xf32>,
          %mul3A_467 = arith.mulf %get3A_463, %get3A_466 : vector<16xf32>
          %swap3A_468 = arith.index_cast %add3A_440 : i32 to index
          %swap3A_469 = arith.constant 32 : index
          %swap3A_470 = tpu.vector_load %arg14[%swap3A_468, %swap3A_469] {strides = array<i32>} : memref<128x64xf32, #tpu.memory_space<vmem>>, vector<16xf32>,
          tpu.vector_store %arg14[%swap3A_468, %swap3A_469], %mul3A_467 {strides = array<i32>} : memref<128x64xf32, #tpu.memory_space<vmem>>, vector<16xf32>,
          %get3A_471 = arith.index_cast %add3A_440 : i32 to index
          %get3A_472 = arith.constant 48 : index
          %get3A_473 = tpu.vector_load %arg12[%get3A_471, %get3A_472] {strides = array<i32>} : memref<128x64xf32, #tpu.memory_space<vmem>>, vector<16xf32>,
          %get3A_474 = arith.index_cast %add3A_440 : i32 to index
          %get3A_475 = arith.constant 48 : index
          %get3A_476 = tpu.vector_load %arg13[%get3A_474, %get3A_475] {strides = array<i32>} : memref<128x64xf32, #tpu.memory_space<vmem>>, vector<16xf32>,
          %mul3A_477 = arith.mulf %get3A_473, %get3A_476 : vector<16xf32>
          %swap3A_478 = arith.index_cast %add3A_440 : i32 to index
          %swap3A_479 = arith.constant 48 : index
          %swap3A_480 = tpu.vector_load %arg14[%swap3A_478, %swap3A_479] {strides = array<i32>} : memref<128x64xf32, #tpu.memory_space<vmem>>, vector<16xf32>,
          tpu.vector_store %arg14[%swap3A_478, %swap3A_479], %mul3A_477 {strides = array<i32>} : memref<128x64xf32, #tpu.memory_space<vmem>>, vector<16xf32>,
          %mul3A_481 = arith.constant 4 : i32
          %mul3A_482 = arith.muli %scan3A_349, %mul3A_481 : i32
          %add3A_483 = arith.constant 3 : i32
          %add3A_484 = arith.addi %mul3A_482, %add3A_483 : i32
          %get3A_485 = arith.index_cast %add3A_484 : i32 to index
          %get3A_486 = arith.constant 0 : index
          %get3A_487 = tpu.vector_load %arg12[%get3A_485, %get3A_486] {strides = array<i32>} : memref<128x64xf32, #tpu.memory_space<vmem>>, vector<16xf32>,
          %get3A_488 = arith.index_cast %add3A_484 : i32 to index
          %get3A_489 = arith.constant 0 : index
          %get3A_490 = tpu.vector_load %arg13[%get3A_488, %get3A_489] {strides = array<i32>} : memref<128x64xf32, #tpu.memory_space<vmem>>, vector<16xf32>,
          %mul3A_491 = arith.mulf %get3A_487, %get3A_490 : vector<16xf32>
          %swap3A_492 = arith.index_cast %add3A_484 : i32 to index
          %swap3A_493 = arith.constant 0 : index
          %swap3A_494 = tpu.vector_load %arg14[%swap3A_492, %swap3A_493] {strides = array<i32>} : memref<128x64xf32, #tpu.memory_space<vmem>>, vector<16xf32>,
          tpu.vector_store %arg14[%swap3A_492, %swap3A_493], %mul3A_491 {strides = array<i32>} : memref<128x64xf32, #tpu.memory_space<vmem>>, vector<16xf32>,
          %get3A_495 = arith.index_cast %add3A_484 : i32 to index
          %get3A_496 = arith.constant 16 : index
          %get3A_497 = tpu.vector_load %arg12[%get3A_495, %get3A_496] {strides = array<i32>} : memref<128x64xf32, #tpu.memory_space<vmem>>, vector<16xf32>,
          %get3A_498 = arith.index_cast %add3A_484 : i32 to index
          %get3A_499 = arith.constant 16 : index
          %get3A_500 = tpu.vector_load %arg13[%get3A_498, %get3A_499] {strides = array<i32>} : memref<128x64xf32, #tpu.memory_space<vmem>>, vector<16xf32>,
          %mul3A_501 = arith.mulf %get3A_497, %get3A_500 : vector<16xf32>
          %swap3A_502 = arith.index_cast %add3A_484 : i32 to index
          %swap3A_503 = arith.constant 16 : index
          %swap3A_504 = tpu.vector_load %arg14[%swap3A_502, %swap3A_503] {strides = array<i32>} : memref<128x64xf32, #tpu.memory_space<vmem>>, vector<16xf32>,
          tpu.vector_store %arg14[%swap3A_502, %swap3A_503], %mul3A_501 {strides = array<i32>} : memref<128x64xf32, #tpu.memory_space<vmem>>, vector<16xf32>,
          %get3A_505 = arith.index_cast %add3A_484 : i32 to index
          %get3A_506 = arith.constant 32 : index
          %get3A_507 = tpu.vector_load %arg12[%get3A_505, %get3A_506] {strides = array<i32>} : memref<128x64xf32, #tpu.memory_space<vmem>>, vector<16xf32>,
          %get3A_508 = arith.index_cast %add3A_484 : i32 to index
          %get3A_509 = arith.constant 32 : index
          %get3A_510 = tpu.vector_load %arg13[%get3A_508, %get3A_509] {strides = array<i32>} : memref<128x64xf32, #tpu.memory_space<vmem>>, vector<16xf32>,
          %mul3A_511 = arith.mulf %get3A_507, %get3A_510 : vector<16xf32>
          %swap3A_512 = arith.index_cast %add3A_484 : i32 to index
          %swap3A_513 = arith.constant 32 : index
          %swap3A_514 = tpu.vector_load %arg14[%swap3A_512, %swap3A_513] {strides = array<i32>} : memref<128x64xf32, #tpu.memory_space<vmem>>, vector<16xf32>,
          tpu.vector_store %arg14[%swap3A_512, %swap3A_513], %mul3A_511 {strides = array<i32>} : memref<128x64xf32, #tpu.memory_space<vmem>>, vector<16xf32>,
          %get3A_515 = arith.index_cast %add3A_484 : i32 to index
          %get3A_516 = arith.constant 48 : index
          %get3A_517 = tpu.vector_load %arg12[%get3A_515, %get3A_516] {strides = array<i32>} : memref<128x64xf32, #tpu.memory_space<vmem>>, vector<16xf32>,
          %get3A_518 = arith.index_cast %add3A_484 : i32 to index
          %get3A_519 = arith.constant 48 : index
          %get3A_520 = tpu.vector_load %arg13[%get3A_518, %get3A_519] {strides = array<i32>} : memref<128x64xf32, #tpu.memory_space<vmem>>, vector<16xf32>,
          %mul3A_521 = arith.mulf %get3A_517, %get3A_520 : vector<16xf32>
          %swap3A_522 = arith.index_cast %add3A_484 : i32 to index
          %swap3A_523 = arith.constant 48 : index
          %swap3A_524 = tpu.vector_load %arg14[%swap3A_522, %swap3A_523] {strides = array<i32>} : memref<128x64xf32, #tpu.memory_space<vmem>>, vector<16xf32>,
          tpu.vector_store %arg14[%swap3A_522, %swap3A_523], %mul3A_521 {strides = array<i32>} : memref<128x64xf32, #tpu.memory_space<vmem>>, vector<16xf32>,
          %scan3A_525 = arith.constant 0 : i32
          scf.yield %scan3A_525 : i32
        }
        %scan3A_348 = arith.constant 32 : i32
        "tpu.region"() ({
          %run_scoped3A_349 = tpu.sem_alloc : memref<!tpu.dma_semaphore, #tpu.memory_space<semaphore_mem>>
          %dma_start3A_350 = arith.constant 0 : i32
          %dma_start3A_351 = tpu.memref_slice %arg9[%and3A_329, %dma_start3A_350] : memref<16x128xi32, #tpu.memory_space<vmem>> -> memref<1x128xi32, #tpu.memory_space<vmem>>
          %dma_start3A_352 = tpu.memref_squeeze %dma_start3A_351 : memref<1x128xi32, #tpu.memory_space<vmem>> -> memref<128xi32, #tpu.memory_space<vmem>>
          %dma_start3A_353 = arith.constant 0 : i32
          %dma_start3A_354 = arith.constant 0 : i32
          %dma_start3A_355 = tpu.memref_slice %arg15[%dma_start3A_353, %dma_start3A_354] : memref<20016x64xf32, #tpu.memory_space<vmem_shared>> -> memref<20016x64xf32, #tpu.memory_space<vmem_shared>>
          tpu.enqueue_indirect_dma source(%arg14 : memref<128x64xf32, #tpu.memory_space<vmem>>) target(%dma_start3A_355 : memref<20016x64xf32, #tpu.memory_space<vmem_shared>>) offsets(%dma_start3A_352 : memref<128xi32, #tpu.memory_space<vmem>>) semaphore(%run_scoped3A_349 : memref<!tpu.dma_semaphore, #tpu.memory_space<semaphore_mem>>) {add = true}
          %dma_wait3A_356 = arith.constant 0 : i32
          %dma_wait3A_357 = tpu.memref_slice %arg9[%and3A_329, %dma_wait3A_356] : memref<16x128xi32, #tpu.memory_space<vmem>> -> memref<1x128xi32, #tpu.memory_space<vmem>>
          %dma_wait3A_358 = tpu.memref_squeeze %dma_wait3A_357 : memref<1x128xi32, #tpu.memory_space<vmem>> -> memref<128xi32, #tpu.memory_space<vmem>>
          %dma_wait3A_359 = arith.constant 0 : i32
          %dma_wait3A_360 = arith.constant 0 : i32
          %dma_wait3A_361 = tpu.memref_slice %arg15[%dma_wait3A_359, %dma_wait3A_360] : memref<20016x64xf32, #tpu.memory_space<vmem_shared>> -> memref<20016x64xf32, #tpu.memory_space<vmem_shared>>
          tpu.wait_indirect_dma semaphore(%run_scoped3A_349 : memref<!tpu.dma_semaphore, #tpu.memory_space<semaphore_mem>>) src(%arg14 : memref<128x64xf32, #tpu.memory_space<vmem>>) dst(%dma_wait3A_361 : memref<20016x64xf32, #tpu.memory_space<vmem_shared>>)
          tpu.yield
        }) : () -> ()
      } else {
      }
      %reduce_max3A = arith.constant true
      %reduce_max3A_166 = vector.broadcast %reduce_max3A : i1 to vector<16xi1>
      %reduce_max3A_167 = arith.constant -2147483648 : i32
      %reduce_max3A_168 = vector.broadcast %reduce_max3A_167 : i32 to vector<16xi32>
      %reduce_max3A_169 = arith.xori %scan3A_162#0, %reduce_max3A_168 : vector<16xi32>
      %reduce_max3A_170 = tpu.scan <max>, %reduce_max3A_169 masked %reduce_max3A_166 : vector<16xi32>, vector<16xi1> -> vector<16xi32>
      %reduce_max3A_171 = arith.xori %reduce_max3A_170, %reduce_max3A_168 : vector<16xi32>
      %reduce_max3A_172 = vector.extract %reduce_max3A_171[15] : i32 from vector<16xi32>
      %sub3A = arith.subi %reduce_max3A_172, %scan3A_162#1 : i32
      %shift_right_arithmetic3A = arith.constant 7 : i32
      %shift_right_arithmetic3A_173 = arith.shrsi %scan3A_162#1, %shift_right_arithmetic3A : i32
      %and3A = arith.constant 15 : i32
      %and3A_174 = arith.andi %shift_right_arithmetic3A_173, %and3A : i32
      %broadcast_in_dim3A_175 = arith.constant 0 : i32
      %broadcast_in_dim3A_176 = vector.broadcast %broadcast_in_dim3A_175 : i32 to vector<16xi32>
      %add3A_177 = vector.broadcast %and3A_174 : i32 to vector<16xi32>
      %add3A_178 = arith.addi %broadcast_in_dim3A_176, %add3A_177 : vector<16xi32>
      %add3A_179 = arith.constant 0 : i32
      %add3A_180 = vector.broadcast %add3A_179 : i32 to vector<16xi32>
      %add3A_181 = arith.addi %add3A_180, %iota3A : vector<16xi32>
      %add3A_182 = arith.constant 20000 : i32
      %add3A_183 = vector.broadcast %add3A_182 : i32 to vector<16xi32>
      %add3A_184 = arith.addi %add3A_183, %iota3A : vector<16xi32>
      %ge3A = vector.broadcast %sub3A : i32 to vector<16xi32>
      %ge3A_185 = arith.cmpi sge, %add3A_181, %ge3A : vector<16xi32>
      tpu.vector_store_idx %arg9[%add3A_178, %add3A_181], %add3A_184 masked %ge3A_185 : memref<16x128xi32, #tpu.memory_space<vmem>>[vector<16xi32>, vector<16xi32>], vector<16xi32>, vector<16xi1>
      %add3A_186 = arith.constant 16 : i32
      %add3A_187 = vector.broadcast %add3A_186 : i32 to vector<16xi32>
      %add3A_188 = arith.addi %add3A_187, %iota3A : vector<16xi32>
      %add3A_189 = arith.constant 20000 : i32
      %add3A_190 = vector.broadcast %add3A_189 : i32 to vector<16xi32>
      %add3A_191 = arith.addi %add3A_190, %iota3A : vector<16xi32>
      %ge3A_192 = vector.broadcast %sub3A : i32 to vector<16xi32>
      %ge3A_193 = arith.cmpi sge, %add3A_188, %ge3A_192 : vector<16xi32>
      tpu.vector_store_idx %arg9[%add3A_178, %add3A_188], %add3A_191 masked %ge3A_193 : memref<16x128xi32, #tpu.memory_space<vmem>>[vector<16xi32>, vector<16xi32>], vector<16xi32>, vector<16xi1>
      %add3A_194 = arith.constant 32 : i32
      %add3A_195 = vector.broadcast %add3A_194 : i32 to vector<16xi32>
      %add3A_196 = arith.addi %add3A_195, %iota3A : vector<16xi32>
      %add3A_197 = arith.constant 20000 : i32
      %add3A_198 = vector.broadcast %add3A_197 : i32 to vector<16xi32>
      %add3A_199 = arith.addi %add3A_198, %iota3A : vector<16xi32>
      %ge3A_200 = vector.broadcast %sub3A : i32 to vector<16xi32>
      %ge3A_201 = arith.cmpi sge, %add3A_196, %ge3A_200 : vector<16xi32>
      tpu.vector_store_idx %arg9[%add3A_178, %add3A_196], %add3A_199 masked %ge3A_201 : memref<16x128xi32, #tpu.memory_space<vmem>>[vector<16xi32>, vector<16xi32>], vector<16xi32>, vector<16xi1>
      %add3A_202 = arith.constant 48 : i32
      %add3A_203 = vector.broadcast %add3A_202 : i32 to vector<16xi32>
      %add3A_204 = arith.addi %add3A_203, %iota3A : vector<16xi32>
      %add3A_205 = arith.constant 20000 : i32
      %add3A_206 = vector.broadcast %add3A_205 : i32 to vector<16xi32>
      %add3A_207 = arith.addi %add3A_206, %iota3A : vector<16xi32>
      %ge3A_208 = vector.broadcast %sub3A : i32 to vector<16xi32>
      %ge3A_209 = arith.cmpi sge, %add3A_204, %ge3A_208 : vector<16xi32>
      tpu.vector_store_idx %arg9[%add3A_178, %add3A_204], %add3A_207 masked %ge3A_209 : memref<16x128xi32, #tpu.memory_space<vmem>>[vector<16xi32>, vector<16xi32>], vector<16xi32>, vector<16xi1>
      %add3A_210 = arith.constant 64 : i32
      %add3A_211 = vector.broadcast %add3A_210 : i32 to vector<16xi32>
      %add3A_212 = arith.addi %add3A_211, %iota3A : vector<16xi32>
      %add3A_213 = arith.constant 20000 : i32
      %add3A_214 = vector.broadcast %add3A_213 : i32 to vector<16xi32>
      %add3A_215 = arith.addi %add3A_214, %iota3A : vector<16xi32>
      %ge3A_216 = vector.broadcast %sub3A : i32 to vector<16xi32>
      %ge3A_217 = arith.cmpi sge, %add3A_212, %ge3A_216 : vector<16xi32>
      tpu.vector_store_idx %arg9[%add3A_178, %add3A_212], %add3A_215 masked %ge3A_217 : memref<16x128xi32, #tpu.memory_space<vmem>>[vector<16xi32>, vector<16xi32>], vector<16xi32>, vector<16xi1>
      %add3A_218 = arith.constant 80 : i32
      %add3A_219 = vector.broadcast %add3A_218 : i32 to vector<16xi32>
      %add3A_220 = arith.addi %add3A_219, %iota3A : vector<16xi32>
      %add3A_221 = arith.constant 20000 : i32
      %add3A_222 = vector.broadcast %add3A_221 : i32 to vector<16xi32>
      %add3A_223 = arith.addi %add3A_222, %iota3A : vector<16xi32>
      %ge3A_224 = vector.broadcast %sub3A : i32 to vector<16xi32>
      %ge3A_225 = arith.cmpi sge, %add3A_220, %ge3A_224 : vector<16xi32>
      tpu.vector_store_idx %arg9[%add3A_178, %add3A_220], %add3A_223 masked %ge3A_225 : memref<16x128xi32, #tpu.memory_space<vmem>>[vector<16xi32>, vector<16xi32>], vector<16xi32>, vector<16xi1>
      %add3A_226 = arith.constant 96 : i32
      %add3A_227 = vector.broadcast %add3A_226 : i32 to vector<16xi32>
      %add3A_228 = arith.addi %add3A_227, %iota3A : vector<16xi32>
      %add3A_229 = arith.constant 20000 : i32
      %add3A_230 = vector.broadcast %add3A_229 : i32 to vector<16xi32>
      %add3A_231 = arith.addi %add3A_230, %iota3A : vector<16xi32>
      %ge3A_232 = vector.broadcast %sub3A : i32 to vector<16xi32>
      %ge3A_233 = arith.cmpi sge, %add3A_228, %ge3A_232 : vector<16xi32>
      tpu.vector_store_idx %arg9[%add3A_178, %add3A_228], %add3A_231 masked %ge3A_233 : memref<16x128xi32, #tpu.memory_space<vmem>>[vector<16xi32>, vector<16xi32>], vector<16xi32>, vector<16xi1>
      %add3A_234 = arith.constant 112 : i32
      %add3A_235 = vector.broadcast %add3A_234 : i32 to vector<16xi32>
      %add3A_236 = arith.addi %add3A_235, %iota3A : vector<16xi32>
      %add3A_237 = arith.constant 20000 : i32
      %add3A_238 = vector.broadcast %add3A_237 : i32 to vector<16xi32>
      %add3A_239 = arith.addi %add3A_238, %iota3A : vector<16xi32>
      %ge3A_240 = vector.broadcast %sub3A : i32 to vector<16xi32>
      %ge3A_241 = arith.cmpi sge, %add3A_236, %ge3A_240 : vector<16xi32>
      tpu.vector_store_idx %arg9[%add3A_178, %add3A_236], %add3A_239 masked %ge3A_241 : memref<16x128xi32, #tpu.memory_space<vmem>>[vector<16xi32>, vector<16xi32>], vector<16xi32>, vector<16xi1>
      %dma_start3A = arith.constant 0 : i32
      %dma_start3A_242 = tpu.memref_slice %arg10[%and3A_174, %dma_start3A] : memref<16x128xi32, #tpu.memory_space<vmem>> -> memref<1x128xi32, #tpu.memory_space<vmem>>
      %dma_start3A_243 = tpu.memref_squeeze %dma_start3A_242 : memref<1x128xi32, #tpu.memory_space<vmem>> -> memref<128xi32, #tpu.memory_space<vmem>>
      %dma_start3A_244 = arith.constant 0 : i32
      %dma_start3A_245 = arith.constant 0 : i32
      %dma_start3A_246 = tpu.memref_slice %arg2[%dma_start3A_244, %dma_start3A_245] : memref<320000x64xf32, #tpu.memory_space<hbm>> -> memref<320000x64xf32, #tpu.memory_space<hbm>>
      tpu.enqueue_indirect_dma source(%dma_start3A_246 : memref<320000x64xf32, #tpu.memory_space<hbm>>) target(%arg12 : memref<128x64xf32, #tpu.memory_space<vmem>>) offsets(%dma_start3A_243 : memref<128xi32, #tpu.memory_space<vmem>>) semaphore(%arg16 : memref<!tpu.dma_semaphore, #tpu.memory_space<semaphore_mem>>)
      %dma_start3A_247 = arith.constant 0 : i32
      %dma_start3A_248 = tpu.memref_slice %arg11[%and3A_174, %dma_start3A_247] : memref<16x128xi32, #tpu.memory_space<vmem>> -> memref<1x128xi32, #tpu.memory_space<vmem>>
      %dma_start3A_249 = tpu.memref_squeeze %dma_start3A_248 : memref<1x128xi32, #tpu.memory_space<vmem>> -> memref<128xi32, #tpu.memory_space<vmem>>
      %dma_start3A_250 = arith.constant 0 : i32
      %dma_start3A_251 = arith.constant 0 : i32
      %dma_start3A_252 = tpu.memref_slice %arg3[%dma_start3A_250, %dma_start3A_251] : memref<1280000x64xf32, #tpu.memory_space<hbm>> -> memref<1280000x64xf32, #tpu.memory_space<hbm>>
      tpu.enqueue_indirect_dma source(%dma_start3A_252 : memref<1280000x64xf32, #tpu.memory_space<hbm>>) target(%arg13 : memref<128x64xf32, #tpu.memory_space<vmem>>) offsets(%dma_start3A_249 : memref<128xi32, #tpu.memory_space<vmem>>) semaphore(%arg17 : memref<!tpu.dma_semaphore, #tpu.memory_space<semaphore_mem>>)
      %dma_wait3A = arith.constant 0 : i32
      %dma_wait3A_253 = tpu.memref_slice %arg10[%and3A_174, %dma_wait3A] : memref<16x128xi32, #tpu.memory_space<vmem>> -> memref<1x128xi32, #tpu.memory_space<vmem>>
      %dma_wait3A_254 = tpu.memref_squeeze %dma_wait3A_253 : memref<1x128xi32, #tpu.memory_space<vmem>> -> memref<128xi32, #tpu.memory_space<vmem>>
      %dma_wait3A_255 = arith.constant 0 : i32
      %dma_wait3A_256 = arith.constant 0 : i32
      %dma_wait3A_257 = tpu.memref_slice %arg2[%dma_wait3A_255, %dma_wait3A_256] : memref<320000x64xf32, #tpu.memory_space<hbm>> -> memref<320000x64xf32, #tpu.memory_space<hbm>>
      tpu.wait_indirect_dma semaphore(%arg16 : memref<!tpu.dma_semaphore, #tpu.memory_space<semaphore_mem>>) src(%dma_wait3A_257 : memref<320000x64xf32, #tpu.memory_space<hbm>>) dst(%arg12 : memref<128x64xf32, #tpu.memory_space<vmem>>)
      %dma_wait3A_258 = arith.constant 0 : i32
      %dma_wait3A_259 = tpu.memref_slice %arg11[%and3A_174, %dma_wait3A_258] : memref<16x128xi32, #tpu.memory_space<vmem>> -> memref<1x128xi32, #tpu.memory_space<vmem>>
      %dma_wait3A_260 = tpu.memref_squeeze %dma_wait3A_259 : memref<1x128xi32, #tpu.memory_space<vmem>> -> memref<128xi32, #tpu.memory_space<vmem>>
      %dma_wait3A_261 = arith.constant 0 : i32
      %dma_wait3A_262 = arith.constant 0 : i32
      %dma_wait3A_263 = tpu.memref_slice %arg3[%dma_wait3A_261, %dma_wait3A_262] : memref<1280000x64xf32, #tpu.memory_space<hbm>> -> memref<1280000x64xf32, #tpu.memory_space<hbm>>
      tpu.wait_indirect_dma semaphore(%arg17 : memref<!tpu.dma_semaphore, #tpu.memory_space<semaphore_mem>>) src(%dma_wait3A_263 : memref<1280000x64xf32, #tpu.memory_space<hbm>>) dst(%arg13 : memref<128x64xf32, #tpu.memory_space<vmem>>)
      %scan3A_264 = arith.constant 0 : i32
      %scan3A_265 = arith.constant 0 : i32
      %scan3A_266 = arith.constant 32 : i32
      %scan3A_267 = arith.addi %scan3A_265, %scan3A_266 : i32
      %scan3A_268 = arith.constant 1 : i32
      %scan3A_269 = scf.for %scan3A_324 = %scan3A_265 to %scan3A_267 step %scan3A_268 iter_args(%scan3A_325 = %scan3A_264) -> (i32)  : i32 {
        %mul3A_326 = arith.constant 4 : i32
        %mul3A_327 = arith.muli %scan3A_324, %mul3A_326 : i32
        %add3A_328 = arith.constant 0 : i32
        %add3A_329 = arith.addi %mul3A_327, %add3A_328 : i32
        %get3A = arith.index_cast %add3A_329 : i32 to index
        %get3A_330 = arith.constant 0 : index
        %get3A_331 = tpu.vector_load %arg12[%get3A, %get3A_330] {strides = array<i32>} : memref<128x64xf32, #tpu.memory_space<vmem>>, vector<16xf32>,
        %get3A_332 = arith.index_cast %add3A_329 : i32 to index
        %get3A_333 = arith.constant 0 : index
        %get3A_334 = tpu.vector_load %arg13[%get3A_332, %get3A_333] {strides = array<i32>} : memref<128x64xf32, #tpu.memory_space<vmem>>, vector<16xf32>,
        %mul3A_335 = arith.mulf %get3A_331, %get3A_334 : vector<16xf32>
        %swap3A = arith.index_cast %add3A_329 : i32 to index
        %swap3A_336 = arith.constant 0 : index
        %swap3A_337 = tpu.vector_load %arg14[%swap3A, %swap3A_336] {strides = array<i32>} : memref<128x64xf32, #tpu.memory_space<vmem>>, vector<16xf32>,
        tpu.vector_store %arg14[%swap3A, %swap3A_336], %mul3A_335 {strides = array<i32>} : memref<128x64xf32, #tpu.memory_space<vmem>>, vector<16xf32>,
        %get3A_338 = arith.index_cast %add3A_329 : i32 to index
        %get3A_339 = arith.constant 16 : index
        %get3A_340 = tpu.vector_load %arg12[%get3A_338, %get3A_339] {strides = array<i32>} : memref<128x64xf32, #tpu.memory_space<vmem>>, vector<16xf32>,
        %get3A_341 = arith.index_cast %add3A_329 : i32 to index
        %get3A_342 = arith.constant 16 : index
        %get3A_343 = tpu.vector_load %arg13[%get3A_341, %get3A_342] {strides = array<i32>} : memref<128x64xf32, #tpu.memory_space<vmem>>, vector<16xf32>,
        %mul3A_344 = arith.mulf %get3A_340, %get3A_343 : vector<16xf32>
        %swap3A_345 = arith.index_cast %add3A_329 : i32 to index
        %swap3A_346 = arith.constant 16 : index
        %swap3A_347 = tpu.vector_load %arg14[%swap3A_345, %swap3A_346] {strides = array<i32>} : memref<128x64xf32, #tpu.memory_space<vmem>>, vector<16xf32>,
        tpu.vector_store %arg14[%swap3A_345, %swap3A_346], %mul3A_344 {strides = array<i32>} : memref<128x64xf32, #tpu.memory_space<vmem>>, vector<16xf32>,
        %get3A_348 = arith.index_cast %add3A_329 : i32 to index
        %get3A_349 = arith.constant 32 : index
        %get3A_350 = tpu.vector_load %arg12[%get3A_348, %get3A_349] {strides = array<i32>} : memref<128x64xf32, #tpu.memory_space<vmem>>, vector<16xf32>,
        %get3A_351 = arith.index_cast %add3A_329 : i32 to index
        %get3A_352 = arith.constant 32 : index
        %get3A_353 = tpu.vector_load %arg13[%get3A_351, %get3A_352] {strides = array<i32>} : memref<128x64xf32, #tpu.memory_space<vmem>>, vector<16xf32>,
        %mul3A_354 = arith.mulf %get3A_350, %get3A_353 : vector<16xf32>
        %swap3A_355 = arith.index_cast %add3A_329 : i32 to index
        %swap3A_356 = arith.constant 32 : index
        %swap3A_357 = tpu.vector_load %arg14[%swap3A_355, %swap3A_356] {strides = array<i32>} : memref<128x64xf32, #tpu.memory_space<vmem>>, vector<16xf32>,
        tpu.vector_store %arg14[%swap3A_355, %swap3A_356], %mul3A_354 {strides = array<i32>} : memref<128x64xf32, #tpu.memory_space<vmem>>, vector<16xf32>,
        %get3A_358 = arith.index_cast %add3A_329 : i32 to index
        %get3A_359 = arith.constant 48 : index
        %get3A_360 = tpu.vector_load %arg12[%get3A_358, %get3A_359] {strides = array<i32>} : memref<128x64xf32, #tpu.memory_space<vmem>>, vector<16xf32>,
        %get3A_361 = arith.index_cast %add3A_329 : i32 to index
        %get3A_362 = arith.constant 48 : index
        %get3A_363 = tpu.vector_load %arg13[%get3A_361, %get3A_362] {strides = array<i32>} : memref<128x64xf32, #tpu.memory_space<vmem>>, vector<16xf32>,
        %mul3A_364 = arith.mulf %get3A_360, %get3A_363 : vector<16xf32>
        %swap3A_365 = arith.index_cast %add3A_329 : i32 to index
        %swap3A_366 = arith.constant 48 : index
        %swap3A_367 = tpu.vector_load %arg14[%swap3A_365, %swap3A_366] {strides = array<i32>} : memref<128x64xf32, #tpu.memory_space<vmem>>, vector<16xf32>,
        tpu.vector_store %arg14[%swap3A_365, %swap3A_366], %mul3A_364 {strides = array<i32>} : memref<128x64xf32, #tpu.memory_space<vmem>>, vector<16xf32>,
        %mul3A_368 = arith.constant 4 : i32
        %mul3A_369 = arith.muli %scan3A_324, %mul3A_368 : i32
        %add3A_370 = arith.constant 1 : i32
        %add3A_371 = arith.addi %mul3A_369, %add3A_370 : i32
        %get3A_372 = arith.index_cast %add3A_371 : i32 to index
        %get3A_373 = arith.constant 0 : index
        %get3A_374 = tpu.vector_load %arg12[%get3A_372, %get3A_373] {strides = array<i32>} : memref<128x64xf32, #tpu.memory_space<vmem>>, vector<16xf32>,
        %get3A_375 = arith.index_cast %add3A_371 : i32 to index
        %get3A_376 = arith.constant 0 : index
        %get3A_377 = tpu.vector_load %arg13[%get3A_375, %get3A_376] {strides = array<i32>} : memref<128x64xf32, #tpu.memory_space<vmem>>, vector<16xf32>,
        %mul3A_378 = arith.mulf %get3A_374, %get3A_377 : vector<16xf32>
        %swap3A_379 = arith.index_cast %add3A_371 : i32 to index
        %swap3A_380 = arith.constant 0 : index
        %swap3A_381 = tpu.vector_load %arg14[%swap3A_379, %swap3A_380] {strides = array<i32>} : memref<128x64xf32, #tpu.memory_space<vmem>>, vector<16xf32>,
        tpu.vector_store %arg14[%swap3A_379, %swap3A_380], %mul3A_378 {strides = array<i32>} : memref<128x64xf32, #tpu.memory_space<vmem>>, vector<16xf32>,
        %get3A_382 = arith.index_cast %add3A_371 : i32 to index
        %get3A_383 = arith.constant 16 : index
        %get3A_384 = tpu.vector_load %arg12[%get3A_382, %get3A_383] {strides = array<i32>} : memref<128x64xf32, #tpu.memory_space<vmem>>, vector<16xf32>,
        %get3A_385 = arith.index_cast %add3A_371 : i32 to index
        %get3A_386 = arith.constant 16 : index
        %get3A_387 = tpu.vector_load %arg13[%get3A_385, %get3A_386] {strides = array<i32>} : memref<128x64xf32, #tpu.memory_space<vmem>>, vector<16xf32>,
        %mul3A_388 = arith.mulf %get3A_384, %get3A_387 : vector<16xf32>
        %swap3A_389 = arith.index_cast %add3A_371 : i32 to index
        %swap3A_390 = arith.constant 16 : index
        %swap3A_391 = tpu.vector_load %arg14[%swap3A_389, %swap3A_390] {strides = array<i32>} : memref<128x64xf32, #tpu.memory_space<vmem>>, vector<16xf32>,
        tpu.vector_store %arg14[%swap3A_389, %swap3A_390], %mul3A_388 {strides = array<i32>} : memref<128x64xf32, #tpu.memory_space<vmem>>, vector<16xf32>,
        %get3A_392 = arith.index_cast %add3A_371 : i32 to index
        %get3A_393 = arith.constant 32 : index
        %get3A_394 = tpu.vector_load %arg12[%get3A_392, %get3A_393] {strides = array<i32>} : memref<128x64xf32, #tpu.memory_space<vmem>>, vector<16xf32>,
        %get3A_395 = arith.index_cast %add3A_371 : i32 to index
        %get3A_396 = arith.constant 32 : index
        %get3A_397 = tpu.vector_load %arg13[%get3A_395, %get3A_396] {strides = array<i32>} : memref<128x64xf32, #tpu.memory_space<vmem>>, vector<16xf32>,
        %mul3A_398 = arith.mulf %get3A_394, %get3A_397 : vector<16xf32>
        %swap3A_399 = arith.index_cast %add3A_371 : i32 to index
        %swap3A_400 = arith.constant 32 : index
        %swap3A_401 = tpu.vector_load %arg14[%swap3A_399, %swap3A_400] {strides = array<i32>} : memref<128x64xf32, #tpu.memory_space<vmem>>, vector<16xf32>,
        tpu.vector_store %arg14[%swap3A_399, %swap3A_400], %mul3A_398 {strides = array<i32>} : memref<128x64xf32, #tpu.memory_space<vmem>>, vector<16xf32>,
        %get3A_402 = arith.index_cast %add3A_371 : i32 to index
        %get3A_403 = arith.constant 48 : index
        %get3A_404 = tpu.vector_load %arg12[%get3A_402, %get3A_403] {strides = array<i32>} : memref<128x64xf32, #tpu.memory_space<vmem>>, vector<16xf32>,
        %get3A_405 = arith.index_cast %add3A_371 : i32 to index
        %get3A_406 = arith.constant 48 : index
        %get3A_407 = tpu.vector_load %arg13[%get3A_405, %get3A_406] {strides = array<i32>} : memref<128x64xf32, #tpu.memory_space<vmem>>, vector<16xf32>,
        %mul3A_408 = arith.mulf %get3A_404, %get3A_407 : vector<16xf32>
        %swap3A_409 = arith.index_cast %add3A_371 : i32 to index
        %swap3A_410 = arith.constant 48 : index
        %swap3A_411 = tpu.vector_load %arg14[%swap3A_409, %swap3A_410] {strides = array<i32>} : memref<128x64xf32, #tpu.memory_space<vmem>>, vector<16xf32>,
        tpu.vector_store %arg14[%swap3A_409, %swap3A_410], %mul3A_408 {strides = array<i32>} : memref<128x64xf32, #tpu.memory_space<vmem>>, vector<16xf32>,
        %mul3A_412 = arith.constant 4 : i32
        %mul3A_413 = arith.muli %scan3A_324, %mul3A_412 : i32
        %add3A_414 = arith.constant 2 : i32
        %add3A_415 = arith.addi %mul3A_413, %add3A_414 : i32
        %get3A_416 = arith.index_cast %add3A_415 : i32 to index
        %get3A_417 = arith.constant 0 : index
        %get3A_418 = tpu.vector_load %arg12[%get3A_416, %get3A_417] {strides = array<i32>} : memref<128x64xf32, #tpu.memory_space<vmem>>, vector<16xf32>,
        %get3A_419 = arith.index_cast %add3A_415 : i32 to index
        %get3A_420 = arith.constant 0 : index
        %get3A_421 = tpu.vector_load %arg13[%get3A_419, %get3A_420] {strides = array<i32>} : memref<128x64xf32, #tpu.memory_space<vmem>>, vector<16xf32>,
        %mul3A_422 = arith.mulf %get3A_418, %get3A_421 : vector<16xf32>
        %swap3A_423 = arith.index_cast %add3A_415 : i32 to index
        %swap3A_424 = arith.constant 0 : index
        %swap3A_425 = tpu.vector_load %arg14[%swap3A_423, %swap3A_424] {strides = array<i32>} : memref<128x64xf32, #tpu.memory_space<vmem>>, vector<16xf32>,
        tpu.vector_store %arg14[%swap3A_423, %swap3A_424], %mul3A_422 {strides = array<i32>} : memref<128x64xf32, #tpu.memory_space<vmem>>, vector<16xf32>,
        %get3A_426 = arith.index_cast %add3A_415 : i32 to index
        %get3A_427 = arith.constant 16 : index
        %get3A_428 = tpu.vector_load %arg12[%get3A_426, %get3A_427] {strides = array<i32>} : memref<128x64xf32, #tpu.memory_space<vmem>>, vector<16xf32>,
        %get3A_429 = arith.index_cast %add3A_415 : i32 to index
        %get3A_430 = arith.constant 16 : index
        %get3A_431 = tpu.vector_load %arg13[%get3A_429, %get3A_430] {strides = array<i32>} : memref<128x64xf32, #tpu.memory_space<vmem>>, vector<16xf32>,
        %mul3A_432 = arith.mulf %get3A_428, %get3A_431 : vector<16xf32>
        %swap3A_433 = arith.index_cast %add3A_415 : i32 to index
        %swap3A_434 = arith.constant 16 : index
        %swap3A_435 = tpu.vector_load %arg14[%swap3A_433, %swap3A_434] {strides = array<i32>} : memref<128x64xf32, #tpu.memory_space<vmem>>, vector<16xf32>,
        tpu.vector_store %arg14[%swap3A_433, %swap3A_434], %mul3A_432 {strides = array<i32>} : memref<128x64xf32, #tpu.memory_space<vmem>>, vector<16xf32>,
        %get3A_436 = arith.index_cast %add3A_415 : i32 to index
        %get3A_437 = arith.constant 32 : index
        %get3A_438 = tpu.vector_load %arg12[%get3A_436, %get3A_437] {strides = array<i32>} : memref<128x64xf32, #tpu.memory_space<vmem>>, vector<16xf32>,
        %get3A_439 = arith.index_cast %add3A_415 : i32 to index
        %get3A_440 = arith.constant 32 : index
        %get3A_441 = tpu.vector_load %arg13[%get3A_439, %get3A_440] {strides = array<i32>} : memref<128x64xf32, #tpu.memory_space<vmem>>, vector<16xf32>,
        %mul3A_442 = arith.mulf %get3A_438, %get3A_441 : vector<16xf32>
        %swap3A_443 = arith.index_cast %add3A_415 : i32 to index
        %swap3A_444 = arith.constant 32 : index
        %swap3A_445 = tpu.vector_load %arg14[%swap3A_443, %swap3A_444] {strides = array<i32>} : memref<128x64xf32, #tpu.memory_space<vmem>>, vector<16xf32>,
        tpu.vector_store %arg14[%swap3A_443, %swap3A_444], %mul3A_442 {strides = array<i32>} : memref<128x64xf32, #tpu.memory_space<vmem>>, vector<16xf32>,
        %get3A_446 = arith.index_cast %add3A_415 : i32 to index
        %get3A_447 = arith.constant 48 : index
        %get3A_448 = tpu.vector_load %arg12[%get3A_446, %get3A_447] {strides = array<i32>} : memref<128x64xf32, #tpu.memory_space<vmem>>, vector<16xf32>,
        %get3A_449 = arith.index_cast %add3A_415 : i32 to index
        %get3A_450 = arith.constant 48 : index
        %get3A_451 = tpu.vector_load %arg13[%get3A_449, %get3A_450] {strides = array<i32>} : memref<128x64xf32, #tpu.memory_space<vmem>>, vector<16xf32>,
        %mul3A_452 = arith.mulf %get3A_448, %get3A_451 : vector<16xf32>
        %swap3A_453 = arith.index_cast %add3A_415 : i32 to index
        %swap3A_454 = arith.constant 48 : index
        %swap3A_455 = tpu.vector_load %arg14[%swap3A_453, %swap3A_454] {strides = array<i32>} : memref<128x64xf32, #tpu.memory_space<vmem>>, vector<16xf32>,
        tpu.vector_store %arg14[%swap3A_453, %swap3A_454], %mul3A_452 {strides = array<i32>} : memref<128x64xf32, #tpu.memory_space<vmem>>, vector<16xf32>,
        %mul3A_456 = arith.constant 4 : i32
        %mul3A_457 = arith.muli %scan3A_324, %mul3A_456 : i32
        %add3A_458 = arith.constant 3 : i32
        %add3A_459 = arith.addi %mul3A_457, %add3A_458 : i32
        %get3A_460 = arith.index_cast %add3A_459 : i32 to index
        %get3A_461 = arith.constant 0 : index
        %get3A_462 = tpu.vector_load %arg12[%get3A_460, %get3A_461] {strides = array<i32>} : memref<128x64xf32, #tpu.memory_space<vmem>>, vector<16xf32>,
        %get3A_463 = arith.index_cast %add3A_459 : i32 to index
        %get3A_464 = arith.constant 0 : index
        %get3A_465 = tpu.vector_load %arg13[%get3A_463, %get3A_464] {strides = array<i32>} : memref<128x64xf32, #tpu.memory_space<vmem>>, vector<16xf32>,
        %mul3A_466 = arith.mulf %get3A_462, %get3A_465 : vector<16xf32>
        %swap3A_467 = arith.index_cast %add3A_459 : i32 to index
        %swap3A_468 = arith.constant 0 : index
        %swap3A_469 = tpu.vector_load %arg14[%swap3A_467, %swap3A_468] {strides = array<i32>} : memref<128x64xf32, #tpu.memory_space<vmem>>, vector<16xf32>,
        tpu.vector_store %arg14[%swap3A_467, %swap3A_468], %mul3A_466 {strides = array<i32>} : memref<128x64xf32, #tpu.memory_space<vmem>>, vector<16xf32>,
        %get3A_470 = arith.index_cast %add3A_459 : i32 to index
        %get3A_471 = arith.constant 16 : index
        %get3A_472 = tpu.vector_load %arg12[%get3A_470, %get3A_471] {strides = array<i32>} : memref<128x64xf32, #tpu.memory_space<vmem>>, vector<16xf32>,
        %get3A_473 = arith.index_cast %add3A_459 : i32 to index
        %get3A_474 = arith.constant 16 : index
        %get3A_475 = tpu.vector_load %arg13[%get3A_473, %get3A_474] {strides = array<i32>} : memref<128x64xf32, #tpu.memory_space<vmem>>, vector<16xf32>,
        %mul3A_476 = arith.mulf %get3A_472, %get3A_475 : vector<16xf32>
        %swap3A_477 = arith.index_cast %add3A_459 : i32 to index
        %swap3A_478 = arith.constant 16 : index
        %swap3A_479 = tpu.vector_load %arg14[%swap3A_477, %swap3A_478] {strides = array<i32>} : memref<128x64xf32, #tpu.memory_space<vmem>>, vector<16xf32>,
        tpu.vector_store %arg14[%swap3A_477, %swap3A_478], %mul3A_476 {strides = array<i32>} : memref<128x64xf32, #tpu.memory_space<vmem>>, vector<16xf32>,
        %get3A_480 = arith.index_cast %add3A_459 : i32 to index
        %get3A_481 = arith.constant 32 : index
        %get3A_482 = tpu.vector_load %arg12[%get3A_480, %get3A_481] {strides = array<i32>} : memref<128x64xf32, #tpu.memory_space<vmem>>, vector<16xf32>,
        %get3A_483 = arith.index_cast %add3A_459 : i32 to index
        %get3A_484 = arith.constant 32 : index
        %get3A_485 = tpu.vector_load %arg13[%get3A_483, %get3A_484] {strides = array<i32>} : memref<128x64xf32, #tpu.memory_space<vmem>>, vector<16xf32>,
        %mul3A_486 = arith.mulf %get3A_482, %get3A_485 : vector<16xf32>
        %swap3A_487 = arith.index_cast %add3A_459 : i32 to index
        %swap3A_488 = arith.constant 32 : index
        %swap3A_489 = tpu.vector_load %arg14[%swap3A_487, %swap3A_488] {strides = array<i32>} : memref<128x64xf32, #tpu.memory_space<vmem>>, vector<16xf32>,
        tpu.vector_store %arg14[%swap3A_487, %swap3A_488], %mul3A_486 {strides = array<i32>} : memref<128x64xf32, #tpu.memory_space<vmem>>, vector<16xf32>,
        %get3A_490 = arith.index_cast %add3A_459 : i32 to index
        %get3A_491 = arith.constant 48 : index
        %get3A_492 = tpu.vector_load %arg12[%get3A_490, %get3A_491] {strides = array<i32>} : memref<128x64xf32, #tpu.memory_space<vmem>>, vector<16xf32>,
        %get3A_493 = arith.index_cast %add3A_459 : i32 to index
        %get3A_494 = arith.constant 48 : index
        %get3A_495 = tpu.vector_load %arg13[%get3A_493, %get3A_494] {strides = array<i32>} : memref<128x64xf32, #tpu.memory_space<vmem>>, vector<16xf32>,
        %mul3A_496 = arith.mulf %get3A_492, %get3A_495 : vector<16xf32>
        %swap3A_497 = arith.index_cast %add3A_459 : i32 to index
        %swap3A_498 = arith.constant 48 : index
        %swap3A_499 = tpu.vector_load %arg14[%swap3A_497, %swap3A_498] {strides = array<i32>} : memref<128x64xf32, #tpu.memory_space<vmem>>, vector<16xf32>,
        tpu.vector_store %arg14[%swap3A_497, %swap3A_498], %mul3A_496 {strides = array<i32>} : memref<128x64xf32, #tpu.memory_space<vmem>>, vector<16xf32>,
        %scan3A_500 = arith.constant 0 : i32
        scf.yield %scan3A_500 : i32
      }
      %scan3A_270 = arith.constant 32 : i32
      "tpu.region"() ({
        %run_scoped3A_324 = tpu.sem_alloc : memref<!tpu.dma_semaphore, #tpu.memory_space<semaphore_mem>>
        %dma_start3A_325 = arith.constant 0 : i32
        %dma_start3A_326 = tpu.memref_slice %arg9[%and3A_174, %dma_start3A_325] : memref<16x128xi32, #tpu.memory_space<vmem>> -> memref<1x128xi32, #tpu.memory_space<vmem>>
        %dma_start3A_327 = tpu.memref_squeeze %dma_start3A_326 : memref<1x128xi32, #tpu.memory_space<vmem>> -> memref<128xi32, #tpu.memory_space<vmem>>
        %dma_start3A_328 = arith.constant 0 : i32
        %dma_start3A_329 = arith.constant 0 : i32
        %dma_start3A_330 = tpu.memref_slice %arg15[%dma_start3A_328, %dma_start3A_329] : memref<20016x64xf32, #tpu.memory_space<vmem_shared>> -> memref<20016x64xf32, #tpu.memory_space<vmem_shared>>
        tpu.enqueue_indirect_dma source(%arg14 : memref<128x64xf32, #tpu.memory_space<vmem>>) target(%dma_start3A_330 : memref<20016x64xf32, #tpu.memory_space<vmem_shared>>) offsets(%dma_start3A_327 : memref<128xi32, #tpu.memory_space<vmem>>) semaphore(%run_scoped3A_324 : memref<!tpu.dma_semaphore, #tpu.memory_space<semaphore_mem>>) {add = true}
        %dma_wait3A_331 = arith.constant 0 : i32
        %dma_wait3A_332 = tpu.memref_slice %arg9[%and3A_174, %dma_wait3A_331] : memref<16x128xi32, #tpu.memory_space<vmem>> -> memref<1x128xi32, #tpu.memory_space<vmem>>
        %dma_wait3A_333 = tpu.memref_squeeze %dma_wait3A_332 : memref<1x128xi32, #tpu.memory_space<vmem>> -> memref<128xi32, #tpu.memory_space<vmem>>
        %dma_wait3A_334 = arith.constant 0 : i32
        %dma_wait3A_335 = arith.constant 0 : i32
        %dma_wait3A_336 = tpu.memref_slice %arg15[%dma_wait3A_334, %dma_wait3A_335] : memref<20016x64xf32, #tpu.memory_space<vmem_shared>> -> memref<20016x64xf32, #tpu.memory_space<vmem_shared>>
        tpu.wait_indirect_dma semaphore(%run_scoped3A_324 : memref<!tpu.dma_semaphore, #tpu.memory_space<semaphore_mem>>) src(%arg14 : memref<128x64xf32, #tpu.memory_space<vmem>>) dst(%dma_wait3A_336 : memref<20016x64xf32, #tpu.memory_space<vmem_shared>>)
        tpu.yield
      }) : () -> ()
      %barrier3A_271 = arith.constant 0 : index
      tpu.barrier barrier_id(%barrier3A_271)
      %add3A_272 = arith.constant 0 : i32
      %add3A_273 = arith.addi %mul3A_124, %add3A_272 : i32
      %add3A_274 = arith.addi %mul3A_122, %mul3A_124 : i32
      %add3A_275 = arith.constant 0 : i32
      %add3A_276 = arith.addi %add3A_274, %add3A_275 : i32
      "tpu.region"() ({
        %run_scoped3A_324 = tpu.sem_alloc : memref<!tpu.dma_semaphore, #tpu.memory_space<semaphore_mem>>
        %dma_start3A_325 = arith.constant 0 : i32
        %dma_start3A_326 = tpu.memref_slice %arg6[%add3A_276, %dma_start3A_325] : memref<320000x64xf32, #tpu.memory_space<hbm>> -> memref<125x64xf32, #tpu.memory_space<hbm>>
        %dma_start3A_327 = arith.constant 0 : i32
        %dma_start3A_328 = tpu.memref_slice %arg15[%add3A_273, %dma_start3A_327] : memref<20016x64xf32, #tpu.memory_space<vmem_shared>> -> memref<125x64xf32, #tpu.memory_space<vmem_shared>>
        tpu.enqueue_dma source(%dma_start3A_328 : memref<125x64xf32, #tpu.memory_space<vmem_shared>>) target(%dma_start3A_326 : memref<125x64xf32, #tpu.memory_space<hbm>>) target_semaphore(%run_scoped3A_324 : memref<!tpu.dma_semaphore, #tpu.memory_space<semaphore_mem>>)
        %dma_wait3A_329 = arith.constant 0 : i32
        %dma_wait3A_330 = tpu.memref_slice %arg6[%add3A_276, %dma_wait3A_329] : memref<320000x64xf32, #tpu.memory_space<hbm>> -> memref<125x64xf32, #tpu.memory_space<hbm>>
        %dma_wait3A_331 = arith.constant 0 : i32
        %dma_wait3A_332 = tpu.memref_slice %arg15[%add3A_273, %dma_wait3A_331] : memref<20016x64xf32, #tpu.memory_space<vmem_shared>> -> memref<125x64xf32, #tpu.memory_space<vmem_shared>>
        tpu.wait_dma2 semaphore(%run_scoped3A_324 : memref<!tpu.dma_semaphore, #tpu.memory_space<semaphore_mem>>) src(%dma_wait3A_332 : memref<125x64xf32, #tpu.memory_space<vmem_shared>>) dst(%dma_wait3A_330 : memref<125x64xf32, #tpu.memory_space<hbm>>)
        tpu.yield
      }) : () -> ()
      %add3A_277 = arith.constant 125 : i32
      %add3A_278 = arith.addi %mul3A_124, %add3A_277 : i32
      %add3A_279 = arith.addi %mul3A_122, %mul3A_124 : i32
      %add3A_280 = arith.constant 125 : i32
      %add3A_281 = arith.addi %add3A_279, %add3A_280 : i32
      "tpu.region"() ({
        %run_scoped3A_324 = tpu.sem_alloc : memref<!tpu.dma_semaphore, #tpu.memory_space<semaphore_mem>>
        %dma_start3A_325 = arith.constant 0 : i32
        %dma_start3A_326 = tpu.memref_slice %arg6[%add3A_281, %dma_start3A_325] : memref<320000x64xf32, #tpu.memory_space<hbm>> -> memref<125x64xf32, #tpu.memory_space<hbm>>
        %dma_start3A_327 = arith.constant 0 : i32
        %dma_start3A_328 = tpu.memref_slice %arg15[%add3A_278, %dma_start3A_327] : memref<20016x64xf32, #tpu.memory_space<vmem_shared>> -> memref<125x64xf32, #tpu.memory_space<vmem_shared>>
        tpu.enqueue_dma source(%dma_start3A_328 : memref<125x64xf32, #tpu.memory_space<vmem_shared>>) target(%dma_start3A_326 : memref<125x64xf32, #tpu.memory_space<hbm>>) target_semaphore(%run_scoped3A_324 : memref<!tpu.dma_semaphore, #tpu.memory_space<semaphore_mem>>)
        %dma_wait3A_329 = arith.constant 0 : i32
        %dma_wait3A_330 = tpu.memref_slice %arg6[%add3A_281, %dma_wait3A_329] : memref<320000x64xf32, #tpu.memory_space<hbm>> -> memref<125x64xf32, #tpu.memory_space<hbm>>
        %dma_wait3A_331 = arith.constant 0 : i32
        %dma_wait3A_332 = tpu.memref_slice %arg15[%add3A_278, %dma_wait3A_331] : memref<20016x64xf32, #tpu.memory_space<vmem_shared>> -> memref<125x64xf32, #tpu.memory_space<vmem_shared>>
        tpu.wait_dma2 semaphore(%run_scoped3A_324 : memref<!tpu.dma_semaphore, #tpu.memory_space<semaphore_mem>>) src(%dma_wait3A_332 : memref<125x64xf32, #tpu.memory_space<vmem_shared>>) dst(%dma_wait3A_330 : memref<125x64xf32, #tpu.memory_space<hbm>>)
        tpu.yield
      }) : () -> ()
      %add3A_282 = arith.constant 250 : i32
      %add3A_283 = arith.addi %mul3A_124, %add3A_282 : i32
      %add3A_284 = arith.addi %mul3A_122, %mul3A_124 : i32
      %add3A_285 = arith.constant 250 : i32
      %add3A_286 = arith.addi %add3A_284, %add3A_285 : i32
      "tpu.region"() ({
        %run_scoped3A_324 = tpu.sem_alloc : memref<!tpu.dma_semaphore, #tpu.memory_space<semaphore_mem>>
        %dma_start3A_325 = arith.constant 0 : i32
        %dma_start3A_326 = tpu.memref_slice %arg6[%add3A_286, %dma_start3A_325] : memref<320000x64xf32, #tpu.memory_space<hbm>> -> memref<125x64xf32, #tpu.memory_space<hbm>>
        %dma_start3A_327 = arith.constant 0 : i32
        %dma_start3A_328 = tpu.memref_slice %arg15[%add3A_283, %dma_start3A_327] : memref<20016x64xf32, #tpu.memory_space<vmem_shared>> -> memref<125x64xf32, #tpu.memory_space<vmem_shared>>
        tpu.enqueue_dma source(%dma_start3A_328 : memref<125x64xf32, #tpu.memory_space<vmem_shared>>) target(%dma_start3A_326 : memref<125x64xf32, #tpu.memory_space<hbm>>) target_semaphore(%run_scoped3A_324 : memref<!tpu.dma_semaphore, #tpu.memory_space<semaphore_mem>>)
        %dma_wait3A_329 = arith.constant 0 : i32
        %dma_wait3A_330 = tpu.memref_slice %arg6[%add3A_286, %dma_wait3A_329] : memref<320000x64xf32, #tpu.memory_space<hbm>> -> memref<125x64xf32, #tpu.memory_space<hbm>>
        %dma_wait3A_331 = arith.constant 0 : i32
        %dma_wait3A_332 = tpu.memref_slice %arg15[%add3A_283, %dma_wait3A_331] : memref<20016x64xf32, #tpu.memory_space<vmem_shared>> -> memref<125x64xf32, #tpu.memory_space<vmem_shared>>
        tpu.wait_dma2 semaphore(%run_scoped3A_324 : memref<!tpu.dma_semaphore, #tpu.memory_space<semaphore_mem>>) src(%dma_wait3A_332 : memref<125x64xf32, #tpu.memory_space<vmem_shared>>) dst(%dma_wait3A_330 : memref<125x64xf32, #tpu.memory_space<hbm>>)
        tpu.yield
      }) : () -> ()
      %add3A_287 = arith.constant 375 : i32
      %add3A_288 = arith.addi %mul3A_124, %add3A_287 : i32
      %add3A_289 = arith.addi %mul3A_122, %mul3A_124 : i32
      %add3A_290 = arith.constant 375 : i32
      %add3A_291 = arith.addi %add3A_289, %add3A_290 : i32
      "tpu.region"() ({
        %run_scoped3A_324 = tpu.sem_alloc : memref<!tpu.dma_semaphore, #tpu.memory_space<semaphore_mem>>
        %dma_start3A_325 = arith.constant 0 : i32
        %dma_start3A_326 = tpu.memref_slice %arg6[%add3A_291, %dma_start3A_325] : memref<320000x64xf32, #tpu.memory_space<hbm>> -> memref<125x64xf32, #tpu.memory_space<hbm>>
        %dma_start3A_327 = arith.constant 0 : i32
        %dma_start3A_328 = tpu.memref_slice %arg15[%add3A_288, %dma_start3A_327] : memref<20016x64xf32, #tpu.memory_space<vmem_shared>> -> memref<125x64xf32, #tpu.memory_space<vmem_shared>>
        tpu.enqueue_dma source(%dma_start3A_328 : memref<125x64xf32, #tpu.memory_space<vmem_shared>>) target(%dma_start3A_326 : memref<125x64xf32, #tpu.memory_space<hbm>>) target_semaphore(%run_scoped3A_324 : memref<!tpu.dma_semaphore, #tpu.memory_space<semaphore_mem>>)
        %dma_wait3A_329 = arith.constant 0 : i32
        %dma_wait3A_330 = tpu.memref_slice %arg6[%add3A_291, %dma_wait3A_329] : memref<320000x64xf32, #tpu.memory_space<hbm>> -> memref<125x64xf32, #tpu.memory_space<hbm>>
        %dma_wait3A_331 = arith.constant 0 : i32
        %dma_wait3A_332 = tpu.memref_slice %arg15[%add3A_288, %dma_wait3A_331] : memref<20016x64xf32, #tpu.memory_space<vmem_shared>> -> memref<125x64xf32, #tpu.memory_space<vmem_shared>>
        tpu.wait_dma2 semaphore(%run_scoped3A_324 : memref<!tpu.dma_semaphore, #tpu.memory_space<semaphore_mem>>) src(%dma_wait3A_332 : memref<125x64xf32, #tpu.memory_space<vmem_shared>>) dst(%dma_wait3A_330 : memref<125x64xf32, #tpu.memory_space<hbm>>)
        tpu.yield
      }) : () -> ()
      %add3A_292 = arith.constant 500 : i32
      %add3A_293 = arith.addi %mul3A_124, %add3A_292 : i32
      %add3A_294 = arith.addi %mul3A_122, %mul3A_124 : i32
      %add3A_295 = arith.constant 500 : i32
      %add3A_296 = arith.addi %add3A_294, %add3A_295 : i32
      "tpu.region"() ({
        %run_scoped3A_324 = tpu.sem_alloc : memref<!tpu.dma_semaphore, #tpu.memory_space<semaphore_mem>>
        %dma_start3A_325 = arith.constant 0 : i32
        %dma_start3A_326 = tpu.memref_slice %arg6[%add3A_296, %dma_start3A_325] : memref<320000x64xf32, #tpu.memory_space<hbm>> -> memref<125x64xf32, #tpu.memory_space<hbm>>
        %dma_start3A_327 = arith.constant 0 : i32
        %dma_start3A_328 = tpu.memref_slice %arg15[%add3A_293, %dma_start3A_327] : memref<20016x64xf32, #tpu.memory_space<vmem_shared>> -> memref<125x64xf32, #tpu.memory_space<vmem_shared>>
        tpu.enqueue_dma source(%dma_start3A_328 : memref<125x64xf32, #tpu.memory_space<vmem_shared>>) target(%dma_start3A_326 : memref<125x64xf32, #tpu.memory_space<hbm>>) target_semaphore(%run_scoped3A_324 : memref<!tpu.dma_semaphore, #tpu.memory_space<semaphore_mem>>)
        %dma_wait3A_329 = arith.constant 0 : i32
        %dma_wait3A_330 = tpu.memref_slice %arg6[%add3A_296, %dma_wait3A_329] : memref<320000x64xf32, #tpu.memory_space<hbm>> -> memref<125x64xf32, #tpu.memory_space<hbm>>
        %dma_wait3A_331 = arith.constant 0 : i32
        %dma_wait3A_332 = tpu.memref_slice %arg15[%add3A_293, %dma_wait3A_331] : memref<20016x64xf32, #tpu.memory_space<vmem_shared>> -> memref<125x64xf32, #tpu.memory_space<vmem_shared>>
        tpu.wait_dma2 semaphore(%run_scoped3A_324 : memref<!tpu.dma_semaphore, #tpu.memory_space<semaphore_mem>>) src(%dma_wait3A_332 : memref<125x64xf32, #tpu.memory_space<vmem_shared>>) dst(%dma_wait3A_330 : memref<125x64xf32, #tpu.memory_space<hbm>>)
        tpu.yield
      }) : () -> ()
      %add3A_297 = arith.constant 625 : i32
      %add3A_298 = arith.addi %mul3A_124, %add3A_297 : i32
      %add3A_299 = arith.addi %mul3A_122, %mul3A_124 : i32
      %add3A_300 = arith.constant 625 : i32
      %add3A_301 = arith.addi %add3A_299, %add3A_300 : i32
      "tpu.region"() ({
        %run_scoped3A_324 = tpu.sem_alloc : memref<!tpu.dma_semaphore, #tpu.memory_space<semaphore_mem>>
        %dma_start3A_325 = arith.constant 0 : i32
        %dma_start3A_326 = tpu.memref_slice %arg6[%add3A_301, %dma_start3A_325] : memref<320000x64xf32, #tpu.memory_space<hbm>> -> memref<125x64xf32, #tpu.memory_space<hbm>>
        %dma_start3A_327 = arith.constant 0 : i32
        %dma_start3A_328 = tpu.memref_slice %arg15[%add3A_298, %dma_start3A_327] : memref<20016x64xf32, #tpu.memory_space<vmem_shared>> -> memref<125x64xf32, #tpu.memory_space<vmem_shared>>
        tpu.enqueue_dma source(%dma_start3A_328 : memref<125x64xf32, #tpu.memory_space<vmem_shared>>) target(%dma_start3A_326 : memref<125x64xf32, #tpu.memory_space<hbm>>) target_semaphore(%run_scoped3A_324 : memref<!tpu.dma_semaphore, #tpu.memory_space<semaphore_mem>>)
        %dma_wait3A_329 = arith.constant 0 : i32
        %dma_wait3A_330 = tpu.memref_slice %arg6[%add3A_301, %dma_wait3A_329] : memref<320000x64xf32, #tpu.memory_space<hbm>> -> memref<125x64xf32, #tpu.memory_space<hbm>>
        %dma_wait3A_331 = arith.constant 0 : i32
        %dma_wait3A_332 = tpu.memref_slice %arg15[%add3A_298, %dma_wait3A_331] : memref<20016x64xf32, #tpu.memory_space<vmem_shared>> -> memref<125x64xf32, #tpu.memory_space<vmem_shared>>
        tpu.wait_dma2 semaphore(%run_scoped3A_324 : memref<!tpu.dma_semaphore, #tpu.memory_space<semaphore_mem>>) src(%dma_wait3A_332 : memref<125x64xf32, #tpu.memory_space<vmem_shared>>) dst(%dma_wait3A_330 : memref<125x64xf32, #tpu.memory_space<hbm>>)
        tpu.yield
      }) : () -> ()
      %add3A_302 = arith.constant 750 : i32
      %add3A_303 = arith.addi %mul3A_124, %add3A_302 : i32
      %add3A_304 = arith.addi %mul3A_122, %mul3A_124 : i32
      %add3A_305 = arith.constant 750 : i32
      %add3A_306 = arith.addi %add3A_304, %add3A_305 : i32
      "tpu.region"() ({
        %run_scoped3A_324 = tpu.sem_alloc : memref<!tpu.dma_semaphore, #tpu.memory_space<semaphore_mem>>
        %dma_start3A_325 = arith.constant 0 : i32
        %dma_start3A_326 = tpu.memref_slice %arg6[%add3A_306, %dma_start3A_325] : memref<320000x64xf32, #tpu.memory_space<hbm>> -> memref<125x64xf32, #tpu.memory_space<hbm>>
        %dma_start3A_327 = arith.constant 0 : i32
        %dma_start3A_328 = tpu.memref_slice %arg15[%add3A_303, %dma_start3A_327] : memref<20016x64xf32, #tpu.memory_space<vmem_shared>> -> memref<125x64xf32, #tpu.memory_space<vmem_shared>>
        tpu.enqueue_dma source(%dma_start3A_328 : memref<125x64xf32, #tpu.memory_space<vmem_shared>>) target(%dma_start3A_326 : memref<125x64xf32, #tpu.memory_space<hbm>>) target_semaphore(%run_scoped3A_324 : memref<!tpu.dma_semaphore, #tpu.memory_space<semaphore_mem>>)
        %dma_wait3A_329 = arith.constant 0 : i32
        %dma_wait3A_330 = tpu.memref_slice %arg6[%add3A_306, %dma_wait3A_329] : memref<320000x64xf32, #tpu.memory_space<hbm>> -> memref<125x64xf32, #tpu.memory_space<hbm>>
        %dma_wait3A_331 = arith.constant 0 : i32
        %dma_wait3A_332 = tpu.memref_slice %arg15[%add3A_303, %dma_wait3A_331] : memref<20016x64xf32, #tpu.memory_space<vmem_shared>> -> memref<125x64xf32, #tpu.memory_space<vmem_shared>>
        tpu.wait_dma2 semaphore(%run_scoped3A_324 : memref<!tpu.dma_semaphore, #tpu.memory_space<semaphore_mem>>) src(%dma_wait3A_332 : memref<125x64xf32, #tpu.memory_space<vmem_shared>>) dst(%dma_wait3A_330 : memref<125x64xf32, #tpu.memory_space<hbm>>)
        tpu.yield
      }) : () -> ()
      %add3A_307 = arith.constant 875 : i32
      %add3A_308 = arith.addi %mul3A_124, %add3A_307 : i32
      %add3A_309 = arith.addi %mul3A_122, %mul3A_124 : i32
      %add3A_310 = arith.constant 875 : i32
      %add3A_311 = arith.addi %add3A_309, %add3A_310 : i32
      "tpu.region"() ({
        %run_scoped3A_324 = tpu.sem_alloc : memref<!tpu.dma_semaphore, #tpu.memory_space<semaphore_mem>>
        %dma_start3A_325 = arith.constant 0 : i32
        %dma_start3A_326 = tpu.memref_slice %arg6[%add3A_311, %dma_start3A_325] : memref<320000x64xf32, #tpu.memory_space<hbm>> -> memref<125x64xf32, #tpu.memory_space<hbm>>
        %dma_start3A_327 = arith.constant 0 : i32
        %dma_start3A_328 = tpu.memref_slice %arg15[%add3A_308, %dma_start3A_327] : memref<20016x64xf32, #tpu.memory_space<vmem_shared>> -> memref<125x64xf32, #tpu.memory_space<vmem_shared>>
        tpu.enqueue_dma source(%dma_start3A_328 : memref<125x64xf32, #tpu.memory_space<vmem_shared>>) target(%dma_start3A_326 : memref<125x64xf32, #tpu.memory_space<hbm>>) target_semaphore(%run_scoped3A_324 : memref<!tpu.dma_semaphore, #tpu.memory_space<semaphore_mem>>)
        %dma_wait3A_329 = arith.constant 0 : i32
        %dma_wait3A_330 = tpu.memref_slice %arg6[%add3A_311, %dma_wait3A_329] : memref<320000x64xf32, #tpu.memory_space<hbm>> -> memref<125x64xf32, #tpu.memory_space<hbm>>
        %dma_wait3A_331 = arith.constant 0 : i32
        %dma_wait3A_332 = tpu.memref_slice %arg15[%add3A_308, %dma_wait3A_331] : memref<20016x64xf32, #tpu.memory_space<vmem_shared>> -> memref<125x64xf32, #tpu.memory_space<vmem_shared>>
        tpu.wait_dma2 semaphore(%run_scoped3A_324 : memref<!tpu.dma_semaphore, #tpu.memory_space<semaphore_mem>>) src(%dma_wait3A_332 : memref<125x64xf32, #tpu.memory_space<vmem_shared>>) dst(%dma_wait3A_330 : memref<125x64xf32, #tpu.memory_space<hbm>>)
        tpu.yield
      }) : () -> ()
      %add3A_312 = arith.constant 1000 : i32
      %add3A_313 = arith.addi %mul3A_124, %add3A_312 : i32
      %add3A_314 = arith.addi %mul3A_122, %mul3A_124 : i32
      %add3A_315 = arith.constant 1000 : i32
      %add3A_316 = arith.addi %add3A_314, %add3A_315 : i32
      "tpu.region"() ({
        %run_scoped3A_324 = tpu.sem_alloc : memref<!tpu.dma_semaphore, #tpu.memory_space<semaphore_mem>>
        %dma_start3A_325 = arith.constant 0 : i32
        %dma_start3A_326 = tpu.memref_slice %arg6[%add3A_316, %dma_start3A_325] : memref<320000x64xf32, #tpu.memory_space<hbm>> -> memref<125x64xf32, #tpu.memory_space<hbm>>
        %dma_start3A_327 = arith.constant 0 : i32
        %dma_start3A_328 = tpu.memref_slice %arg15[%add3A_313, %dma_start3A_327] : memref<20016x64xf32, #tpu.memory_space<vmem_shared>> -> memref<125x64xf32, #tpu.memory_space<vmem_shared>>
        tpu.enqueue_dma source(%dma_start3A_328 : memref<125x64xf32, #tpu.memory_space<vmem_shared>>) target(%dma_start3A_326 : memref<125x64xf32, #tpu.memory_space<hbm>>) target_semaphore(%run_scoped3A_324 : memref<!tpu.dma_semaphore, #tpu.memory_space<semaphore_mem>>)
        %dma_wait3A_329 = arith.constant 0 : i32
        %dma_wait3A_330 = tpu.memref_slice %arg6[%add3A_316, %dma_wait3A_329] : memref<320000x64xf32, #tpu.memory_space<hbm>> -> memref<125x64xf32, #tpu.memory_space<hbm>>
        %dma_wait3A_331 = arith.constant 0 : i32
        %dma_wait3A_332 = tpu.memref_slice %arg15[%add3A_313, %dma_wait3A_331] : memref<20016x64xf32, #tpu.memory_space<vmem_shared>> -> memref<125x64xf32, #tpu.memory_space<vmem_shared>>
        tpu.wait_dma2 semaphore(%run_scoped3A_324 : memref<!tpu.dma_semaphore, #tpu.memory_space<semaphore_mem>>) src(%dma_wait3A_332 : memref<125x64xf32, #tpu.memory_space<vmem_shared>>) dst(%dma_wait3A_330 : memref<125x64xf32, #tpu.memory_space<hbm>>)
        tpu.yield
      }) : () -> ()
      %add3A_317 = arith.constant 1125 : i32
      %add3A_318 = arith.addi %mul3A_124, %add3A_317 : i32
      %add3A_319 = arith.addi %mul3A_122, %mul3A_124 : i32
      %add3A_320 = arith.constant 1125 : i32
      %add3A_321 = arith.addi %add3A_319, %add3A_320 : i32
      "tpu.region"() ({
        %run_scoped3A_324 = tpu.sem_alloc : memref<!tpu.dma_semaphore, #tpu.memory_space<semaphore_mem>>
        %dma_start3A_325 = arith.constant 0 : i32
        %dma_start3A_326 = tpu.memref_slice %arg6[%add3A_321, %dma_start3A_325] : memref<320000x64xf32, #tpu.memory_space<hbm>> -> memref<125x64xf32, #tpu.memory_space<hbm>>
        %dma_start3A_327 = arith.constant 0 : i32
        %dma_start3A_328 = tpu.memref_slice %arg15[%add3A_318, %dma_start3A_327] : memref<20016x64xf32, #tpu.memory_space<vmem_shared>> -> memref<125x64xf32, #tpu.memory_space<vmem_shared>>
        tpu.enqueue_dma source(%dma_start3A_328 : memref<125x64xf32, #tpu.memory_space<vmem_shared>>) target(%dma_start3A_326 : memref<125x64xf32, #tpu.memory_space<hbm>>) target_semaphore(%run_scoped3A_324 : memref<!tpu.dma_semaphore, #tpu.memory_space<semaphore_mem>>)
        %dma_wait3A_329 = arith.constant 0 : i32
        %dma_wait3A_330 = tpu.memref_slice %arg6[%add3A_321, %dma_wait3A_329] : memref<320000x64xf32, #tpu.memory_space<hbm>> -> memref<125x64xf32, #tpu.memory_space<hbm>>
        %dma_wait3A_331 = arith.constant 0 : i32
        %dma_wait3A_332 = tpu.memref_slice %arg15[%add3A_318, %dma_wait3A_331] : memref<20016x64xf32, #tpu.memory_space<vmem_shared>> -> memref<125x64xf32, #tpu.memory_space<vmem_shared>>
        tpu.wait_dma2 semaphore(%run_scoped3A_324 : memref<!tpu.dma_semaphore, #tpu.memory_space<semaphore_mem>>) src(%dma_wait3A_332 : memref<125x64xf32, #tpu.memory_space<vmem_shared>>) dst(%dma_wait3A_330 : memref<125x64xf32, #tpu.memory_space<hbm>>)
        tpu.yield
      }) : () -> ()
      %barrier3A_322 = arith.constant 0 : index
      tpu.barrier barrier_id(%barrier3A_322)
      %scan3A_323 = arith.constant 0 : i32
      scf.yield %scan3A_323 : i32
    }
    %scan3A_117 = arith.constant 8 : i32
    return
  }
}

module attributes {stable_mosaic.version = 14 : i64} {
  func.func @_sbf_body(%arg0: i32, %arg1: memref<4000x42xf32, #tpu.memory_space<vmem>>, %arg2: memref<42x8xf32, #tpu.memory_space<vmem>>, %arg3: memref<8x64xf32, #tpu.memory_space<vmem>>, %arg4: memref<4000x64xf32, #tpu.memory_space<vmem>>) attributes {dimension_semantics = [#tpu.dimension_semantics<arbitrary>], iteration_bounds = array<i64: 320>, scalar_prefetch = 0 : i64, scratch_operands = 0 : i64, tpu.core_type = #tpu.core_type<tc>, window_params = [{transform_indices = @transform_0, window_bounds = array<i64: 4000, 42>}, {pipeline_mode = #tpu.pipeline_mode<synchronous>, transform_indices = @transform_1, window_bounds = array<i64: 42, 8>}, {pipeline_mode = #tpu.pipeline_mode<synchronous>, transform_indices = @transform_2, window_bounds = array<i64: 8, 64>}, {transform_indices = @transform_3, window_bounds = array<i64: 4000, 64>}]} {
    %get3A = arith.constant 0 : index
    %get3A_0 = arith.constant 0 : index
    %get3A_1 = vector.load %arg1[%get3A, %get3A_0] : memref<4000x42xf32, #tpu.memory_space<vmem>>, vector<4000x42xf32>
    %get3A_2 = arith.constant 0 : index
    %get3A_3 = arith.constant 0 : index
    %get3A_4 = vector.load %arg2[%get3A_2, %get3A_3] : memref<42x8xf32, #tpu.memory_space<vmem>>, vector<42x8xf32>
    %dot_general3A = arith.constant dense<0.000000e+00> : vector<4000x8xf32>
    %dot_general3A_5 = tpu.matmul %get3A_1, %get3A_4, %dot_general3A {dimension_numbers = #tpu.dot_dimension_numbers<[1], [0], [0], [1], [0, 0, 1, 1], [], []>, transpose_lhs_hint = false} : vector<4000x42xf32>, vector<42x8xf32>, vector<4000x8xf32> -> vector<4000x8xf32>
    %get3A_6 = arith.constant 0 : index
    %get3A_7 = arith.constant 0 : index
    %get3A_8 = vector.load %arg3[%get3A_6, %get3A_7] : memref<8x64xf32, #tpu.memory_space<vmem>>, vector<8x64xf32>
    %dot_general3A_9 = arith.constant dense<0.000000e+00> : vector<4000x64xf32>
    %dot_general3A_10 = tpu.matmul %dot_general3A_5, %get3A_8, %dot_general3A_9 {dimension_numbers = #tpu.dot_dimension_numbers<[1], [0], [0], [1], [0, 0, 1, 1], [], []>, transpose_lhs_hint = false} : vector<4000x8xf32>, vector<8x64xf32>, vector<4000x64xf32> -> vector<4000x64xf32>
    %swap3A = arith.constant 0 : index
    %swap3A_11 = arith.constant 0 : index
    %swap3A_12 = vector.load %arg4[%swap3A, %swap3A_11] : memref<4000x64xf32, #tpu.memory_space<vmem>>, vector<4000x64xf32>
    tpu.vector_store %arg4[%swap3A, %swap3A_11], %dot_general3A_10 {strides = array<i32>} : memref<4000x64xf32, #tpu.memory_space<vmem>>, vector<4000x64xf32>,
    return
  }
  func.func @transform_0(%arg0: i32) -> (i32, i32) {
    %c0_i32 = arith.constant 0 : i32
    %c0_i32_0 = arith.constant 0 : i32
    return %arg0, %c0_i32 : i32, i32
  }
  func.func @transform_1(%arg0: i32) -> (i32, i32) {
    %c0_i32 = arith.constant 0 : i32
    %c0_i32_0 = arith.constant 0 : i32
    %c0_i32_1 = arith.constant 0 : i32
    return %c0_i32, %c0_i32_0 : i32, i32
  }
  func.func @transform_2(%arg0: i32) -> (i32, i32) {
    %c0_i32 = arith.constant 0 : i32
    %c0_i32_0 = arith.constant 0 : i32
    %c0_i32_1 = arith.constant 0 : i32
    return %c0_i32, %c0_i32_0 : i32, i32
  }
  func.func @transform_3(%arg0: i32) -> (i32, i32) {
    %c0_i32 = arith.constant 0 : i32
    %c0_i32_0 = arith.constant 0 : i32
    return %arg0, %c0_i32 : i32, i32
  }
}

module attributes {stable_mosaic.version = 14 : i64} {
  func.func @_prologue_body(%arg0: i32, %arg1: memref<2000x128xf32, #tpu.memory_space<vmem>>, %arg2: memref<2000x6xf32, #tpu.memory_space<vmem>>, %arg3: memref<128x128xf32, #tpu.memory_space<vmem>>, %arg4: memref<1x128xf32, #tpu.memory_space<vmem>>, %arg5: memref<6x8xf32, #tpu.memory_space<vmem>>, %arg6: memref<8x128xf32, #tpu.memory_space<vmem>>, %arg7: memref<128x64xf32, #tpu.memory_space<vmem>>, %arg8: memref<2000x64xf32, #tpu.memory_space<vmem>>) attributes {dimension_semantics = [#tpu.dimension_semantics<arbitrary>], iteration_bounds = array<i64: 160>, scalar_prefetch = 0 : i64, scratch_operands = 0 : i64, tpu.core_type = #tpu.core_type<tc>, window_params = [{transform_indices = @transform_0, window_bounds = array<i64: 2000, 128>}, {transform_indices = @transform_1, window_bounds = array<i64: 2000, 6>}, {pipeline_mode = #tpu.pipeline_mode<synchronous>, transform_indices = @transform_2, window_bounds = array<i64: 128, 128>}, {pipeline_mode = #tpu.pipeline_mode<synchronous>, transform_indices = @transform_3, window_bounds = array<i64: 1, 128>}, {pipeline_mode = #tpu.pipeline_mode<synchronous>, transform_indices = @transform_4, window_bounds = array<i64: 6, 8>}, {pipeline_mode = #tpu.pipeline_mode<synchronous>, transform_indices = @transform_5, window_bounds = array<i64: 8, 128>}, {pipeline_mode = #tpu.pipeline_mode<synchronous>, transform_indices = @transform_6, window_bounds = array<i64: 128, 64>}, {transform_indices = @transform_7, window_bounds = array<i64: 2000, 64>}]} {
    %get3A = arith.constant 0 : index
    %get3A_0 = arith.constant 0 : index
    %get3A_1 = vector.load %arg1[%get3A, %get3A_0] : memref<2000x128xf32, #tpu.memory_space<vmem>>, vector<2000x128xf32>
    %get3A_2 = arith.constant 0 : index
    %get3A_3 = arith.constant 0 : index
    %get3A_4 = vector.load %arg3[%get3A_2, %get3A_3] : memref<128x128xf32, #tpu.memory_space<vmem>>, vector<128x128xf32>
    %convert_element_type3A = arith.truncf %get3A_1 : vector<2000x128xf32> to vector<2000x128xbf16>
    %convert_element_type3A_5 = arith.truncf %get3A_4 : vector<128x128xf32> to vector<128x128xbf16>
    %dot_general3A = arith.constant dense<0.000000e+00> : vector<2000x128xf32>
    %dot_general3A_6 = tpu.matmul %convert_element_type3A, %convert_element_type3A_5, %dot_general3A {dimension_numbers = #tpu.dot_dimension_numbers<[1], [0], [0], [1], [0, 0, 1, 1], [], []>, transpose_lhs_hint = false} : vector<2000x128xbf16>, vector<128x128xbf16>, vector<2000x128xf32> -> vector<2000x128xf32>
    %get3A_7 = arith.constant 0 : index
    %get3A_8 = arith.constant 0 : index
    %get3A_9 = vector.load %arg4[%get3A_7, %get3A_8] : memref<1x128xf32, #tpu.memory_space<vmem>>, vector<1x128xf32>
    %add3A = vector.broadcast %get3A_9 : vector<1x128xf32> to vector<2000x128xf32>
    %add3A_10 = arith.addf %dot_general3A_6, %add3A : vector<2000x128xf32>
    %neg3A = arith.constant 0.000000e+00 : f32
    %neg3A_11 = vector.broadcast %neg3A : f32 to vector<2000x128xf32>
    %neg3A_12 = arith.subf %neg3A_11, %add3A_10 : vector<2000x128xf32>
    %exp3A = math.exp %neg3A_12 : vector<2000x128xf32>
    %add3A_13 = arith.constant 1.000000e+00 : f32
    %add3A_14 = vector.broadcast %add3A_13 : f32 to vector<2000x128xf32>
    %add3A_15 = arith.addf %add3A_14, %exp3A : vector<2000x128xf32>
    %div3A = arith.constant 1.000000e+00 : f32
    %div3A_16 = vector.broadcast %div3A : f32 to vector<2000x128xf32>
    %div3A_17 = arith.divf %div3A_16, %add3A_15 : vector<2000x128xf32>
    %mul3A = arith.mulf %add3A_10, %div3A_17 : vector<2000x128xf32>
    %get3A_18 = arith.constant 0 : index
    %get3A_19 = arith.constant 0 : index
    %get3A_20 = vector.load %arg2[%get3A_18, %get3A_19] : memref<2000x6xf32, #tpu.memory_space<vmem>>, vector<2000x6xf32>
    %get3A_21 = arith.constant 0 : index
    %get3A_22 = arith.constant 0 : index
    %get3A_23 = vector.load %arg5[%get3A_21, %get3A_22] : memref<6x8xf32, #tpu.memory_space<vmem>>, vector<6x8xf32>
    %dot_general3A_24 = arith.constant dense<0.000000e+00> : vector<2000x8xf32>
    %dot_general3A_25 = tpu.matmul %get3A_20, %get3A_23, %dot_general3A_24 {dimension_numbers = #tpu.dot_dimension_numbers<[1], [0], [0], [1], [0, 0, 1, 1], [], []>, transpose_lhs_hint = false} : vector<2000x6xf32>, vector<6x8xf32>, vector<2000x8xf32> -> vector<2000x8xf32>
    %get3A_26 = arith.constant 0 : index
    %get3A_27 = arith.constant 0 : index
    %get3A_28 = vector.load %arg6[%get3A_26, %get3A_27] : memref<8x128xf32, #tpu.memory_space<vmem>>, vector<8x128xf32>
    %dot_general3A_29 = arith.constant dense<0.000000e+00> : vector<2000x128xf32>
    %dot_general3A_30 = tpu.matmul %dot_general3A_25, %get3A_28, %dot_general3A_29 {dimension_numbers = #tpu.dot_dimension_numbers<[1], [0], [0], [1], [0, 0, 1, 1], [], []>, transpose_lhs_hint = false} : vector<2000x8xf32>, vector<8x128xf32>, vector<2000x128xf32> -> vector<2000x128xf32>
    %mul3A_31 = arith.mulf %mul3A, %dot_general3A_30 : vector<2000x128xf32>
    %get3A_32 = arith.constant 0 : index
    %get3A_33 = arith.constant 0 : index
    %get3A_34 = vector.load %arg7[%get3A_32, %get3A_33] : memref<128x64xf32, #tpu.memory_space<vmem>>, vector<128x64xf32>
    %convert_element_type3A_35 = arith.truncf %mul3A_31 : vector<2000x128xf32> to vector<2000x128xbf16>
    %convert_element_type3A_36 = arith.truncf %get3A_34 : vector<128x64xf32> to vector<128x64xbf16>
    %dot_general3A_37 = arith.constant dense<0.000000e+00> : vector<2000x64xf32>
    %dot_general3A_38 = tpu.matmul %convert_element_type3A_35, %convert_element_type3A_36, %dot_general3A_37 {dimension_numbers = #tpu.dot_dimension_numbers<[1], [0], [0], [1], [0, 0, 1, 1], [], []>, transpose_lhs_hint = false} : vector<2000x128xbf16>, vector<128x64xbf16>, vector<2000x64xf32> -> vector<2000x64xf32>
    %neg3A_39 = arith.constant 0.000000e+00 : f32
    %neg3A_40 = vector.broadcast %neg3A_39 : f32 to vector<2000x64xf32>
    %neg3A_41 = arith.subf %neg3A_40, %dot_general3A_38 : vector<2000x64xf32>
    %exp3A_42 = math.exp %neg3A_41 : vector<2000x64xf32>
    %add3A_43 = arith.constant 1.000000e+00 : f32
    %add3A_44 = vector.broadcast %add3A_43 : f32 to vector<2000x64xf32>
    %add3A_45 = arith.addf %add3A_44, %exp3A_42 : vector<2000x64xf32>
    %div3A_46 = arith.constant 1.000000e+00 : f32
    %div3A_47 = vector.broadcast %div3A_46 : f32 to vector<2000x64xf32>
    %div3A_48 = arith.divf %div3A_47, %add3A_45 : vector<2000x64xf32>
    %mul3A_49 = arith.mulf %dot_general3A_38, %div3A_48 : vector<2000x64xf32>
    %swap3A = arith.constant 0 : index
    %swap3A_50 = arith.constant 0 : index
    %swap3A_51 = vector.load %arg8[%swap3A, %swap3A_50] : memref<2000x64xf32, #tpu.memory_space<vmem>>, vector<2000x64xf32>
    tpu.vector_store %arg8[%swap3A, %swap3A_50], %mul3A_49 {strides = array<i32>} : memref<2000x64xf32, #tpu.memory_space<vmem>>, vector<2000x64xf32>,
    return
  }
  func.func @transform_0(%arg0: i32) -> (i32, i32) {
    %c0_i32 = arith.constant 0 : i32
    %c0_i32_0 = arith.constant 0 : i32
    return %arg0, %c0_i32 : i32, i32
  }
  func.func @transform_1(%arg0: i32) -> (i32, i32) {
    %c0_i32 = arith.constant 0 : i32
    %c0_i32_0 = arith.constant 0 : i32
    return %arg0, %c0_i32 : i32, i32
  }
  func.func @transform_2(%arg0: i32) -> (i32, i32) {
    %c0_i32 = arith.constant 0 : i32
    %c0_i32_0 = arith.constant 0 : i32
    %c0_i32_1 = arith.constant 0 : i32
    return %c0_i32, %c0_i32_0 : i32, i32
  }
  func.func @transform_3(%arg0: i32) -> (i32, i32) {
    %c0_i32 = arith.constant 0 : i32
    %c0_i32_0 = arith.constant 0 : i32
    %c0_i32_1 = arith.constant 0 : i32
    return %c0_i32, %c0_i32_0 : i32, i32
  }
  func.func @transform_4(%arg0: i32) -> (i32, i32) {
    %c0_i32 = arith.constant 0 : i32
    %c0_i32_0 = arith.constant 0 : i32
    %c0_i32_1 = arith.constant 0 : i32
    return %c0_i32, %c0_i32_0 : i32, i32
  }
  func.func @transform_5(%arg0: i32) -> (i32, i32) {
    %c0_i32 = arith.constant 0 : i32
    %c0_i32_0 = arith.constant 0 : i32
    %c0_i32_1 = arith.constant 0 : i32
    return %c0_i32, %c0_i32_0 : i32, i32
  }
  func.func @transform_6(%arg0: i32) -> (i32, i32) {
    %c0_i32 = arith.constant 0 : i32
    %c0_i32_0 = arith.constant 0 : i32
    %c0_i32_1 = arith.constant 0 : i32
    return %c0_i32, %c0_i32_0 : i32, i32
  }
  func.func @transform_7(%arg0: i32) -> (i32, i32) {
    %c0_i32 = arith.constant 0 : i32
    %c0_i32_0 = arith.constant 0 : i32
    return %arg0, %c0_i32 : i32, i32
  }
}

module attributes {stable_mosaic.version = 14 : i64} {
  func.func @_epilogue_body(%arg0: i32, %arg1: memref<2000x128xf32, #tpu.memory_space<vmem>>, %arg2: memref<2000x64xf32, #tpu.memory_space<vmem>>, %arg3: memref<128x128xf32, #tpu.memory_space<vmem>>, %arg4: memref<1x128xf32, #tpu.memory_space<vmem>>, %arg5: memref<64x128xf32, #tpu.memory_space<vmem>>, %arg6: memref<128x128xf32, #tpu.memory_space<vmem>>, %arg7: memref<1x128xf32, #tpu.memory_space<vmem>>, %arg8: memref<128x128xf32, #tpu.memory_space<vmem>>, %arg9: memref<1x128xf32, #tpu.memory_space<vmem>>, %arg10: memref<128x128xf32, #tpu.memory_space<vmem>>, %arg11: memref<1x128xf32, #tpu.memory_space<vmem>>, %arg12: memref<128x128xf32, #tpu.memory_space<vmem>>, %arg13: memref<1x128xf32, #tpu.memory_space<vmem>>, %arg14: memref<128x128xf32, #tpu.memory_space<vmem>>, %arg15: memref<1x128xf32, #tpu.memory_space<vmem>>, %arg16: memref<128x128xf32, #tpu.memory_space<vmem>>, %arg17: memref<1x128xf32, #tpu.memory_space<vmem>>, %arg18: memref<128x128xf32, #tpu.memory_space<vmem>>, %arg19: memref<1x128xf32, #tpu.memory_space<vmem>>, %arg20: memref<2000x128xf32, #tpu.memory_space<vmem>>) attributes {dimension_semantics = [#tpu.dimension_semantics<arbitrary>], iteration_bounds = array<i64: 160>, scalar_prefetch = 0 : i64, scratch_operands = 0 : i64, tpu.core_type = #tpu.core_type<tc>, window_params = [{transform_indices = @transform_0, window_bounds = array<i64: 2000, 128>}, {transform_indices = @transform_1, window_bounds = array<i64: 2000, 64>}, {pipeline_mode = #tpu.pipeline_mode<synchronous>, transform_indices = @transform_2, window_bounds = array<i64: 128, 128>}, {pipeline_mode = #tpu.pipeline_mode<synchronous>, transform_indices = @transform_3, window_bounds = array<i64: 1, 128>}, {pipeline_mode = #tpu.pipeline_mode<synchronous>, transform_indices = @transform_4, window_bounds = array<i64: 64, 128>}, {pipeline_mode = #tpu.pipeline_mode<synchronous>, transform_indices = @transform_5, window_bounds = array<i64: 128, 128>}, {pipeline_mode = #tpu.pipeline_mode<synchronous>, transform_indices = @transform_6, window_bounds = array<i64: 1, 128>}, {pipeline_mode = #tpu.pipeline_mode<synchronous>, transform_indices = @transform_7, window_bounds = array<i64: 128, 128>}, {pipeline_mode = #tpu.pipeline_mode<synchronous>, transform_indices = @transform_8, window_bounds = array<i64: 1, 128>}, {pipeline_mode = #tpu.pipeline_mode<synchronous>, transform_indices = @transform_9, window_bounds = array<i64: 128, 128>}, {pipeline_mode = #tpu.pipeline_mode<synchronous>, transform_indices = @transform_10, window_bounds = array<i64: 1, 128>}, {pipeline_mode = #tpu.pipeline_mode<synchronous>, transform_indices = @transform_11, window_bounds = array<i64: 128, 128>}, {pipeline_mode = #tpu.pipeline_mode<synchronous>, transform_indices = @transform_12, window_bounds = array<i64: 1, 128>}, {pipeline_mode = #tpu.pipeline_mode<synchronous>, transform_indices = @transform_13, window_bounds = array<i64: 128, 128>}, {pipeline_mode = #tpu.pipeline_mode<synchronous>, transform_indices = @transform_14, window_bounds = array<i64: 1, 128>}, {pipeline_mode = #tpu.pipeline_mode<synchronous>, transform_indices = @transform_15, window_bounds = array<i64: 128, 128>}, {pipeline_mode = #tpu.pipeline_mode<synchronous>, transform_indices = @transform_16, window_bounds = array<i64: 1, 128>}, {pipeline_mode = #tpu.pipeline_mode<synchronous>, transform_indices = @transform_17, window_bounds = array<i64: 128, 128>}, {pipeline_mode = #tpu.pipeline_mode<synchronous>, transform_indices = @transform_18, window_bounds = array<i64: 1, 128>}, {transform_indices = @transform_19, window_bounds = array<i64: 2000, 128>}]} {
    %get3A = arith.constant 0 : index
    %get3A_0 = arith.constant 0 : index
    %get3A_1 = vector.load %arg1[%get3A, %get3A_0] : memref<2000x128xf32, #tpu.memory_space<vmem>>, vector<2000x128xf32>
    %get3A_2 = arith.constant 0 : index
    %get3A_3 = arith.constant 0 : index
    %get3A_4 = vector.load %arg3[%get3A_2, %get3A_3] : memref<128x128xf32, #tpu.memory_space<vmem>>, vector<128x128xf32>
    %convert_element_type3A = arith.truncf %get3A_1 : vector<2000x128xf32> to vector<2000x128xbf16>
    %convert_element_type3A_5 = arith.truncf %get3A_4 : vector<128x128xf32> to vector<128x128xbf16>
    %dot_general3A = arith.constant dense<0.000000e+00> : vector<2000x128xf32>
    %dot_general3A_6 = tpu.matmul %convert_element_type3A, %convert_element_type3A_5, %dot_general3A {dimension_numbers = #tpu.dot_dimension_numbers<[1], [0], [0], [1], [0, 0, 1, 1], [], []>, transpose_lhs_hint = false} : vector<2000x128xbf16>, vector<128x128xbf16>, vector<2000x128xf32> -> vector<2000x128xf32>
    %get3A_7 = arith.constant 0 : index
    %get3A_8 = arith.constant 0 : index
    %get3A_9 = vector.load %arg4[%get3A_7, %get3A_8] : memref<1x128xf32, #tpu.memory_space<vmem>>, vector<1x128xf32>
    %add3A = vector.broadcast %get3A_9 : vector<1x128xf32> to vector<2000x128xf32>
    %add3A_10 = arith.addf %dot_general3A_6, %add3A : vector<2000x128xf32>
    %neg3A = arith.constant 0.000000e+00 : f32
    %neg3A_11 = vector.broadcast %neg3A : f32 to vector<2000x128xf32>
    %neg3A_12 = arith.subf %neg3A_11, %add3A_10 : vector<2000x128xf32>
    %exp3A = math.exp %neg3A_12 : vector<2000x128xf32>
    %add3A_13 = arith.constant 1.000000e+00 : f32
    %add3A_14 = vector.broadcast %add3A_13 : f32 to vector<2000x128xf32>
    %add3A_15 = arith.addf %add3A_14, %exp3A : vector<2000x128xf32>
    %div3A = arith.constant 1.000000e+00 : f32
    %div3A_16 = vector.broadcast %div3A : f32 to vector<2000x128xf32>
    %div3A_17 = arith.divf %div3A_16, %add3A_15 : vector<2000x128xf32>
    %mul3A = arith.mulf %add3A_10, %div3A_17 : vector<2000x128xf32>
    %get3A_18 = arith.constant 0 : index
    %get3A_19 = arith.constant 0 : index
    %get3A_20 = vector.load %arg2[%get3A_18, %get3A_19] : memref<2000x64xf32, #tpu.memory_space<vmem>>, vector<2000x64xf32>
    %get3A_21 = arith.constant 0 : index
    %get3A_22 = arith.constant 0 : index
    %get3A_23 = vector.load %arg5[%get3A_21, %get3A_22] : memref<64x128xf32, #tpu.memory_space<vmem>>, vector<64x128xf32>
    %convert_element_type3A_24 = arith.truncf %get3A_20 : vector<2000x64xf32> to vector<2000x64xbf16>
    %convert_element_type3A_25 = arith.truncf %get3A_23 : vector<64x128xf32> to vector<64x128xbf16>
    %dot_general3A_26 = arith.constant dense<0.000000e+00> : vector<2000x128xf32>
    %dot_general3A_27 = tpu.matmul %convert_element_type3A_24, %convert_element_type3A_25, %dot_general3A_26 {dimension_numbers = #tpu.dot_dimension_numbers<[1], [0], [0], [1], [0, 0, 1, 1], [], []>, transpose_lhs_hint = false} : vector<2000x64xbf16>, vector<64x128xbf16>, vector<2000x128xf32> -> vector<2000x128xf32>
    %neg3A_28 = arith.constant 0.000000e+00 : f32
    %neg3A_29 = vector.broadcast %neg3A_28 : f32 to vector<2000x128xf32>
    %neg3A_30 = arith.subf %neg3A_29, %dot_general3A_27 : vector<2000x128xf32>
    %exp3A_31 = math.exp %neg3A_30 : vector<2000x128xf32>
    %add3A_32 = arith.constant 1.000000e+00 : f32
    %add3A_33 = vector.broadcast %add3A_32 : f32 to vector<2000x128xf32>
    %add3A_34 = arith.addf %add3A_33, %exp3A_31 : vector<2000x128xf32>
    %div3A_35 = arith.constant 1.000000e+00 : f32
    %div3A_36 = vector.broadcast %div3A_35 : f32 to vector<2000x128xf32>
    %div3A_37 = arith.divf %div3A_36, %add3A_34 : vector<2000x128xf32>
    %mul3A_38 = arith.mulf %dot_general3A_27, %div3A_37 : vector<2000x128xf32>
    %add3A_39 = arith.addf %mul3A, %mul3A_38 : vector<2000x128xf32>
    %get3A_40 = arith.constant 0 : index
    %get3A_41 = arith.constant 0 : index
    %get3A_42 = vector.load %arg6[%get3A_40, %get3A_41] : memref<128x128xf32, #tpu.memory_space<vmem>>, vector<128x128xf32>
    %convert_element_type3A_43 = arith.truncf %add3A_39 : vector<2000x128xf32> to vector<2000x128xbf16>
    %convert_element_type3A_44 = arith.truncf %get3A_42 : vector<128x128xf32> to vector<128x128xbf16>
    %dot_general3A_45 = arith.constant dense<0.000000e+00> : vector<2000x128xf32>
    %dot_general3A_46 = tpu.matmul %convert_element_type3A_43, %convert_element_type3A_44, %dot_general3A_45 {dimension_numbers = #tpu.dot_dimension_numbers<[1], [0], [0], [1], [0, 0, 1, 1], [], []>, transpose_lhs_hint = false} : vector<2000x128xbf16>, vector<128x128xbf16>, vector<2000x128xf32> -> vector<2000x128xf32>
    %get3A_47 = arith.constant 0 : index
    %get3A_48 = arith.constant 0 : index
    %get3A_49 = vector.load %arg7[%get3A_47, %get3A_48] : memref<1x128xf32, #tpu.memory_space<vmem>>, vector<1x128xf32>
    %add3A_50 = vector.broadcast %get3A_49 : vector<1x128xf32> to vector<2000x128xf32>
    %add3A_51 = arith.addf %dot_general3A_46, %add3A_50 : vector<2000x128xf32>
    %neg3A_52 = arith.constant 0.000000e+00 : f32
    %neg3A_53 = vector.broadcast %neg3A_52 : f32 to vector<2000x128xf32>
    %neg3A_54 = arith.subf %neg3A_53, %add3A_51 : vector<2000x128xf32>
    %exp3A_55 = math.exp %neg3A_54 : vector<2000x128xf32>
    %add3A_56 = arith.constant 1.000000e+00 : f32
    %add3A_57 = vector.broadcast %add3A_56 : f32 to vector<2000x128xf32>
    %add3A_58 = arith.addf %add3A_57, %exp3A_55 : vector<2000x128xf32>
    %div3A_59 = arith.constant 1.000000e+00 : f32
    %div3A_60 = vector.broadcast %div3A_59 : f32 to vector<2000x128xf32>
    %div3A_61 = arith.divf %div3A_60, %add3A_58 : vector<2000x128xf32>
    %mul3A_62 = arith.mulf %add3A_51, %div3A_61 : vector<2000x128xf32>
    %get3A_63 = arith.constant 0 : index
    %get3A_64 = arith.constant 0 : index
    %get3A_65 = vector.load %arg8[%get3A_63, %get3A_64] : memref<128x128xf32, #tpu.memory_space<vmem>>, vector<128x128xf32>
    %convert_element_type3A_66 = arith.truncf %mul3A_62 : vector<2000x128xf32> to vector<2000x128xbf16>
    %convert_element_type3A_67 = arith.truncf %get3A_65 : vector<128x128xf32> to vector<128x128xbf16>
    %dot_general3A_68 = arith.constant dense<0.000000e+00> : vector<2000x128xf32>
    %dot_general3A_69 = tpu.matmul %convert_element_type3A_66, %convert_element_type3A_67, %dot_general3A_68 {dimension_numbers = #tpu.dot_dimension_numbers<[1], [0], [0], [1], [0, 0, 1, 1], [], []>, transpose_lhs_hint = false} : vector<2000x128xbf16>, vector<128x128xbf16>, vector<2000x128xf32> -> vector<2000x128xf32>
    %get3A_70 = arith.constant 0 : index
    %get3A_71 = arith.constant 0 : index
    %get3A_72 = vector.load %arg9[%get3A_70, %get3A_71] : memref<1x128xf32, #tpu.memory_space<vmem>>, vector<1x128xf32>
    %add3A_73 = vector.broadcast %get3A_72 : vector<1x128xf32> to vector<2000x128xf32>
    %add3A_74 = arith.addf %dot_general3A_69, %add3A_73 : vector<2000x128xf32>
    %neg3A_75 = arith.constant 0.000000e+00 : f32
    %neg3A_76 = vector.broadcast %neg3A_75 : f32 to vector<2000x128xf32>
    %neg3A_77 = arith.subf %neg3A_76, %add3A_74 : vector<2000x128xf32>
    %exp3A_78 = math.exp %neg3A_77 : vector<2000x128xf32>
    %add3A_79 = arith.constant 1.000000e+00 : f32
    %add3A_80 = vector.broadcast %add3A_79 : f32 to vector<2000x128xf32>
    %add3A_81 = arith.addf %add3A_80, %exp3A_78 : vector<2000x128xf32>
    %div3A_82 = arith.constant 1.000000e+00 : f32
    %div3A_83 = vector.broadcast %div3A_82 : f32 to vector<2000x128xf32>
    %div3A_84 = arith.divf %div3A_83, %add3A_81 : vector<2000x128xf32>
    %mul3A_85 = arith.mulf %add3A_74, %div3A_84 : vector<2000x128xf32>
    %add3A_86 = arith.addf %add3A_39, %mul3A_85 : vector<2000x128xf32>
    %get3A_87 = arith.constant 0 : index
    %get3A_88 = arith.constant 0 : index
    %get3A_89 = vector.load %arg10[%get3A_87, %get3A_88] : memref<128x128xf32, #tpu.memory_space<vmem>>, vector<128x128xf32>
    %convert_element_type3A_90 = arith.truncf %add3A_86 : vector<2000x128xf32> to vector<2000x128xbf16>
    %convert_element_type3A_91 = arith.truncf %get3A_89 : vector<128x128xf32> to vector<128x128xbf16>
    %dot_general3A_92 = arith.constant dense<0.000000e+00> : vector<2000x128xf32>
    %dot_general3A_93 = tpu.matmul %convert_element_type3A_90, %convert_element_type3A_91, %dot_general3A_92 {dimension_numbers = #tpu.dot_dimension_numbers<[1], [0], [0], [1], [0, 0, 1, 1], [], []>, transpose_lhs_hint = false} : vector<2000x128xbf16>, vector<128x128xbf16>, vector<2000x128xf32> -> vector<2000x128xf32>
    %get3A_94 = arith.constant 0 : index
    %get3A_95 = arith.constant 0 : index
    %get3A_96 = vector.load %arg11[%get3A_94, %get3A_95] : memref<1x128xf32, #tpu.memory_space<vmem>>, vector<1x128xf32>
    %add3A_97 = vector.broadcast %get3A_96 : vector<1x128xf32> to vector<2000x128xf32>
    %add3A_98 = arith.addf %dot_general3A_93, %add3A_97 : vector<2000x128xf32>
    %neg3A_99 = arith.constant 0.000000e+00 : f32
    %neg3A_100 = vector.broadcast %neg3A_99 : f32 to vector<2000x128xf32>
    %neg3A_101 = arith.subf %neg3A_100, %add3A_98 : vector<2000x128xf32>
    %exp3A_102 = math.exp %neg3A_101 : vector<2000x128xf32>
    %add3A_103 = arith.constant 1.000000e+00 : f32
    %add3A_104 = vector.broadcast %add3A_103 : f32 to vector<2000x128xf32>
    %add3A_105 = arith.addf %add3A_104, %exp3A_102 : vector<2000x128xf32>
    %div3A_106 = arith.constant 1.000000e+00 : f32
    %div3A_107 = vector.broadcast %div3A_106 : f32 to vector<2000x128xf32>
    %div3A_108 = arith.divf %div3A_107, %add3A_105 : vector<2000x128xf32>
    %mul3A_109 = arith.mulf %add3A_98, %div3A_108 : vector<2000x128xf32>
    %add3A_110 = arith.addf %get3A_1, %mul3A_109 : vector<2000x128xf32>
    %get3A_111 = arith.constant 0 : index
    %get3A_112 = arith.constant 0 : index
    %get3A_113 = vector.load %arg12[%get3A_111, %get3A_112] : memref<128x128xf32, #tpu.memory_space<vmem>>, vector<128x128xf32>
    %convert_element_type3A_114 = arith.truncf %add3A_110 : vector<2000x128xf32> to vector<2000x128xbf16>
    %convert_element_type3A_115 = arith.truncf %get3A_113 : vector<128x128xf32> to vector<128x128xbf16>
    %dot_general3A_116 = arith.constant dense<0.000000e+00> : vector<2000x128xf32>
    %dot_general3A_117 = tpu.matmul %convert_element_type3A_114, %convert_element_type3A_115, %dot_general3A_116 {dimension_numbers = #tpu.dot_dimension_numbers<[1], [0], [0], [1], [0, 0, 1, 1], [], []>, transpose_lhs_hint = false} : vector<2000x128xbf16>, vector<128x128xbf16>, vector<2000x128xf32> -> vector<2000x128xf32>
    %get3A_118 = arith.constant 0 : index
    %get3A_119 = arith.constant 0 : index
    %get3A_120 = vector.load %arg13[%get3A_118, %get3A_119] : memref<1x128xf32, #tpu.memory_space<vmem>>, vector<1x128xf32>
    %add3A_121 = vector.broadcast %get3A_120 : vector<1x128xf32> to vector<2000x128xf32>
    %add3A_122 = arith.addf %dot_general3A_117, %add3A_121 : vector<2000x128xf32>
    %neg3A_123 = arith.constant 0.000000e+00 : f32
    %neg3A_124 = vector.broadcast %neg3A_123 : f32 to vector<2000x128xf32>
    %neg3A_125 = arith.subf %neg3A_124, %add3A_122 : vector<2000x128xf32>
    %exp3A_126 = math.exp %neg3A_125 : vector<2000x128xf32>
    %add3A_127 = arith.constant 1.000000e+00 : f32
    %add3A_128 = vector.broadcast %add3A_127 : f32 to vector<2000x128xf32>
    %add3A_129 = arith.addf %add3A_128, %exp3A_126 : vector<2000x128xf32>
    %div3A_130 = arith.constant 1.000000e+00 : f32
    %div3A_131 = vector.broadcast %div3A_130 : f32 to vector<2000x128xf32>
    %div3A_132 = arith.divf %div3A_131, %add3A_129 : vector<2000x128xf32>
    %mul3A_133 = arith.mulf %add3A_122, %div3A_132 : vector<2000x128xf32>
    %get3A_134 = arith.constant 0 : index
    %get3A_135 = arith.constant 0 : index
    %get3A_136 = vector.load %arg14[%get3A_134, %get3A_135] : memref<128x128xf32, #tpu.memory_space<vmem>>, vector<128x128xf32>
    %convert_element_type3A_137 = arith.truncf %mul3A_133 : vector<2000x128xf32> to vector<2000x128xbf16>
    %convert_element_type3A_138 = arith.truncf %get3A_136 : vector<128x128xf32> to vector<128x128xbf16>
    %dot_general3A_139 = arith.constant dense<0.000000e+00> : vector<2000x128xf32>
    %dot_general3A_140 = tpu.matmul %convert_element_type3A_137, %convert_element_type3A_138, %dot_general3A_139 {dimension_numbers = #tpu.dot_dimension_numbers<[1], [0], [0], [1], [0, 0, 1, 1], [], []>, transpose_lhs_hint = false} : vector<2000x128xbf16>, vector<128x128xbf16>, vector<2000x128xf32> -> vector<2000x128xf32>
    %get3A_141 = arith.constant 0 : index
    %get3A_142 = arith.constant 0 : index
    %get3A_143 = vector.load %arg15[%get3A_141, %get3A_142] : memref<1x128xf32, #tpu.memory_space<vmem>>, vector<1x128xf32>
    %add3A_144 = vector.broadcast %get3A_143 : vector<1x128xf32> to vector<2000x128xf32>
    %add3A_145 = arith.addf %dot_general3A_140, %add3A_144 : vector<2000x128xf32>
    %neg3A_146 = arith.constant 0.000000e+00 : f32
    %neg3A_147 = vector.broadcast %neg3A_146 : f32 to vector<2000x128xf32>
    %neg3A_148 = arith.subf %neg3A_147, %add3A_145 : vector<2000x128xf32>
    %exp3A_149 = math.exp %neg3A_148 : vector<2000x128xf32>
    %add3A_150 = arith.constant 1.000000e+00 : f32
    %add3A_151 = vector.broadcast %add3A_150 : f32 to vector<2000x128xf32>
    %add3A_152 = arith.addf %add3A_151, %exp3A_149 : vector<2000x128xf32>
    %div3A_153 = arith.constant 1.000000e+00 : f32
    %div3A_154 = vector.broadcast %div3A_153 : f32 to vector<2000x128xf32>
    %div3A_155 = arith.divf %div3A_154, %add3A_152 : vector<2000x128xf32>
    %mul3A_156 = arith.mulf %add3A_145, %div3A_155 : vector<2000x128xf32>
    %add3A_157 = arith.addf %add3A_110, %mul3A_156 : vector<2000x128xf32>
    %get3A_158 = arith.constant 0 : index
    %get3A_159 = arith.constant 0 : index
    %get3A_160 = vector.load %arg16[%get3A_158, %get3A_159] : memref<128x128xf32, #tpu.memory_space<vmem>>, vector<128x128xf32>
    %convert_element_type3A_161 = arith.truncf %add3A_157 : vector<2000x128xf32> to vector<2000x128xbf16>
    %convert_element_type3A_162 = arith.truncf %get3A_160 : vector<128x128xf32> to vector<128x128xbf16>
    %dot_general3A_163 = arith.constant dense<0.000000e+00> : vector<2000x128xf32>
    %dot_general3A_164 = tpu.matmul %convert_element_type3A_161, %convert_element_type3A_162, %dot_general3A_163 {dimension_numbers = #tpu.dot_dimension_numbers<[1], [0], [0], [1], [0, 0, 1, 1], [], []>, transpose_lhs_hint = false} : vector<2000x128xbf16>, vector<128x128xbf16>, vector<2000x128xf32> -> vector<2000x128xf32>
    %get3A_165 = arith.constant 0 : index
    %get3A_166 = arith.constant 0 : index
    %get3A_167 = vector.load %arg17[%get3A_165, %get3A_166] : memref<1x128xf32, #tpu.memory_space<vmem>>, vector<1x128xf32>
    %add3A_168 = vector.broadcast %get3A_167 : vector<1x128xf32> to vector<2000x128xf32>
    %add3A_169 = arith.addf %dot_general3A_164, %add3A_168 : vector<2000x128xf32>
    %neg3A_170 = arith.constant 0.000000e+00 : f32
    %neg3A_171 = vector.broadcast %neg3A_170 : f32 to vector<2000x128xf32>
    %neg3A_172 = arith.subf %neg3A_171, %add3A_169 : vector<2000x128xf32>
    %exp3A_173 = math.exp %neg3A_172 : vector<2000x128xf32>
    %add3A_174 = arith.constant 1.000000e+00 : f32
    %add3A_175 = vector.broadcast %add3A_174 : f32 to vector<2000x128xf32>
    %add3A_176 = arith.addf %add3A_175, %exp3A_173 : vector<2000x128xf32>
    %div3A_177 = arith.constant 1.000000e+00 : f32
    %div3A_178 = vector.broadcast %div3A_177 : f32 to vector<2000x128xf32>
    %div3A_179 = arith.divf %div3A_178, %add3A_176 : vector<2000x128xf32>
    %mul3A_180 = arith.mulf %add3A_169, %div3A_179 : vector<2000x128xf32>
    %get3A_181 = arith.constant 0 : index
    %get3A_182 = arith.constant 0 : index
    %get3A_183 = vector.load %arg18[%get3A_181, %get3A_182] : memref<128x128xf32, #tpu.memory_space<vmem>>, vector<128x128xf32>
    %convert_element_type3A_184 = arith.truncf %mul3A_180 : vector<2000x128xf32> to vector<2000x128xbf16>
    %convert_element_type3A_185 = arith.truncf %get3A_183 : vector<128x128xf32> to vector<128x128xbf16>
    %dot_general3A_186 = arith.constant dense<0.000000e+00> : vector<2000x128xf32>
    %dot_general3A_187 = tpu.matmul %convert_element_type3A_184, %convert_element_type3A_185, %dot_general3A_186 {dimension_numbers = #tpu.dot_dimension_numbers<[1], [0], [0], [1], [0, 0, 1, 1], [], []>, transpose_lhs_hint = false} : vector<2000x128xbf16>, vector<128x128xbf16>, vector<2000x128xf32> -> vector<2000x128xf32>
    %get3A_188 = arith.constant 0 : index
    %get3A_189 = arith.constant 0 : index
    %get3A_190 = vector.load %arg19[%get3A_188, %get3A_189] : memref<1x128xf32, #tpu.memory_space<vmem>>, vector<1x128xf32>
    %add3A_191 = vector.broadcast %get3A_190 : vector<1x128xf32> to vector<2000x128xf32>
    %add3A_192 = arith.addf %dot_general3A_187, %add3A_191 : vector<2000x128xf32>
    %neg3A_193 = arith.constant 0.000000e+00 : f32
    %neg3A_194 = vector.broadcast %neg3A_193 : f32 to vector<2000x128xf32>
    %neg3A_195 = arith.subf %neg3A_194, %add3A_192 : vector<2000x128xf32>
    %exp3A_196 = math.exp %neg3A_195 : vector<2000x128xf32>
    %add3A_197 = arith.constant 1.000000e+00 : f32
    %add3A_198 = vector.broadcast %add3A_197 : f32 to vector<2000x128xf32>
    %add3A_199 = arith.addf %add3A_198, %exp3A_196 : vector<2000x128xf32>
    %div3A_200 = arith.constant 1.000000e+00 : f32
    %div3A_201 = vector.broadcast %div3A_200 : f32 to vector<2000x128xf32>
    %div3A_202 = arith.divf %div3A_201, %add3A_199 : vector<2000x128xf32>
    %mul3A_203 = arith.mulf %add3A_192, %div3A_202 : vector<2000x128xf32>
    %add3A_204 = arith.addf %add3A_157, %mul3A_203 : vector<2000x128xf32>
    %swap3A = arith.constant 0 : index
    %swap3A_205 = arith.constant 0 : index
    %swap3A_206 = vector.load %arg20[%swap3A, %swap3A_205] : memref<2000x128xf32, #tpu.memory_space<vmem>>, vector<2000x128xf32>
    tpu.vector_store %arg20[%swap3A, %swap3A_205], %add3A_204 {strides = array<i32>} : memref<2000x128xf32, #tpu.memory_space<vmem>>, vector<2000x128xf32>,
    return
  }
  func.func @transform_0(%arg0: i32) -> (i32, i32) {
    %c0_i32 = arith.constant 0 : i32
    %c0_i32_0 = arith.constant 0 : i32
    return %arg0, %c0_i32 : i32, i32
  }
  func.func @transform_1(%arg0: i32) -> (i32, i32) {
    %c0_i32 = arith.constant 0 : i32
    %c0_i32_0 = arith.constant 0 : i32
    return %arg0, %c0_i32 : i32, i32
  }
  func.func @transform_2(%arg0: i32) -> (i32, i32) {
    %c0_i32 = arith.constant 0 : i32
    %c0_i32_0 = arith.constant 0 : i32
    %c0_i32_1 = arith.constant 0 : i32
    return %c0_i32, %c0_i32_0 : i32, i32
  }
  func.func @transform_3(%arg0: i32) -> (i32, i32) {
    %c0_i32 = arith.constant 0 : i32
    %c0_i32_0 = arith.constant 0 : i32
    %c0_i32_1 = arith.constant 0 : i32
    return %c0_i32, %c0_i32_0 : i32, i32
  }
  func.func @transform_4(%arg0: i32) -> (i32, i32) {
    %c0_i32 = arith.constant 0 : i32
    %c0_i32_0 = arith.constant 0 : i32
    %c0_i32_1 = arith.constant 0 : i32
    return %c0_i32, %c0_i32_0 : i32, i32
  }
  func.func @transform_5(%arg0: i32) -> (i32, i32) {
    %c0_i32 = arith.constant 0 : i32
    %c0_i32_0 = arith.constant 0 : i32
    %c0_i32_1 = arith.constant 0 : i32
    return %c0_i32, %c0_i32_0 : i32, i32
  }
  func.func @transform_6(%arg0: i32) -> (i32, i32) {
    %c0_i32 = arith.constant 0 : i32
    %c0_i32_0 = arith.constant 0 : i32
    %c0_i32_1 = arith.constant 0 : i32
    return %c0_i32, %c0_i32_0 : i32, i32
  }
  func.func @transform_7(%arg0: i32) -> (i32, i32) {
    %c0_i32 = arith.constant 0 : i32
    %c0_i32_0 = arith.constant 0 : i32
    %c0_i32_1 = arith.constant 0 : i32
    return %c0_i32, %c0_i32_0 : i32, i32
  }
  func.func @transform_8(%arg0: i32) -> (i32, i32) {
    %c0_i32 = arith.constant 0 : i32
    %c0_i32_0 = arith.constant 0 : i32
    %c0_i32_1 = arith.constant 0 : i32
    return %c0_i32, %c0_i32_0 : i32, i32
  }
  func.func @transform_9(%arg0: i32) -> (i32, i32) {
    %c0_i32 = arith.constant 0 : i32
    %c0_i32_0 = arith.constant 0 : i32
    %c0_i32_1 = arith.constant 0 : i32
    return %c0_i32, %c0_i32_0 : i32, i32
  }
  func.func @transform_10(%arg0: i32) -> (i32, i32) {
    %c0_i32 = arith.constant 0 : i32
    %c0_i32_0 = arith.constant 0 : i32
    %c0_i32_1 = arith.constant 0 : i32
    return %c0_i32, %c0_i32_0 : i32, i32
  }
  func.func @transform_11(%arg0: i32) -> (i32, i32) {
    %c0_i32 = arith.constant 0 : i32
    %c0_i32_0 = arith.constant 0 : i32
    %c0_i32_1 = arith.constant 0 : i32
    return %c0_i32, %c0_i32_0 : i32, i32
  }
  func.func @transform_12(%arg0: i32) -> (i32, i32) {
    %c0_i32 = arith.constant 0 : i32
    %c0_i32_0 = arith.constant 0 : i32
    %c0_i32_1 = arith.constant 0 : i32
    return %c0_i32, %c0_i32_0 : i32, i32
  }
  func.func @transform_13(%arg0: i32) -> (i32, i32) {
    %c0_i32 = arith.constant 0 : i32
    %c0_i32_0 = arith.constant 0 : i32
    %c0_i32_1 = arith.constant 0 : i32
    return %c0_i32, %c0_i32_0 : i32, i32
  }
  func.func @transform_14(%arg0: i32) -> (i32, i32) {
    %c0_i32 = arith.constant 0 : i32
    %c0_i32_0 = arith.constant 0 : i32
    %c0_i32_1 = arith.constant 0 : i32
    return %c0_i32, %c0_i32_0 : i32, i32
  }
  func.func @transform_15(%arg0: i32) -> (i32, i32) {
    %c0_i32 = arith.constant 0 : i32
    %c0_i32_0 = arith.constant 0 : i32
    %c0_i32_1 = arith.constant 0 : i32
    return %c0_i32, %c0_i32_0 : i32, i32
  }
  func.func @transform_16(%arg0: i32) -> (i32, i32) {
    %c0_i32 = arith.constant 0 : i32
    %c0_i32_0 = arith.constant 0 : i32
    %c0_i32_1 = arith.constant 0 : i32
    return %c0_i32, %c0_i32_0 : i32, i32
  }
  func.func @transform_17(%arg0: i32) -> (i32, i32) {
    %c0_i32 = arith.constant 0 : i32
    %c0_i32_0 = arith.constant 0 : i32
    %c0_i32_1 = arith.constant 0 : i32
    return %c0_i32, %c0_i32_0 : i32, i32
  }
  func.func @transform_18(%arg0: i32) -> (i32, i32) {
    %c0_i32 = arith.constant 0 : i32
    %c0_i32_0 = arith.constant 0 : i32
    %c0_i32_1 = arith.constant 0 : i32
    return %c0_i32, %c0_i32_0 : i32, i32
  }
  func.func @transform_19(%arg0: i32) -> (i32, i32) {
    %c0_i32 = arith.constant 0 : i32
    %c0_i32_0 = arith.constant 0 : i32
    return %arg0, %c0_i32 : i32, i32
  }
}

</mosaic_0001>

<sc_bundles>
// kernel: kernel.6.cloned.1.call-start
scs
__scs_entry_jumppad:
0x0: {  	(pc) =	sbr.rel $0x88, $3  }
0x1: {  	(tag) =	ssettag $0x0;
	lr =	simm.s32 $0x1  }
0x2: {  	[smem:$0x3F84] =	sst lr;
	_ =	strace $0xD0000000  }
0x3: {  	_ = 	snop  }
0x4: {  	_ = 	snop  }
0x5: {  	_ = 	snop  }
0x6: {  	_ = 	snop  }
0x7: {  	_ = 	snop  }
__scs_overlays_trampoline_lowered:
0x8: {  	[smem:$0x3F93] =	sst s0  }
0x9: {  	[smem:$0x3F94] =	sst s1  }
0xa: {  	[smem:$0x3F95] =	sst s2  }
0xb: {  	[smem:$0x3F96] =	sst s3  }
0xc: {  	[smem:$0x3F97] =	sst s4  }
0xd: {  	[smem:$0x3F98] =	sst s5  }
0xe: {  	[smem:$0x3F99] =	sst s6  }
0xf: {  	[smem:$0x3F9A] =	sst s7  }
0x10: {  	[smem:$0x3F9B] =	sst s8  }
0x11: {  	[smem:$0x3F9C] =	sst s9;
	s0 =	simm.s32 @!p0 $0x0  }
0x12: {  	s1 =	sld [smem:$0x3F82];
	s0 =	simm.s32 @p0 $0x1  }
0x13: {  	[smem:$0x3F9D] =	sst s0;
	s0 =	simm.s32 @!p1 $0x0  }
0x14: {  	s2 =	sld [smem:$0x3F81];
	s0 =	simm.s32 @p1 $0x1  }
0x15: {  	[smem:$0x3F9E] =	sst s0;
	s0 =	simm.s32 @!p2 $0x0  }
0x16: {  	s3 =	sld [smem:$0x3FDB];
	s0 =	simm.s32 @p2 $0x1  }
0x17: {  	s4 =	simm.s32 $0x1BF5;
	[smem:$0x3FA0] =	sst s0  }
0x18: {  	s0 =	sld [smem:$0x3F83];
	_ =	swait.ge [sflag:s4], $0x0  }
0x19: {  	s7 =	sld [smem:$0x3F84]  }
0x1a: {  	s8 =	sadd.s32 $0xFFFFE003, lr  }
0x1b: {  	s9 =	sadd.s32 $0xFFFFFEF7, lr;
	s5 =	simm.s32 $0xFFFFFFFF;
	p2 =	slt.u32 s8, $0xFFFFF086  }
0x1c: {  	p1 =	slt.u32 s9, $0xF7A;
	s5 =	simm.s32 @!p2 $0x0  }
0x1d: {  	s5 =	simm.s32 @p1 $0x1;
	p0 =	seq.s32 s7, s2  }
0x1e: {  	s7 =	smul.u32 @!p0 $0xF7A, s2;
	p2 =	seq.s32 @!p0 s5, $0x0  }
0x1f: {  	s9 =	smul.u32 $0xF7A, s1;
	s8 =	simm.s32 @!p0 $0x1BF5;
	p2 =	por !p2, p0  }
0x20: {  	[sflag:s8] =	ssyncset.s32 @!p0 $0xFFFFF086;
	s6 =	sadd.s32 @!p0 s3, s7;
	s7 =	simm.s32 @!p0 $0x108  }
0x21: {  	s3 =	sadd.s32 s3, s9;
	s6 =	sadd.s32 @!p0 $0x88, s6;
	s7 =	simm.s32 @p2 $0x1082  }
0x22: {  	[simem:s7], [sflag:s8] =	dma.local @!p0 [hbm:s6], $0xF7A  }
0x23: {  	s9 =	sor.u32 $0xD0000000, s2;
	s6 =	simm.s32 $0x108;
	_ =	swait.ge @!p0 [sflag:s8], $0x0  }
0x24: {  	s3 =	sadd.s32 $0x88, s3;
	s6 =	simm.s32 @!p1 $0x1082;
	[sflag:s4] =	ssyncset.s32 $0xFFFFF086  }
0x25: {  	[simem:s6], [sflag:s4] =	dma.local [hbm:s3], $0xF7A  }
0x26: {  	[smem:$0x3F84] =	sst s1;
	(tag) =	ssettag s2;
	_ =	strace s9  }
0x27: {  	s1 =	sld [smem:$0x3F94]  }
0x28: {  	s2 =	sld [smem:$0x3F95]  }
0x29: {  	s4 =	sld [smem:$0x3F97]  }
0x2a: {  	p0 =	seq.s32 s5, $0x0;
	s5 =	sld [smem:$0x3F98]  }
0x2b: {  	s6 =	sld [smem:$0x3F99]  }
0x2c: {  	s7 =	sld [smem:$0x3F9A]  }
0x2d: {  	s3 =	simm.s32 $0x108;
	s8 =	sld [smem:$0x3F9B]  }
0x2e: {  	s3 =	simm.s32 @!p0 $0x1082;
	s9 =	sld [smem:$0x3F9C]  }
0x2f: {  	lr =	sadd.s32 s0, s3;
	s0 =	sld [smem:$0x3F93]  }
0x30: {  	s3 =	sld [smem:$0x3F96]  }
0x31: {  	[smem:$0x3F9F] =	sst s10  }
0x32: {  	s10 =	sld [smem:$0x3F9D];
	_ =	sdelay $0x3  }
0x33: {  	p0 =	seq.s32 s10, $0x1;
	s10 =	sld [smem:$0x3F9F];
	_ =	sdelay $0x3  }
0x34: {  	[smem:$0x3F9F] =	sst s10  }
0x35: {  	s10 =	sld [smem:$0x3F9E];
	_ =	sdelay $0x3  }
0x36: {  	p1 =	seq.s32 s10, $0x1;
	s10 =	sld [smem:$0x3F9F];
	_ =	sdelay $0x3  }
0x37: {  	[smem:$0x3F9F] =	sst s10  }
0x38: {  	s10 =	sld [smem:$0x3FA0]  }
0x39: {  	_ = 	snop;
	(pc) =	sbr.ind lr, $3  }
0x3a: {  	_ = 	snop  }
0x3b: {  	_ = 	snop  }
0x3c: {  	p2 =	seq.s32 s10, $0x1;
	s10 =	sld [smem:$0x3F9F]  }
0x3d: {  	_ =	shalt  }
0x3e: {  	_ =	shalt  }
0x3f: {  	_ =	shalt  }
0x40: {  	_ =	shalt  }
0x41: {  	_ =	shalt  }
0x42: {  	_ =	shalt  }
0x43: {  	_ =	shalt  }
0x44: {  	_ =	shalt  }
0x45: {  	_ =	shalt  }
0x46: {  	_ =	shalt  }
0x47: {  	_ =	shalt  }
0x48: {  	_ =	shalt  }
0x49: {  	_ =	shalt  }
0x4a: {  	_ =	shalt  }
0x4b: {  	_ =	shalt  }
0x4c: {  	_ =	shalt  }
0x4d: {  	_ =	shalt  }
0x4e: {  	_ =	shalt  }
0x4f: {  	_ =	shalt  }
0x50: {  	_ =	shalt  }
0x51: {  	_ =	shalt  }
0x52: {  	_ =	shalt  }
0x53: {  	_ =	shalt  }
0x54: {  	_ =	shalt  }
0x55: {  	_ =	shalt  }
0x56: {  	_ =	shalt  }
0x57: {  	_ =	shalt  }
0x58: {  	_ =	shalt  }
0x59: {  	_ =	shalt  }
0x5a: {  	_ =	shalt  }
0x5b: {  	_ =	shalt  }
0x5c: {  	_ =	shalt  }
0x5d: {  	_ =	shalt  }
0x5e: {  	_ =	shalt  }
0x5f: {  	_ =	shalt  }
0x60: {  	_ =	shalt  }
0x61: {  	_ =	shalt  }
0x62: {  	_ =	shalt  }
0x63: {  	_ =	shalt  }
0x64: {  	_ =	shalt  }
0x65: {  	_ =	shalt  }
0x66: {  	_ =	shalt  }
0x67: {  	_ =	shalt  }
0x68: {  	_ =	shalt  }
0x69: {  	_ =	shalt  }
0x6a: {  	_ =	shalt  }
0x6b: {  	_ =	shalt  }
0x6c: {  	_ =	shalt  }
0x6d: {  	_ =	shalt  }
0x6e: {  	_ =	shalt  }
0x6f: {  	_ =	shalt  }
0x70: {  	_ =	shalt  }
0x71: {  	_ =	shalt  }
0x72: {  	_ =	shalt  }
0x73: {  	_ =	shalt  }
0x74: {  	_ =	shalt  }
0x75: {  	_ =	shalt  }
0x76: {  	_ =	shalt  }
0x77: {  	_ =	shalt  }
0x78: {  	_ =	shalt  }
0x79: {  	_ =	shalt  }
0x7a: {  	_ =	shalt  }
0x7b: {  	_ =	shalt  }
0x7c: {  	_ =	shalt  }
0x7d: {  	_ =	shalt  }
0x7e: {  	_ =	shalt  }
0x7f: {  	_ =	shalt  }
0x80: {  	_ =	shalt  }
0x81: {  	_ =	shalt  }
0x82: {  	_ =	shalt  }
0x83: {  	_ =	shalt  }
0x84: {  	_ =	shalt  }
0x85: {  	_ =	shalt  }
0x86: {  	_ =	shalt  }
0x87: {  	_ =	shalt  }
.Lfunc_end0:
.L_simem_size_0:
called_computation_lowered:
.L_overlay_start_0:
0x88: {  	s2 =	sld [smem:$0x3FD9]  }
0x89: {  	s3 =	sld [smem:$0x3FFE];
	_ =	sdelay $0x1  }
0x8a: {  	s1 =	srdreg.scid  }
0x8b: {  	s0 =	sand.u32 $0x1, s1  }
0x8c: {  	s17 =	sshll.u32 s0, $0xA;
	s2 =	sadd.s32 s3, s2  }
0x8d: {  	s2 =	sadd.s32 s2, s17  }
0x8e: {  	[smem:$0x3FAB] =	sst s2  }
0x8f: {  	_ = 	snop  }
0x90: {  	s2 =	sld [smem:$0x3FC6]  }
0x91: {  	s18 =	sld [smem:$0x3FC5]  }
0x92: {  	s4 =	sld [smem:$0x3FD0];
	(tm) =	ssettm $0x1  }
0x93: {  	s5 =	sld [smem:$0x3FFB];
	_ =	sdelay $0x3  }
0x94: {  	_ =	strace s5  }
0x95: {  	s5 =	sld [smem:$0x3FFC];
	_ =	sdelay $0x3  }
0x96: {  	_ =	strace s5  }
0x97: {  	s5 =	sld [smem:$0x3FFD];
	_ =	sdelay $0x3  }
0x98: {  	_ =	strace s5  }
0x99: {  	_ =	strace $0x8FFFFFFF  }
0x9a: {  	s19 =	sld [smem:$0x3FDB];
	_ =	sdelay $0x1  }
0x9b: {  	s6 =	simm.s32 $_scs_section_size  }
0x9c: {  	s7 =	simm.s32 $_size__tile_overlayer_lowered;
	s8 =	simm.s32 $_tile_overlayer_lowered  }
0x9d: {  	s22 =	simm.s32 $0x1BFF;
	s21 =	sshll.u32 s8, $0x1;
	s5 =	sadd.s32 s6, s19  }
0x9e: {  	s9 =	simm.s32 $0x0;
	s20 =	sshll.u32 s7, $0x1;
	s7 =	sadd.s32 s21, s5  }
0x9f: {  	[timem:s9], [sflag:s22] =	dma.local [hbm:s7], s20  }
0xa0: {  	_ =	swait.ge [sflag:s22], s20  }
0xa1: {  	s6 =	ssub.s32 $0x0, s20;
	[sflag:s22] =	ssyncset.done $0x0  }
0xa2: {  	[sflag:s22] =	ssyncadd.s32 s6;
	_ =	sdelay $0x1  }
0xa3: {  	s23 =	simm.s32 $0x1B8B  }
0xa4: {  	_ =	swait.ge [sflag:s23], $0x1  }
0xa5: {  	[sflag:s23] =	ssyncset.done $0x0  }
0xa6: {  	s25 =	simm.s32 $0x1B8E;
	s24 =	sld [smem:$0x3FFE];
	[sflag:s23] =	ssyncadd.s32 $0xFFFFFFFF  }
0xa7: {  	s26 =	simm.s32 $execute0_lowered;
	[smem:$0x3FD2] =	sst s25  }
0xa8: {  	s7 =	sshll.u32 s26, $0x1;
	_ =	strace $0x80000046;
	[dreg:$0x1] =	wrdreg $0xFFFFFFFF  }
0xa9: {  	s28 =	simm.s32 $_size_execute0_lowered;
	s5 =	sadd.s32 s5, s7;
	[dreg:$0x0] =	wrdreg $0x0  }
0xaa: {  	s7 =	sshll.u32 s28, $0x1;
	[dreg:$0x2] =	wrdreg s5  }
0xab: {  	[dreg:$0x3] =	wrdreg s7  }
0xac: {  	[dreg:$0x4] =	wrdreg $0xC0  }
0xad: {  	_ =	task [dreg:s9], $0x5FFFF  }
0xae: {  	[dreg:$0x1] =	wrdreg $0xFFFFFFFF  }
0xaf: {  	[dreg:$0x0] =	wrdreg $0x60  }
0xb0: {  	[dreg:$0x2] =	wrdreg s4  }
0xb1: {  	[dreg:$0x3] =	wrdreg s24  }
0xb2: {  	[dreg:$0x4] =	wrdreg s18  }
0xb3: {  	[dreg:$0x5] =	wrdreg s2  }
0xb4: {  	[dreg:$0x6] =	wrdreg $0x91000  }
0xb5: {  	[dreg:$0x7] =	wrdreg $0x9  }
0xb6: {  	_ =	task.clear_ibuf [dreg:s9], $0x8FFFF;
	_ =	strace $0x90000046  }
0xb7: {  	s29 =	simm.s32 $0x9;
	_ =	strace $0x80000048  }
0xb8: {  	_ =	swait.ge [sflag:s29], $0x1  }
0xb9: {  	[sflag:s29] =	ssyncadd.s32 $0xFFFFFFFF  }
0xba: {  	_ =	strace $0x90000048  }
0xbb: {  	_ =	sfence  }
0xbc: {  	s30 =	sld [smem:$0x0];
	_ =	sdelay $0x2  }
0xbd: {  	s31 =	sshll.u32 s1, $0xD;
	s1 =	sshrl.u32 s1, $0x2  }
0xbe: {  	s3 =	sand.u32 $0x4000, s31;
	s1 =	sadd.s32 s1, s30  }
0xbf: {  	s0 =	sor.u32 s3, s0;
	s1 =	sshll.u32 s1, $0x11  }
0xc0: {  	s0 =	sor.u32 s1, s0  }
0xc1: {  	s0 =	sadd.s32 $0x8F2B, s0  }
0xc2: {  	[sflag:s0] =	ssyncadd.remote.s32 $0x1  }
0xc3: {  	_ =	sfence.sel $0xFFFF  }
0xc4: {  	[dreg:$0x0] =	wrdreg $0xFFFFFFFF;
	(pc) =	sbr.abs _section_cstart, $3  }
0xc5: {  	[dreg:$0x1] =	wrdreg $0xFFFFFFFF  }
0xc6: {  	_ =	task.clear_ibuf [dreg:s9], $0x2FFFF;
	_ =	strace $0x9FFFFFFF  }
0xc7: {  	(tm) =	ssettm $0x7FFFFFFF  }
tec
execute0_lowered:
.L_overlay_start_1:
0x0: {  	(tag) =	ssettag $0x1  }
0x1: {  	v0 =	vlaneseq.u32  }
0x2: {  	s0 =	rddreg [dreg:$0x0];
	v8 =	vor.u32 $0x80, v0  }
0x3: {  	s3 =	rddreg [dreg:$0x1];
	[tilespmem:$0x1FF40] =	vst v8;
	v8 =	vor.u32 $0x90, v0  }
0x4: {  	s1 =	rddreg [dreg:$0x2];
	[tilespmem:$0x1FF50] =	vst v8;
	v8 =	vor.u32 $0xA0, v0  }
0x5: {  	s2 =	rddreg [dreg:$0x3];
	[tilespmem:$0x1FF60] =	vst v8;
	v8 =	vor.u32 $0xB0, v0  }
0x6: {  	s4 =	rddreg [dreg:$0x4];
	s14 =	simm.s32 $0x0;
	[tilespmem:$0x1FF70] =	vst v8;
	v8 =	vor.u32 $0xC0, v0  }
0x7: {  	s29 =	srdreg.scid;
	s10 =	stileid.u32;
	s5 =	sadd.s32 $0x9C7600, s3;
	[tilespmem:$0x1FF80] =	vst v8;
	v8 =	vor.u32 $0xD0, v0  }
0x8: {  	[smem:$0x7FF] =	sst s14;
	s7 =	sadd.s32 $0x3600, s3;
	s6 =	sadd.s32 $0x9C79E8, s3;
	[tilespmem:$0x1FF90] =	vst v8  }
0x9: {  	s8 =	sadd.s32 $0x9C7DD0, s3;
	_ =	strace $0x80000047;
	[dreg:$0x7] =	wrdreg s5  }
0xa: {  	v1 =	vor.u32 $0x10, v0;
	v2 =	vor.u32 $0x20, v0;
	v3 =	vor.u32 $0x30, v0;
	s9 =	smul.u32 $0x4E200, s10;
	s11 =	sadd.s32 $0x9C81B8, s3;
	[dreg:$0x8] =	wrdreg s6  }
0xb: {  	v4 =	vor.u32 $0x40, v0;
	v5 =	vor.u32 $0x50, v0;
	v6 =	vor.u32 $0x60, v0;
	s24 =	smul.u32 $0x13880, s10;
	s13 =	sadd.s32 $0x9C8988, s3;
	[dreg:$0x9] =	wrdreg s8  }
0xc: {  	v7 =	vor.u32 $0x70, v0;
	v20 =	vor.u32 $0x140, v0;
	v21 =	vor.u32 $0x150, v0;
	s15 =	smul.u32 $0x4E2, s10;
	s16 =	sadd.s32 $0x9C8D70, s3;
	[dreg:$0xa] =	wrdreg s11  }
0xd: {  	v22 =	vor.u32 $0x160, v0;
	v23 =	vor.u32 $0x170, v0;
	s18 =	sadd.s32 $0x9C9158, s3;
	s20 =	sadd.s32 $0x9C9540, s3;
	[dreg:$0xd] =	wrdreg s13  }
0xe: {  	v24 =	vor.u32 $0x180, v0;
	v25 =	vor.u32 $0x190, v0;
	v26 =	vor.u32 $0x1A0, v0;
	s10 =	simm.s32 $0x3100;
	s12 =	sshrl.u32 s9, $0x2;
	[dreg:$0xe] =	wrdreg s15  }
0xf: {  	v27 =	vor.u32 $0x1B0, v0;
	v28 =	vor.u32 $0x1C0, v0;
	v29 =	vor.u32 $0x1D0, v0;
	s17 =	sshrl.u32 s24, $0x3;
	s9 =	simm.s32 $0x80;
	[dreg:$0xf] =	wrdreg s16  }
0x10: {  	v30 =	vor.u32 $0x1E0, v0;
	v31 =	vor.u32 $0x1F0, v0;
	v32 =	vor.u32 $0x200, v0;
	s22 =	sadd.s32 s12, s4;
	s19 =	sadd.s32 s1, s17;
	[dreg:$0x10] =	wrdreg s18  }
0x11: {  	v33 =	vor.u32 $0x210, v0;
	v34 =	vor.u32 $0x220, v0;
	v35 =	vor.u32 $0x230, v0;
	s12 =	simm.s32 $0x1;
	s23 =	sadd.s32 $0x1F40, s22;
	[dreg:$0x11] =	wrdreg s19  }
0x12: {  	v36 =	vor.u32 $0x240, v0;
	v37 =	vor.u32 $0x250, v0;
	v38 =	vor.u32 $0x260, v0;
	s25 =	sadd.s32 $0x3E80, s22;
	s26 =	sadd.s32 $0x5DC0, s22;
	[dreg:$0x13] =	wrdreg s20  }
0x13: {  	v39 =	vor.u32 $0x270, v0;
	v40 =	vor.u32 $0x280, v0;
	v41 =	vor.u32 $0x290, v0;
	s28 =	sadd.s32 $0x7D00, s22;
	s5 =	sand.u32 $0x1, s29;
	[dreg:$0x16] =	wrdreg s25  }
0x14: {  	v42 =	vor.u32 $0x2A0, v0;
	v43 =	vor.u32 $0x2B0, v0;
	s11 =	sadd.s32 $0x9C85A0, s3;
	s3 =	sadd.s32 $0x9C9928, s3;
	[dreg:$0x17] =	wrdreg s26  }
0x15: {  	v44 =	vor.u32 $0x2C0, v0;
	v45 =	vor.u32 $0x2D0, v0;
	v46 =	vor.u32 $0x2E0, v0;
	[dreg:$0x18] =	wrdreg s28;
	s29 =	sadd.s32 $0x9C40, s22;
	s25 =	sadd.s32 $0xFA00, s22  }
0x16: {  	v47 =	vor.u32 $0x2F0, v0;
	v48 =	vor.u32 $0x300, v0;
	v49 =	vor.u32 $0x310, v0;
	s8 =	simm.s32 $0x7100;
	s13 =	simm.s32 $0x2;
	[dreg:$0xc] =	wrdreg s11  }
0x17: {  	v50 =	vor.u32 $0x320, v0;
	v51 =	vor.u32 $0x330, v0;
	v8 =	vor.u32 $0xE0, v0;
	s15 =	simm.s32 $0x1900;
	s16 =	simm.s32 $0x3;
	[dreg:$0x14] =	wrdreg s3  }
0x18: {  	v52 =	vor.u32 $0x340, v0;
	v53 =	vor.u32 $0x350, v0;
	[tilespmem:$0x1FFA0] =	vst v8;
	v8 =	vor.u32 $0xF0, v0;
	s30 =	ssub.s32 $0x2, s5;
	s5 =	sshll.u32 s5, $0x3;
	[dreg:$0x19] =	wrdreg s29  }
0x19: {  	v54 =	vor.u32 $0x360, v0;
	v55 =	vor.u32 $0x370, v0;
	[tilespmem:$0x1FFB0] =	vst v8;
	v8 =	vor.u32 $0x100, v0;
	s31 =	sshrl.u32 s30, $0x1;
	[dreg:$0xb] =	wrdreg s5;
	s5 =	sadd.s32 s2, s17  }
0x1a: {  	v56 =	vor.u32 $0x380, v0;
	v57 =	vor.u32 $0x390, v0;
	[tilespmem:$0x1FFC0] =	vst v8;
	v8 =	vor.u32 $0x110, v0;
	s6 =	ssub.s32 s30, s31;
	[dreg:$0x12] =	wrdreg s5;
	s30 =	sadd.s32 $0xBB80, s22  }
0x1b: {  	v58 =	vor.u32 $0x3A0, v0;
	v59 =	vor.u32 $0x3B0, v0;
	s18 =	simm.s32 $0x4;
	[tilespmem:$0x1FFD0] =	vst v8;
	v8 =	vor.u32 $0x120, v0;
	s31 =	sadd.s32 $0xDAC0, s22;
	[dreg:$0x1a] =	wrdreg s30  }
0x1c: {  	v60 =	vor.u32 $0x3C0, v0;
	v61 =	vor.u32 $0x3D0, v0;
	s11 =	simm.s32 $0x5100;
	[tilespmem:$0x1FFE0] =	vst v8;
	v8 =	vor.u32 $0x130, v0;
	s21 =	smax.u32 s6, $0x1;
	[dreg:$0x1b] =	wrdreg s31  }
0x1d: {  	v62 =	vor.u32 $0x3E0, v0;
	v63 =	vor.u32 $0x3F0, v0;
	s5 =	sadd.s32 $0x11940, s22;
	s6 =	simm.s32 $0x5;
	[tilespmem:$0x1FFF0] =	vst v8;
	[dreg:$0x15] =	wrdreg s21;
	v8 =	vimm.f32 $0.0e+00  }
.LBB2_1:
0x1e: {  	[tilespmem:$0x2100] =	vst v0  }
0x1f: {  	[tilespmem:$0x2900] =	vst v0  }
0x20: {  	[tilespmem:$0x2110] =	vst v1  }
0x21: {  	[tilespmem:$0x2910] =	vst v1  }
0x22: {  	[tilespmem:$0x2120] =	vst v2  }
0x23: {  	[tilespmem:$0x2920] =	vst v2  }
0x24: {  	[tilespmem:$0x2130] =	vst v3  }
0x25: {  	[tilespmem:$0x2930] =	vst v3  }
0x26: {  	[tilespmem:$0x2140] =	vst v4  }
0x27: {  	[tilespmem:$0x2940] =	vst v4  }
0x28: {  	[tilespmem:$0x2150] =	vst v5  }
0x29: {  	[tilespmem:$0x2950] =	vst v5  }
0x2a: {  	[tilespmem:$0x2160] =	vst v6  }
0x2b: {  	[tilespmem:$0x2960] =	vst v6  }
0x2c: {  	[tilespmem:$0x2170] =	vst v7  }
0x2d: {  	[tilespmem:$0x2970] =	vst v7  }
0x2e: {  	[tilespmem:$0x2240] =	vst v20  }
0x2f: {  	[tilespmem:$0x2A40] =	vst v20  }
0x30: {  	[tilespmem:$0x2250] =	vst v21  }
0x31: {  	[tilespmem:$0x2A50] =	vst v21  }
0x32: {  	[tilespmem:$0x2260] =	vst v22  }
0x33: {  	[tilespmem:$0x2A60] =	vst v22  }
0x34: {  	[tilespmem:$0x2270] =	vst v23  }
0x35: {  	[tilespmem:$0x2A70] =	vst v23  }
0x36: {  	[tilespmem:$0x2280] =	vst v24  }
0x37: {  	[tilespmem:$0x2A80] =	vst v24  }
0x38: {  	[tilespmem:$0x2290] =	vst v25  }
0x39: {  	[tilespmem:$0x2A90] =	vst v25  }
0x3a: {  	[tilespmem:$0x22A0] =	vst v26  }
0x3b: {  	[tilespmem:$0x2AA0] =	vst v26  }
0x3c: {  	[tilespmem:$0x22B0] =	vst v27  }
0x3d: {  	[tilespmem:$0x2AB0] =	vst v27  }
0x3e: {  	[tilespmem:$0x22C0] =	vst v28  }
0x3f: {  	[tilespmem:$0x2AC0] =	vst v28  }
0x40: {  	[tilespmem:$0x22D0] =	vst v29  }
0x41: {  	[tilespmem:$0x2AD0] =	vst v29  }
0x42: {  	[tilespmem:$0x22E0] =	vst v30  }
0x43: {  	[tilespmem:$0x2AE0] =	vst v30  }
0x44: {  	[tilespmem:$0x22F0] =	vst v31  }
0x45: {  	[tilespmem:$0x2AF0] =	vst v31  }
0x46: {  	[tilespmem:$0x2300] =	vst v32  }
0x47: {  	[tilespmem:$0x2B00] =	vst v32  }
0x48: {  	[tilespmem:$0x2310] =	vst v33  }
0x49: {  	[tilespmem:$0x2B10] =	vst v33  }
0x4a: {  	[tilespmem:$0x2320] =	vst v34  }
0x4b: {  	[tilespmem:$0x2B20] =	vst v34  }
0x4c: {  	[tilespmem:$0x2330] =	vst v35  }
0x4d: {  	[tilespmem:$0x2B30] =	vst v35  }
0x4e: {  	[tilespmem:$0x2340] =	vst v36  }
0x4f: {  	[tilespmem:$0x2B40] =	vst v36  }
0x50: {  	[tilespmem:$0x2350] =	vst v37  }
0x51: {  	[tilespmem:$0x2B50] =	vst v37  }
0x52: {  	[tilespmem:$0x2360] =	vst v38  }
0x53: {  	[tilespmem:$0x2B60] =	vst v38  }
0x54: {  	[tilespmem:$0x2370] =	vst v39  }
0x55: {  	v9 =	vor.u32 $0x400, v0;
	[tilespmem:$0x2B70] =	vst v39  }
0x56: {  	[tilespmem:$0x2500] =	vst v9  }
0x57: {  	[tilespmem:$0x2D00] =	vst v9;
	v9 =	vor.u32 $0x410, v0  }
0x58: {  	[tilespmem:$0x2510] =	vst v9  }
0x59: {  	[tilespmem:$0x2D10] =	vst v9;
	v9 =	vor.u32 $0x420, v0  }
0x5a: {  	[tilespmem:$0x2520] =	vst v9  }
0x5b: {  	[tilespmem:$0x2D20] =	vst v9;
	v9 =	vor.u32 $0x430, v0  }
0x5c: {  	[tilespmem:$0x2530] =	vst v9  }
0x5d: {  	[tilespmem:$0x2D30] =	vst v9;
	v9 =	vor.u32 $0x440, v0  }
0x5e: {  	[tilespmem:$0x2540] =	vst v9  }
0x5f: {  	[tilespmem:$0x2D40] =	vst v9;
	v9 =	vor.u32 $0x450, v0  }
0x60: {  	[tilespmem:$0x2550] =	vst v9  }
0x61: {  	[tilespmem:$0x2D50] =	vst v9;
	v9 =	vor.u32 $0x460, v0  }
0x62: {  	[tilespmem:$0x2560] =	vst v9  }
0x63: {  	[tilespmem:$0x2D60] =	vst v9;
	v9 =	vor.u32 $0x470, v0  }
0x64: {  	[tilespmem:$0x2570] =	vst v9  }
0x65: {  	[tilespmem:$0x2D70] =	vst v9;
	v9 =	vor.u32 $0x480, v0  }
0x66: {  	[tilespmem:$0x2580] =	vst v9  }
0x67: {  	[tilespmem:$0x2D80] =	vst v9;
	v9 =	vor.u32 $0x490, v0  }
0x68: {  	[tilespmem:$0x2590] =	vst v9  }
0x69: {  	[tilespmem:$0x2D90] =	vst v9;
	v9 =	vor.u32 $0x4A0, v0  }
0x6a: {  	[tilespmem:$0x25A0] =	vst v9  }
0x6b: {  	[tilespmem:$0x2DA0] =	vst v9;
	v9 =	vor.u32 $0x4B0, v0  }
0x6c: {  	[tilespmem:$0x25B0] =	vst v9  }
0x6d: {  	[tilespmem:$0x2DB0] =	vst v9;
	v9 =	vor.u32 $0x4C0, v0  }
0x6e: {  	[tilespmem:$0x25C0] =	vst v9  }
0x6f: {  	[tilespmem:$0x2DC0] =	vst v9;
	v9 =	vor.u32 $0x4D0, v0  }
0x70: {  	[tilespmem:$0x25D0] =	vst v9  }
0x71: {  	[tilespmem:$0x2DD0] =	vst v9;
	v9 =	vor.u32 $0x4E0, v0  }
0x72: {  	[tilespmem:$0x25E0] =	vst v9  }
0x73: {  	[tilespmem:$0x2DE0] =	vst v9;
	v9 =	vor.u32 $0x4F0, v0  }
0x74: {  	[tilespmem:$0x25F0] =	vst v9  }
0x75: {  	[tilespmem:$0x2DF0] =	vst v9;
	v9 =	vor.u32 $0x500, v0  }
0x76: {  	[tilespmem:$0x2600] =	vst v9  }
0x77: {  	[tilespmem:$0x2E00] =	vst v9;
	v9 =	vor.u32 $0x510, v0  }
0x78: {  	[tilespmem:$0x2610] =	vst v9  }
0x79: {  	[tilespmem:$0x2E10] =	vst v9;
	v9 =	vor.u32 $0x520, v0  }
0x7a: {  	[tilespmem:$0x2620] =	vst v9  }
0x7b: {  	[tilespmem:$0x2E20] =	vst v9;
	v9 =	vor.u32 $0x530, v0  }
0x7c: {  	[tilespmem:$0x2630] =	vst v9  }
0x7d: {  	[tilespmem:$0x2E30] =	vst v9;
	v9 =	vor.u32 $0x540, v0  }
0x7e: {  	[tilespmem:$0x2640] =	vst v9  }
0x7f: {  	[tilespmem:$0x2E40] =	vst v9;
	v9 =	vor.u32 $0x550, v0  }
0x80: {  	[tilespmem:$0x2650] =	vst v9  }
0x81: {  	[tilespmem:$0x2E50] =	vst v9;
	v9 =	vor.u32 $0x560, v0  }
0x82: {  	[tilespmem:$0x2660] =	vst v9  }
0x83: {  	[tilespmem:$0x2E60] =	vst v9;
	v9 =	vor.u32 $0x570, v0  }
0x84: {  	[tilespmem:$0x2670] =	vst v9  }
0x85: {  	[tilespmem:$0x2E70] =	vst v9;
	v9 =	vor.u32 $0x580, v0  }
0x86: {  	[tilespmem:$0x2680] =	vst v9  }
0x87: {  	[tilespmem:$0x2E80] =	vst v9;
	v9 =	vor.u32 $0x590, v0  }
0x88: {  	[tilespmem:$0x2690] =	vst v9  }
0x89: {  	[tilespmem:$0x2E90] =	vst v9;
	v9 =	vor.u32 $0x5A0, v0  }
0x8a: {  	[tilespmem:$0x26A0] =	vst v9  }
0x8b: {  	[tilespmem:$0x2EA0] =	vst v9;
	v9 =	vor.u32 $0x5B0, v0  }
0x8c: {  	[tilespmem:$0x26B0] =	vst v9  }
0x8d: {  	[tilespmem:$0x2EB0] =	vst v9;
	v9 =	vor.u32 $0x5C0, v0  }
0x8e: {  	[tilespmem:$0x26C0] =	vst v9  }
0x8f: {  	[tilespmem:$0x2EC0] =	vst v9;
	v9 =	vor.u32 $0x5D0, v0  }
0x90: {  	[tilespmem:$0x26D0] =	vst v9  }
0x91: {  	[tilespmem:$0x2ED0] =	vst v9;
	v9 =	vor.u32 $0x5E0, v0  }
0x92: {  	[tilespmem:$0x26E0] =	vst v9  }
0x93: {  	[tilespmem:$0x2EE0] =	vst v9;
	v9 =	vor.u32 $0x5F0, v0  }
0x94: {  	[tilespmem:$0x26F0] =	vst v9  }
0x95: {  	[tilespmem:$0x2EF0] =	vst v9;
	v9 =	vor.u32 $0x600, v0  }
0x96: {  	[tilespmem:$0x2700] =	vst v9  }
0x97: {  	[tilespmem:$0x2F00] =	vst v9;
	v9 =	vor.u32 $0x610, v0  }
0x98: {  	[tilespmem:$0x2710] =	vst v9  }
0x99: {  	[tilespmem:$0x2F10] =	vst v9;
	v9 =	vor.u32 $0x620, v0  }
0x9a: {  	[tilespmem:$0x2720] =	vst v9  }
0x9b: {  	[tilespmem:$0x2F20] =	vst v9;
	v9 =	vor.u32 $0x630, v0  }
0x9c: {  	[tilespmem:$0x2730] =	vst v9  }
0x9d: {  	[tilespmem:$0x2F30] =	vst v9;
	v9 =	vor.u32 $0x640, v0  }
0x9e: {  	[tilespmem:$0x2740] =	vst v9  }
0x9f: {  	[tilespmem:$0x2F40] =	vst v9;
	v9 =	vor.u32 $0x650, v0  }
0xa0: {  	[tilespmem:$0x2750] =	vst v9  }
0xa1: {  	[tilespmem:$0x2F50] =	vst v9;
	v9 =	vor.u32 $0x660, v0  }
0xa2: {  	[tilespmem:$0x2760] =	vst v9  }
0xa3: {  	[tilespmem:$0x2F60] =	vst v9;
	v9 =	vor.u32 $0x670, v0  }
0xa4: {  	[tilespmem:$0x2770] =	vst v9  }
0xa5: {  	[tilespmem:$0x2F70] =	vst v9;
	v9 =	vor.u32 $0x680, v0  }
0xa6: {  	[tilespmem:$0x2780] =	vst v9  }
0xa7: {  	[tilespmem:$0x2F80] =	vst v9;
	v9 =	vor.u32 $0x690, v0  }
0xa8: {  	[tilespmem:$0x2790] =	vst v9  }
0xa9: {  	[tilespmem:$0x2F90] =	vst v9;
	v9 =	vor.u32 $0x6A0, v0  }
0xaa: {  	[tilespmem:$0x27A0] =	vst v9  }
0xab: {  	[tilespmem:$0x2FA0] =	vst v9;
	v9 =	vor.u32 $0x6B0, v0  }
0xac: {  	[tilespmem:$0x27B0] =	vst v9  }
0xad: {  	[tilespmem:$0x2FB0] =	vst v9;
	v9 =	vor.u32 $0x6C0, v0  }
0xae: {  	[tilespmem:$0x27C0] =	vst v9  }
0xaf: {  	[tilespmem:$0x2FC0] =	vst v9;
	v9 =	vor.u32 $0x6D0, v0  }
0xb0: {  	[tilespmem:$0x27D0] =	vst v9  }
0xb1: {  	[tilespmem:$0x2FD0] =	vst v9;
	v9 =	vor.u32 $0x6E0, v0  }
0xb2: {  	[tilespmem:$0x27E0] =	vst v9  }
0xb3: {  	[tilespmem:$0x2FE0] =	vst v9;
	v9 =	vor.u32 $0x6F0, v0  }
0xb4: {  	[tilespmem:$0x27F0] =	vst v9  }
0xb5: {  	[tilespmem:$0x2FF0] =	vst v9;
	v9 =	vor.u32 $0x700, v0  }
0xb6: {  	[tilespmem:$0x2800] =	vst v9  }
0xb7: {  	[tilespmem:$0x3000] =	vst v9;
	v9 =	vor.u32 $0x710, v0  }
0xb8: {  	[tilespmem:$0x2810] =	vst v9  }
0xb9: {  	[tilespmem:$0x3010] =	vst v9;
	v9 =	vor.u32 $0x720, v0  }
0xba: {  	[tilespmem:$0x2820] =	vst v9  }
0xbb: {  	[tilespmem:$0x3020] =	vst v9;
	v9 =	vor.u32 $0x730, v0  }
0xbc: {  	[tilespmem:$0x2830] =	vst v9  }
0xbd: {  	[tilespmem:$0x3030] =	vst v9;
	v9 =	vor.u32 $0x740, v0  }
0xbe: {  	[tilespmem:$0x2840] =	vst v9  }
0xbf: {  	[tilespmem:$0x3040] =	vst v9;
	v9 =	vor.u32 $0x750, v0  }
0xc0: {  	[tilespmem:$0x2850] =	vst v9  }
0xc1: {  	[tilespmem:$0x3050] =	vst v9;
	v9 =	vor.u32 $0x760, v0  }
0xc2: {  	[tilespmem:$0x2860] =	vst v9  }
0xc3: {  	[tilespmem:$0x3060] =	vst v9;
	v9 =	vor.u32 $0x770, v0  }
0xc4: {  	[tilespmem:$0x2870] =	vst v9  }
0xc5: {  	[tilespmem:$0x3070] =	vst v9;
	v9 =	vor.u32 $0x780, v0  }
0xc6: {  	[tilespmem:$0x2880] =	vst v9  }
0xc7: {  	[tilespmem:$0x3080] =	vst v9;
	v9 =	vor.u32 $0x790, v0  }
0xc8: {  	[tilespmem:$0x2890] =	vst v9  }
0xc9: {  	[tilespmem:$0x3090] =	vst v9;
	v9 =	vor.u32 $0x7A0, v0  }
0xca: {  	[tilespmem:$0x28A0] =	vst v9  }
0xcb: {  	[tilespmem:$0x30A0] =	vst v9;
	v9 =	vor.u32 $0x7B0, v0  }
0xcc: {  	[tilespmem:$0x28B0] =	vst v9  }
0xcd: {  	[tilespmem:$0x30B0] =	vst v9;
	v9 =	vor.u32 $0x7C0, v0  }
0xce: {  	[tilespmem:$0x28C0] =	vst v9  }
0xcf: {  	[tilespmem:$0x30C0] =	vst v9;
	v9 =	vor.u32 $0x7D0, v0  }
0xd0: {  	[tilespmem:$0x28D0] =	vst v9  }
0xd1: {  	[tilespmem:$0x30D0] =	vst v9;
	v9 =	vor.u32 $0x7E0, v0  }
0xd2: {  	[tilespmem:$0x28E0] =	vst v9  }
0xd3: {  	[tilespmem:$0x30E0] =	vst v9;
	v9 =	vor.u32 $0x7F0, v0  }
0xd4: {  	[tilespmem:$0x28F0] =	vst v9  }
0xd5: {  	[tilespmem:$0x30F0] =	vst v9;
	v9 =	vld [tilespmem:$0x1FF40]  }
0xd6: {  	[tilespmem:$0x2380] =	vst v40  }
0xd7: {  	[tilespmem:$0x2B80] =	vst v40  }
0xd8: {  	[tilespmem:$0x2390] =	vst v41  }
0xd9: {  	[tilespmem:$0x2B90] =	vst v41  }
0xda: {  	[tilespmem:$0x2180] =	vst v9  }
0xdb: {  	[tilespmem:$0x2980] =	vst v9;
	v9 =	vld [tilespmem:$0x1FF50]  }
0xdc: {  	[tilespmem:$0x23A0] =	vst v42  }
0xdd: {  	[tilespmem:$0x2BA0] =	vst v42  }
0xde: {  	[tilespmem:$0x23B0] =	vst v43  }
0xdf: {  	[tilespmem:$0x2BB0] =	vst v43  }
0xe0: {  	[tilespmem:$0x2190] =	vst v9  }
0xe1: {  	[tilespmem:$0x2990] =	vst v9;
	v9 =	vld [tilespmem:$0x1FF60]  }
0xe2: {  	[tilespmem:$0x23C0] =	vst v44  }
0xe3: {  	[tilespmem:$0x2BC0] =	vst v44  }
0xe4: {  	[tilespmem:$0x23D0] =	vst v45  }
0xe5: {  	[tilespmem:$0x2BD0] =	vst v45  }
0xe6: {  	[tilespmem:$0x21A0] =	vst v9  }
0xe7: {  	[tilespmem:$0x29A0] =	vst v9;
	v9 =	vld [tilespmem:$0x1FF70]  }
0xe8: {  	[tilespmem:$0x23E0] =	vst v46  }
0xe9: {  	[tilespmem:$0x2BE0] =	vst v46  }
0xea: {  	[tilespmem:$0x23F0] =	vst v47  }
0xeb: {  	[tilespmem:$0x2BF0] =	vst v47  }
0xec: {  	[tilespmem:$0x21B0] =	vst v9  }
0xed: {  	[tilespmem:$0x29B0] =	vst v9;
	v9 =	vld [tilespmem:$0x1FF80]  }
0xee: {  	[tilespmem:$0x2400] =	vst v48  }
0xef: {  	[tilespmem:$0x2C00] =	vst v48  }
0xf0: {  	[tilespmem:$0x2410] =	vst v49  }
0xf1: {  	[tilespmem:$0x2C10] =	vst v49  }
0xf2: {  	[tilespmem:$0x21C0] =	vst v9  }
0xf3: {  	[tilespmem:$0x29C0] =	vst v9;
	v9 =	vld [tilespmem:$0x1FF90]  }
0xf4: {  	[tilespmem:$0x2420] =	vst v50  }
0xf5: {  	[tilespmem:$0x2C20] =	vst v50  }
0xf6: {  	[tilespmem:$0x2430] =	vst v51  }
0xf7: {  	[tilespmem:$0x2C30] =	vst v51  }
0xf8: {  	[tilespmem:$0x21D0] =	vst v9  }
0xf9: {  	[tilespmem:$0x29D0] =	vst v9;
	v9 =	vld [tilespmem:$0x1FFA0]  }
0xfa: {  	[tilespmem:$0x2440] =	vst v52  }
0xfb: {  	[tilespmem:$0x2C40] =	vst v52  }
0xfc: {  	[tilespmem:$0x2450] =	vst v53  }
0xfd: {  	[tilespmem:$0x2C50] =	vst v53  }
0xfe: {  	[tilespmem:$0x21E0] =	vst v9  }
0xff: {  	[tilespmem:$0x29E0] =	vst v9;
	v9 =	vld [tilespmem:$0x1FFB0]  }
0x100: {  	[tilespmem:$0x2460] =	vst v54  }
0x101: {  	[tilespmem:$0x2C60] =	vst v54  }
0x102: {  	[tilespmem:$0x2470] =	vst v55  }
0x103: {  	[tilespmem:$0x2C70] =	vst v55  }
0x104: {  	[tilespmem:$0x21F0] =	vst v9  }
0x105: {  	[tilespmem:$0x29F0] =	vst v9;
	v9 =	vld [tilespmem:$0x1FFC0]  }
0x106: {  	[tilespmem:$0x2480] =	vst v56  }
0x107: {  	[tilespmem:$0x2C80] =	vst v56  }
0x108: {  	[tilespmem:$0x2490] =	vst v57  }
0x109: {  	[tilespmem:$0x2C90] =	vst v57  }
0x10a: {  	[tilespmem:$0x2200] =	vst v9  }
0x10b: {  	[tilespmem:$0x2A00] =	vst v9;
	v9 =	vld [tilespmem:$0x1FFD0]  }
0x10c: {  	[tilespmem:$0x24A0] =	vst v58  }
0x10d: {  	[tilespmem:$0x2CA0] =	vst v58  }
0x10e: {  	[tilespmem:$0x24B0] =	vst v59  }
0x10f: {  	[tilespmem:$0x2CB0] =	vst v59  }
0x110: {  	[tilespmem:$0x2210] =	vst v9  }
0x111: {  	[tilespmem:$0x2A10] =	vst v9;
	v9 =	vld [tilespmem:$0x1FFE0]  }
0x112: {  	[tilespmem:$0x24C0] =	vst v60  }
0x113: {  	[tilespmem:$0x2CC0] =	vst v60  }
0x114: {  	[tilespmem:$0x24D0] =	vst v61  }
0x115: {  	[tilespmem:$0x2CD0] =	vst v61  }
0x116: {  	[tilespmem:$0x2220] =	vst v9  }
0x117: {  	[tilespmem:$0x2A20] =	vst v9;
	v9 =	vld [tilespmem:$0x1FFF0]  }
0x118: {  	[tilespmem:$0x24E0] =	vst v62  }
0x119: {  	[tilespmem:$0x2CE0] =	vst v62  }
0x11a: {  	[tilespmem:$0x24F0] =	vst v63  }
0x11b: {  	[tilespmem:$0x2CF0] =	vst v63  }
0x11c: {  	[tilespmem:$0x2230] =	vst v9  }
0x11d: {  	[dreg:$0x6] =	wrdreg s14;
	s20 =	simm.s32 $0x0;
	[tilespmem:$0x2A30] =	vst v9  }
.LBB2_2:
0x11e: {  	s17 =	simm.s32 $0x100;
	s14 =	simm.s32 $0x0  }
.LBB2_3:
0x11f: {  	p0 =	sne.s32 s17, $0x7C00;
	[tilespmem:s14+$0x7130] =	vst v8;
	s19 =	smov.u32 s17;
	s17 =	sadd.s32 $0x100, s17  }
.Ltmp0:
0x120: {  	[tilespmem:s14+$0x7120] =	vst v8;
	(pc) =	sbr.rel @p0 .LBB2_3-.Ltmp0, $3  }
0x121: {  	[tilespmem:s14+$0x7100] =	vst v8  }
0x122: {  	[tilespmem:s14+$0x7110] =	vst v8;
	_ =	sdelay $0x1  }
0x123: {  	s14 =	sshra.s32 s19, $0x2  }
0x124: {  	[tilespmem:s14+$0x7130] =	vst v8  }
0x125: {  	[tilespmem:s14+$0x7120] =	vst v8  }
0x126: {  	[tilespmem:s14+$0x7100] =	vst v8  }
0x127: {  	[tilespmem:s14+$0x7110] =	vst v8  }
0x128: {  	[spmem:s22] =	stream.linear.scatter [tilespmem:s8], [sflag:$0x5], $0x1F40, $0x38;
	[tilespmem:$0x1C9C0] =	vst v63  }
0x129: {  	_ =	swait.ge [sflag:s6], $0x1F40  }
0x12a: {  	[sflag:s6] =	ssyncset.done $0x0  }
0x12b: {  	[sflag:s6] =	ssyncadd.s32 $0xFFFFE0C0  }
0x12c: {  	[spmem:s23] =	stream.linear.scatter [tilespmem:s8], [sflag:$0x5], $0x1F40, $0x38;
	[tilespmem:$0x1C9C0] =	vst v63  }
0x12d: {  	_ =	swait.ge [sflag:s6], $0x1F40  }
0x12e: {  	[sflag:s6] =	ssyncset.done $0x0  }
0x12f: {  	s19 =	rddreg [dreg:$0x16];
	[sflag:s6] =	ssyncadd.s32 $0xFFFFE0C0  }
0x130: {  	[spmem:s19] =	stream.linear.scatter [tilespmem:s8], [sflag:$0x5], $0x1F40, $0x38;
	[tilespmem:$0x1C9C0] =	vst v63  }
0x131: {  	_ =	swait.ge [sflag:s6], $0x1F40  }
0x132: {  	[sflag:s6] =	ssyncset.done $0x0  }
0x133: {  	s21 =	rddreg [dreg:$0x17];
	[sflag:s6] =	ssyncadd.s32 $0xFFFFE0C0  }
0x134: {  	[spmem:s21] =	stream.linear.scatter [tilespmem:s8], [sflag:$0x5], $0x1F40, $0x38;
	[tilespmem:$0x1C9C0] =	vst v63  }
0x135: {  	_ =	swait.ge [sflag:s6], $0x1F40  }
0x136: {  	[sflag:s6] =	ssyncset.done $0x0  }
0x137: {  	s31 =	smov.u32 s22;
	s22 =	rddreg [dreg:$0x18];
	[sflag:s6] =	ssyncadd.s32 $0xFFFFE0C0  }
0x138: {  	[spmem:s22] =	stream.linear.scatter [tilespmem:s8], [sflag:$0x5], $0x1F40, $0x38;
	[tilespmem:$0x1C9C0] =	vst v63  }
0x139: {  	_ =	swait.ge [sflag:s6], $0x1F40  }
0x13a: {  	[sflag:s6] =	ssyncset.done $0x0  }
0x13b: {  	s3 =	smov.u32 s23;
	s23 =	rddreg [dreg:$0x19];
	[sflag:s6] =	ssyncadd.s32 $0xFFFFE0C0  }
0x13c: {  	[spmem:s23] =	stream.linear.scatter [tilespmem:s8], [sflag:$0x5], $0x1F40, $0x38;
	[tilespmem:$0x1C9C0] =	vst v63  }
0x13d: {  	_ =	swait.ge [sflag:s6], $0x1F40  }
0x13e: {  	[sflag:s6] =	ssyncset.done $0x0  }
0x13f: {  	s26 =	rddreg [dreg:$0x1a];
	[sflag:s6] =	ssyncadd.s32 $0xFFFFE0C0  }
0x140: {  	[spmem:s26] =	stream.linear.scatter [tilespmem:s8], [sflag:$0x5], $0x1F40, $0x38;
	[tilespmem:$0x1C9C0] =	vst v63  }
0x141: {  	_ =	swait.ge [sflag:s6], $0x1F40  }
0x142: {  	[sflag:s6] =	ssyncset.done $0x0  }
0x143: {  	s28 =	rddreg [dreg:$0x1b];
	[sflag:s6] =	ssyncadd.s32 $0xFFFFE0C0  }
0x144: {  	[spmem:s28] =	stream.linear.scatter [tilespmem:s8], [sflag:$0x5], $0x1F40, $0x38;
	[tilespmem:$0x1C9C0] =	vst v63  }
0x145: {  	_ =	swait.ge [sflag:s6], $0x1F40  }
0x146: {  	[sflag:s6] =	ssyncset.done $0x0  }
0x147: {  	[sflag:s6] =	ssyncadd.s32 $0xFFFFE0C0  }
0x148: {  	[spmem:s25] =	stream.linear.scatter [tilespmem:s8], [sflag:$0x5], $0x1F40, $0x38;
	[tilespmem:$0x1C9C0] =	vst v63  }
0x149: {  	_ =	swait.ge [sflag:s6], $0x1F40  }
0x14a: {  	[sflag:s6] =	ssyncset.done $0x0  }
0x14b: {  	[sflag:s6] =	ssyncadd.s32 $0xFFFFE0C0  }
0x14c: {  	[spmem:s5] =	stream.linear.scatter [tilespmem:s8], [sflag:$0x5], $0x1F40, $0x38;
	[tilespmem:$0x1C9C0] =	vst v63  }
0x14d: {  	_ =	swait.ge [sflag:s6], $0x1F40  }
0x14e: {  	[sflag:s6] =	ssyncset.done $0x0  }
0x14f: {  	[sflag:s6] =	ssyncadd.s32 $0xFFFFE0C0  }
0x150: {  	[bflag:$0x0] =	sbarrier.arrive $0xFFFF  }
0x151: {  	s22 =	simm.s32 $0x0;
	s29 =	rddreg [dreg:$0x11]  }
0x152: {  	[tilespmem:s22], [sflag:$0x5] =	stream.linear.gather [hbm4b:s29+s22], $0x640, $0x38;
	[tilespmem:$0x1C9C0] =	vst v63  }
0x153: {  	_ =	swait.ge [sflag:s6], $0x640  }
0x154: {  	s30 =	rddreg [dreg:$0xb]  }
0x155: {  	s19 =	simm.s32 $0xC80;
	[sflag:s6] =	ssyncset.done $0x0;
	s17 =	rddreg [dreg:$0x12]  }
.Ltmp1:
0x156: {  	s14 =	sadd.s32 s30, s20;
	[sflag:s6] =	ssyncadd.s32 $0xFFFFF9C0;
	(pc) =	sbr.rel .LBB2_5-.Ltmp1, $4  }
0x157: {  	[tilespmem:s19], [sflag:$0x5] =	stream.linear.gather [hbm4b:s17+s22], $0x640, $0x38;
	[tilespmem:$0x1C9C0] =	vst v63  }
0x158: {  	s21 =	smul.u32 $0x4E20, s14;
	_ =	swait.ge [sflag:s6], $0x640  }
0x159: {  	s14 =	smov.u32 s24;
	[sflag:s6] =	ssyncset.done $0x0  }
0x15a: {  	v10 =	vimm.s32 $0x0;
	s17 =	simm.s32 $0x0;
	s19 =	simm.s32 $0x0;
	v9 =	vmov s21;
	[sflag:s6] =	ssyncadd.s32 $0xFFFFF9C0  }
.LBB2_15:
.Ltmp2:
0x15b: {  	(pc) =	sbr.rel @p0 .LBB2_17-.Ltmp2, $1  }
0x15c: {  	_ =	sdelay $0x3  }
.LBB2_16:
0x15d: {  	_ =	swait.ge [sflag:s16], $0x640  }
0x15e: {  	[sflag:s16] =	ssyncset.done $0x0  }
0x15f: {  	[sflag:s16] =	ssyncadd.s32 $0xFFFFF9C0  }
0x160: {  	_ =	swait.ge [sflag:s18], $0x640  }
0x161: {  	[sflag:s18] =	ssyncset.done $0x0  }
0x162: {  	s14 =	sadd.s32 $0x640, s14;
	[sflag:s18] =	ssyncadd.s32 $0xFFFFF9C0  }
.LBB2_5:
0x163: {  	s23 =	smov.u32 s19  }
0x164: {  	s19 =	sadd.s32 $0x1, s19;
	p0 =	seq.s32 s23, $0x31  }
0x165: {  	s26 =	smul.u32 @!p0 $0x640, s19  }
0x166: {  	s28 =	sand.u32 @!p0 $0x1, s19  }
0x167: {  	s23 =	sand.u32 $0x1, s23;
	p1 =	seq.s32 @!p0 s28, $0x1;
	s26 =	sadd.s32 @!p0 s24, s26  }
0x168: {  	s28 =	simm.s32 @!p0 $0x640;
	p1 =	por !p1, p0;
	s26 =	sshrl.u32 @!p0 s26, $0x3  }
0x169: {  	s28 =	simm.s32 @p1 $0x0;
	p1 =	seq.s32 s23, $0x1;
	s23 =	simm.s32 $0x640  }
0x16a: {  	s30 =	simm.s32 @!p0 $0x0;
	s29 =	sadd.s32 @!p0 s1, s26;
	s23 =	simm.s32 @!p1 $0x0  }
0x16b: {  	[tilespmem:s28], [sflag:$0x3] =	stream.linear.gather @!p0 [hbm4b:s29+s30], $0x640, $0x38;
	[tilespmem:$0x1C9C0] =	vst v63  }
0x16c: {  	s26 =	sadd.s32 @!p0 s2, s26;
	s28 =	sadd.s32 @!p0 $0xC80, s28;
	v11 =	vmov s23  }
0x16d: {  	[tilespmem:s28], [sflag:$0x4] =	stream.linear.gather @!p0 [hbm4b:s26+s30], $0x640, $0x38;
	[tilespmem:$0x1C9C0] =	vst v63  }
0x16e: {  	s30 =	sadd.s32 $0xC80, s23  }
0x16f: {  	s23 =	smov.u32 s14;
	s26 =	simm.s32 $0x0;
	v12 =	vmov s30  }
.LBB2_6:
0x170: {  	s28 =	sshra.s32 s26, $0x2  }
0x171: {  	v13 =	vld.idx.msk [tilespmem:v11+s28+$0x0 ss:$0x1], $0xffff;
	_ =	sdelay $0x4  }
0x172: {  	v13 =	vsub.s32 v13, v9  }
0x173: {  	vm0 =	vlt.u32 v13, $0x4E20  }
0x174: {  	v14 =	vsel vm0, $0x3F800000, v8  }
0x175: {  	(xrf0) =	vmax.scan.msk.f32 $0xffff, v14;
	_ =	sdelay $0x5  }
0x176: {  	v14, _, _ =	vpop (xrf0)  }
0x177: {  	(v2sf) =	vpush v14, $0xF;
	_ =	sdelay $0xe  }
0x178: {  	s29 =	spop (v2sf)  }
0x179: {  	p1 =	sgt.f32 s29, $0.0e+00;
	_ =	sdelay $0x1  }
0x17a: {  	vm1 =	vlt.u32 @p1 v13, $0x4E20;
	v14 =	vimm.s32 @p1 $0x0  }
0x17b: {  	v14 =	vsel @p1 vm1, $0x1, v14  }
0x17c: {  	(xrf0) =	vadd.scan.msk.s32 @p1 $0xffff, v14;
	_ =	sdelay $0x5  }
0x17d: {  	v15 =	vadd.s32 @p1 $0xFFFFFFFF, v10;
	v14, _, _ =	vpop @p1 (xrf0)  }
0x17e: {  	v14 =	vadd.s32 @p1 v14, v15  }
0x17f: {  	v14 =	vand.u32 @p1 $0x7FF, v14;
	_ =	sdelay $0x3  }
0x180: {  	s29 =	simm.s32 @p1 $0x1900  }
0x181: {  	[tilespmem:v14+s29+$0x0] =	vst.idx.msk @p1 vm1, v13;
	s29 =	sshra.s32 @p1 s26, $0x2  }
0x182: {  	v13 =	vld.idx.msk @p1 [tilespmem:v12+s29+$0x0 ss:$0x1], $0xffff;
	_ =	sdelay $0x3  }
0x183: {  	v15 =	vlaneseq.u32 @p1;
	s29 =	simm.s32 @p1 $0x2100  }
0x184: {  	[tilespmem:v14+s29+$0x0] =	vst.idx.msk @p1 vm1, v13;
	v13 =	vor.u32 @p1 s23, v15;
	s29 =	simm.s32 @p1 $0x2900  }
0x185: {  	[tilespmem:v14+s29+$0x0] =	vst.idx.msk @p1 vm1, v13  }
0x186: {  	v13 =	vld.idx.msk [tilespmem:v11+s28+$0x10 ss:$0x1], $0xffff;
	_ =	sdelay $0x4  }
0x187: {  	v13 =	vsub.s32 v13, v9  }
0x188: {  	vm15 =	vlt.u32 v13, $0x4E20  }
0x189: {  	v14 =	vsel vm15, $0x3F800000, v8  }
0x18a: {  	(xrf0) =	vmax.scan.msk.f32 $0xffff, v14;
	_ =	sdelay $0x5  }
0x18b: {  	v14, _, _ =	vpop (xrf0)  }
0x18c: {  	(v2sf) =	vpush v14, $0xF;
	_ =	sdelay $0xe  }
0x18d: {  	s30 =	spop (v2sf)  }
0x18e: {  	p1 =	sgt.f32 s30, $0.0e+00;
	_ =	sdelay $0x1  }
0x18f: {  	vm2 =	vlt.u32 @p1 v13, $0x4E20;
	v14 =	vimm.s32 @p1 $0x0  }
0x190: {  	v14 =	vsel @p1 vm2, $0x1, v14  }
0x191: {  	(xrf0) =	vadd.scan.msk.s32 @p1 $0xffff, v14;
	_ =	sdelay $0x1  }
0x192: {  	v14 =	vmpcnt.ones.xlane vm0;
	_ =	sdelay $0x2  }
0x193: {  	v10 =	vadd.s32 v10, v14  }
0x194: {  	v15 =	vadd.s32 @p1 $0xFFFFFFFF, v10;
	v14, _, _ =	vpop @p1 (xrf0)  }
0x195: {  	v14 =	vadd.s32 @p1 v14, v15  }
0x196: {  	v14 =	vand.u32 @p1 $0x7FF, v14;
	_ =	sdelay $0x3  }
0x197: {  	s28 =	simm.s32 @p1 $0x1900  }
0x198: {  	[tilespmem:v14+s28+$0x0] =	vst.idx.msk @p1 vm2, v13;
	s28 =	sshra.s32 @p1 s26, $0x2  }
0x199: {  	s26 =	sadd.s32 $0x80, s26;
	v13 =	vld.idx.msk @p1 [tilespmem:v12+s28+$0x10 ss:$0x1], $0xffff  }
0x19a: {  	p2 =	sne.s32 s26, $0x1900  }
.Ltmp3:
0x19b: {  	_ = 	snop;
	(pc) =	sbr.rel @p2 .LBB2_6-.Ltmp3, $4  }
0x19c: {  	_ = 	snop  }
0x19d: {  	s29 =	sadd.s32 @p1 $0x10, s23;
	v16 =	vlaneseq.u32 @p1;
	v15 =	vmpcnt.ones.xlane vm15;
	s28 =	simm.s32 @p1 $0x2100  }
0x19e: {  	[tilespmem:v14+s28+$0x0] =	vst.idx.msk @p1 vm2, v13;
	v13 =	vor.u32 @p1 s29, v16;
	s28 =	simm.s32 @p1 $0x2900  }
0x19f: {  	s23 =	sadd.s32 $0x20, s23;
	v10 =	vadd.s32 v10, v15;
	[tilespmem:v14+s28+$0x0] =	vst.idx.msk @p1 vm2, v13  }
0x1a0: {  	v11 =	vxor.u32 $0x80000000, v10  }
0x1a1: {  	(xrf0) =	vmax.scan.msk.u32 $0xffff, v11;
	_ =	sdelay $0x5  }
0x1a2: {  	v11, _, _ =	vpop (xrf0)  }
0x1a3: {  	(v2sf) =	vpush v11, $0xF;
	_ =	sdelay $0xe  }
0x1a4: {  	s23 =	spop (v2sf)  }
0x1a5: {  	s23 =	sxor.u32 $0x80000000, s23  }
0x1a6: {  	s26 =	ssub.s32 s23, s22  }
0x1a7: {  	p1 =	slt.s32 s26, $0x80  }
.Ltmp4:
0x1a8: {  	_ = 	snop;
	(pc) =	sbr.rel @p1 .LBB2_15-.Ltmp4, $1  }
0x1a9: {  	_ =	sdelay $0x3  }
.Ltmp5:
0x1aa: {  	(pc) =	sbr.rel .LBB2_9-.Ltmp5, $2  }
0x1ab: {  	_ =	sdelay $0x2  }
0x1ac: {  	p1 =	seq.s32 s17, $0x0  }
.LBB2_12:
0x1ad: {  	v17 =	vld [tilespmem:s28+$0x51F0]  }
0x1ae: {  	v18 =	vld [tilespmem:s28+$0x3100];
	[tilespmem:s17+$0x71C0] =	vst v16;
	v13 =	vmul.f32 v14, v13  }
0x1af: {  	v14 =	vld [tilespmem:s28+$0x5100]  }
0x1b0: {  	v11 =	vmul.f32 v15, v11;
	v16 =	vld [tilespmem:s28+$0x3110];
	[tilespmem:s17+$0x71D0] =	vst v13  }
0x1b1: {  	v13 =	vld [tilespmem:s28+$0x5110]  }
0x1b2: {  	v15 =	vld [tilespmem:s28+$0x3120];
	[tilespmem:s17+$0x71E0] =	vst v11  }
0x1b3: {  	v11 =	vmul.f32 v17, v12;
	v12 =	vld [tilespmem:s28+$0x5120]  }
0x1b4: {  	v17 =	vld [tilespmem:s28+$0x3130]  }
0x1b5: {  	v14 =	vmul.f32 v14, v18;
	v18 =	vld [tilespmem:s28+$0x51E0]  }
0x1b6: {  	[tilespmem:s28+$0x71F0] =	vst v11;
	v11 =	vld [tilespmem:s28+$0x5130]  }
0x1b7: {  	[tilespmem:s28+$0x7100] =	vst v14;
	v13 =	vmul.f32 v13, v16;
	v14 =	vld [tilespmem:s28+$0x3140]  }
0x1b8: {  	v16 =	vld [tilespmem:s28+$0x5140]  }
0x1b9: {  	[tilespmem:s28+$0x7110] =	vst v13;
	v12 =	vmul.f32 v12, v15;
	v13 =	vld [tilespmem:s28+$0x3150]  }
0x1ba: {  	v15 =	vld [tilespmem:s28+$0x5150]  }
0x1bb: {  	[tilespmem:s28+$0x7120] =	vst v12;
	v11 =	vmul.f32 v11, v17;
	v12 =	vld [tilespmem:s28+$0x3160]  }
0x1bc: {  	v17 =	vld [tilespmem:s28+$0x5160]  }
0x1bd: {  	[tilespmem:s28+$0x7130] =	vst v11;
	v11 =	vmul.f32 v16, v14;
	v14 =	vld [tilespmem:s28+$0x3170]  }
0x1be: {  	v16 =	vld [tilespmem:s28+$0x5170]  }
0x1bf: {  	[tilespmem:s28+$0x7140] =	vst v11;
	v11 =	vmul.f32 v15, v13;
	v13 =	vld [tilespmem:s28+$0x3180]  }
0x1c0: {  	v15 =	vld [tilespmem:s28+$0x5180]  }
0x1c1: {  	[tilespmem:s28+$0x7150] =	vst v11;
	v11 =	vmul.f32 v17, v12;
	v12 =	vld [tilespmem:s28+$0x3190]  }
0x1c2: {  	v17 =	vld [tilespmem:s28+$0x5190]  }
0x1c3: {  	[tilespmem:s28+$0x7160] =	vst v11;
	v11 =	vmul.f32 v16, v14;
	v14 =	vld [tilespmem:s28+$0x31A0]  }
0x1c4: {  	v16 =	vld [tilespmem:s28+$0x51A0]  }
0x1c5: {  	[tilespmem:s28+$0x7170] =	vst v11;
	v11 =	vmul.f32 v15, v13;
	v13 =	vld [tilespmem:s28+$0x31B0]  }
0x1c6: {  	v15 =	vld [tilespmem:s28+$0x51B0]  }
0x1c7: {  	[tilespmem:s28+$0x7180] =	vst v11;
	v11 =	vmul.f32 v17, v12;
	v12 =	vld [tilespmem:s28+$0x31C0]  }
0x1c8: {  	v17 =	vld [tilespmem:s28+$0x51C0]  }
0x1c9: {  	[tilespmem:s28+$0x7190] =	vst v11;
	v11 =	vmul.f32 v16, v14;
	v14 =	vld [tilespmem:s28+$0x31D0]  }
0x1ca: {  	v16 =	vld [tilespmem:s28+$0x51D0]  }
0x1cb: {  	[tilespmem:s28+$0x71A0] =	vst v11;
	v11 =	vld [tilespmem:s28+$0x31E0];
	_ =	sdelay $0x1  }
0x1cc: {  	v13 =	vmul.f32 v15, v13  }
0x1cd: {  	v12 =	vmul.f32 v17, v12  }
0x1ce: {  	[tilespmem:s28+$0x71B0] =	vst v13;
	v17 =	vmul.f32 v16, v14  }
0x1cf: {  	s30 =	sadd.s32 $0x780, s22;
	[tilespmem:s28+$0x71C0] =	vst v12;
	v11 =	vmul.f32 v18, v11  }
0x1d0: {  	s17 =	sand.u32 $0x780, s30;
	[tilespmem:s28+$0x71D0] =	vst v17  }
0x1d1: {  	s17 =	sadd.s32 $0x1900, s17;
	[tilespmem:s28+$0x71E0] =	vst v11  }
0x1d2: {  	[spmem:s4] =	stream.indirect.scatter.add.f32 [tilespmem:s8], [sflag:$0x5], $0x40, s17, s9, $0xb8;
	[tilespmem:$0x1C9C0] =	vst v63  }
0x1d3: {  	_ =	swait.ge [sflag:s6], $0x2000  }
0x1d4: {  	[sflag:s6] =	ssyncset.done $0x0  }
0x1d5: {  	[sflag:s6] =	ssyncadd.s32 $0xFFFFE000  }
.LBB2_13:
0x1d6: {  	s17 =	sand.u32 $0x780, s22;
	s22 =	sadd.s32 $0x80, s22  }
0x1d7: {  	s30 =	ssub.s32 s23, s22  }
0x1d8: {  	p2 =	sgt.s32 s30, $0x7F  }
.Ltmp6:
0x1d9: {  	_ = 	snop;
	(pc) =	sbr.rel @!p2 .LBB2_14-.Ltmp6, $4  }
0x1da: {  	s26 =	sadd.s32 $0x2100, s17  }
0x1db: {  	[tilespmem:s10], [sflag:$0x1] =	stream.indirect.gather [hbm4b:s0+s9], $0x40, s26, s9, $0xb8;
	[tilespmem:$0x1C9C0] =	vst v63  }
0x1dc: {  	p1 =	por $0x0, $0x0;
	s17 =	sadd.s32 $0x2900, s17  }
0x1dd: {  	[tilespmem:s11], [sflag:$0x2] =	stream.indirect.gather [hbm4b:s7+s9], $0x40, s17, s9, $0xb8;
	[tilespmem:$0x1C9C0] =	vst v63  }
.LBB2_9:
.Ltmp7:
0x1de: {  	(pc) =	sbr.rel @p1 .LBB2_13-.Ltmp7, $1  }
0x1df: {  	_ =	sdelay $0x3  }
0x1e0: {  	_ =	swait.ge [sflag:s12], $0x2000  }
0x1e1: {  	[sflag:s12] =	ssyncset.done $0x0  }
0x1e2: {  	[sflag:s12] =	ssyncadd.s32 $0xFFFFE000  }
0x1e3: {  	_ =	swait.ge [sflag:s13], $0x2000  }
0x1e4: {  	[sflag:s13] =	ssyncset.done $0x0  }
0x1e5: {  	s17 =	simm.s32 $0x0;
	[sflag:s13] =	ssyncadd.s32 $0xFFFFE000  }
0x1e6: {  	v11 =	vld [tilespmem:s17+$0x31F0]  }
0x1e7: {  	v12 =	vld [tilespmem:s17+$0x51F0]  }
0x1e8: {  	v13 =	vld [tilespmem:s17+$0x3100]  }
0x1e9: {  	v14 =	vld [tilespmem:s17+$0x5100]  }
0x1ea: {  	v15 =	vld [tilespmem:s17+$0x3110]  }
0x1eb: {  	v16 =	vld [tilespmem:s17+$0x5110]  }
0x1ec: {  	v17 =	vld [tilespmem:s17+$0x3120]  }
0x1ed: {  	v18 =	vld [tilespmem:s17+$0x3130]  }
0x1ee: {  	v11 =	vmul.f32 v12, v11;
	v12 =	vld [tilespmem:s17+$0x5120]  }
0x1ef: {  	v13 =	vmul.f32 v14, v13;
	v14 =	vld [tilespmem:s17+$0x3140]  }
0x1f0: {  	[tilespmem:s17+$0x71F0] =	vst v11;
	v11 =	vld [tilespmem:s17+$0x5130]  }
0x1f1: {  	[tilespmem:s17+$0x7100] =	vst v13;
	v13 =	vmul.f32 v16, v15;
	v15 =	vld [tilespmem:s17+$0x5140]  }
0x1f2: {  	v16 =	vld [tilespmem:s17+$0x5150]  }
0x1f3: {  	[tilespmem:s17+$0x7110] =	vst v13;
	v13 =	vld [tilespmem:s17+$0x3150];
	v12 =	vmul.f32 v12, v17  }
0x1f4: {  	v17 =	vld [tilespmem:s17+$0x5160]  }
0x1f5: {  	[tilespmem:s17+$0x7120] =	vst v12;
	v11 =	vmul.f32 v11, v18;
	v12 =	vld [tilespmem:s17+$0x3160]  }
0x1f6: {  	v18 =	vld [tilespmem:s17+$0x51B0]  }
0x1f7: {  	[tilespmem:s17+$0x7130] =	vst v11;
	v11 =	vmul.f32 v15, v14;
	v14 =	vld [tilespmem:s17+$0x3170]  }
0x1f8: {  	v15 =	vld [tilespmem:s17+$0x5170]  }
0x1f9: {  	[tilespmem:s17+$0x7140] =	vst v11;
	v11 =	vmul.f32 v16, v13;
	v13 =	vld [tilespmem:s17+$0x3180]  }
0x1fa: {  	v16 =	vld [tilespmem:s17+$0x5180]  }
0x1fb: {  	[tilespmem:s17+$0x7150] =	vst v11;
	v11 =	vmul.f32 v17, v12;
	v12 =	vld [tilespmem:s17+$0x3190]  }
0x1fc: {  	v17 =	vld [tilespmem:s17+$0x5190]  }
0x1fd: {  	[tilespmem:s17+$0x7160] =	vst v11;
	v11 =	vmul.f32 v15, v14;
	v14 =	vld [tilespmem:s17+$0x31A0]  }
0x1fe: {  	v15 =	vld [tilespmem:s17+$0x51A0]  }
0x1ff: {  	[tilespmem:s17+$0x7170] =	vst v11;
	v11 =	vmul.f32 v16, v13;
	v16 =	vld [tilespmem:s17+$0x31B0]  }
0x200: {  	v19 =	vld [tilespmem:s17+$0x51C0]  }
0x201: {  	[tilespmem:s17+$0x7180] =	vst v11;
	v11 =	vmul.f32 v17, v12;
	v17 =	vld [tilespmem:s17+$0x31C0]  }
0x202: {  	v13 =	vld [tilespmem:s17+$0x31D0]  }
0x203: {  	[tilespmem:s17+$0x7190] =	vst v11;
	v11 =	vmul.f32 v15, v14;
	v14 =	vld [tilespmem:s17+$0x51D0]  }
0x204: {  	v15 =	vld [tilespmem:s17+$0x51E0];
	v16 =	vmul.f32 v18, v16  }
0x205: {  	s28 =	simm.s32 $0x100;
	[tilespmem:s17+$0x71A0] =	vst v11;
	v11 =	vld [tilespmem:s17+$0x31E0]  }
0x206: {  	s26 =	simm.s32 $0x800;
	v12 =	vld [tilespmem:s28+$0x31F0];
	[tilespmem:s17+$0x71B0] =	vst v16;
	v16 =	vmul.f32 v19, v17  }
.LBB2_11:
0x207: {  	p1 =	sne.s32 s26, $0x7C00;
	v17 =	vld [tilespmem:s28+$0x51F0]  }
0x208: {  	v13 =	vmul.f32 v14, v13;
	v18 =	vld [tilespmem:s28+$0x3100];
	[tilespmem:s17+$0x71C0] =	vst v16  }
0x209: {  	v14 =	vld [tilespmem:s28+$0x5100]  }
0x20a: {  	v11 =	vmul.f32 v15, v11;
	v16 =	vld [tilespmem:s28+$0x3110];
	[tilespmem:s17+$0x71D0] =	vst v13  }
0x20b: {  	v13 =	vld [tilespmem:s28+$0x5110]  }
0x20c: {  	v15 =	vld [tilespmem:s28+$0x3120];
	v12 =	vmul.f32 v17, v12;
	[tilespmem:s17+$0x71E0] =	vst v11;
	s17 =	smov.u32 s28  }
0x20d: {  	v11 =	vld [tilespmem:s17+$0x5120]  }
0x20e: {  	v14 =	vmul.f32 v14, v18;
	v17 =	vld [tilespmem:s17+$0x3130];
	[tilespmem:s17+$0x71F0] =	vst v12  }
0x20f: {  	v12 =	vld [tilespmem:s17+$0x5130]  }
0x210: {  	[tilespmem:s17+$0x7100] =	vst v14;
	v13 =	vmul.f32 v13, v16;
	v14 =	vld [tilespmem:s17+$0x3140]  }
0x211: {  	v16 =	vld [tilespmem:s17+$0x5140]  }
0x212: {  	[tilespmem:s17+$0x7110] =	vst v13;
	v11 =	vmul.f32 v11, v15;
	v13 =	vld [tilespmem:s17+$0x3150]  }
0x213: {  	v15 =	vld [tilespmem:s17+$0x5150]  }
0x214: {  	[tilespmem:s17+$0x7120] =	vst v11;
	v11 =	vmul.f32 v12, v17;
	v12 =	vld [tilespmem:s17+$0x3160]  }
0x215: {  	v17 =	vld [tilespmem:s17+$0x5160]  }
0x216: {  	[tilespmem:s17+$0x7130] =	vst v11;
	v11 =	vmul.f32 v16, v14;
	v14 =	vld [tilespmem:s17+$0x3170]  }
0x217: {  	v16 =	vld [tilespmem:s17+$0x5170]  }
0x218: {  	[tilespmem:s17+$0x7140] =	vst v11;
	v11 =	vmul.f32 v15, v13;
	v13 =	vld [tilespmem:s17+$0x3180]  }
0x219: {  	v15 =	vld [tilespmem:s17+$0x5180]  }
0x21a: {  	[tilespmem:s17+$0x7150] =	vst v11;
	v11 =	vmul.f32 v17, v12;
	v12 =	vld [tilespmem:s17+$0x3190]  }
0x21b: {  	v17 =	vld [tilespmem:s17+$0x5190]  }
0x21c: {  	[tilespmem:s17+$0x7160] =	vst v11;
	v11 =	vmul.f32 v16, v14;
	v14 =	vld [tilespmem:s17+$0x31A0]  }
0x21d: {  	v16 =	vld [tilespmem:s17+$0x51A0]  }
0x21e: {  	[tilespmem:s17+$0x7170] =	vst v11;
	v11 =	vmul.f32 v15, v13;
	v15 =	vld [tilespmem:s17+$0x31B0]  }
0x21f: {  	v18 =	vld [tilespmem:s17+$0x51B0]  }
0x220: {  	[tilespmem:s17+$0x7180] =	vst v11;
	v11 =	vmul.f32 v17, v12;
	v17 =	vld [tilespmem:s17+$0x31C0]  }
0x221: {  	v19 =	vld [tilespmem:s17+$0x51C0]  }
.Ltmp8:
0x222: {  	[tilespmem:s17+$0x7190] =	vst v11;
	v11 =	vmul.f32 v16, v14;
	v13 =	vld [tilespmem:s17+$0x31D0];
	(pc) =	sbr.rel @p1 .LBB2_11-.Ltmp8, $4  }
0x223: {  	v14 =	vld [tilespmem:s17+$0x51D0]  }
0x224: {  	[tilespmem:s17+$0x71A0] =	vst v11;
	v16 =	vmul.f32 v18, v15;
	v11 =	vld [tilespmem:s17+$0x31E0]  }
0x225: {  	s28 =	sshra.s32 s26, $0x2;
	v15 =	vld [tilespmem:s17+$0x51E0]  }
0x226: {  	s26 =	sadd.s32 $0x400, s26;
	v12 =	vld [tilespmem:s28+$0x31F0];
	[tilespmem:s17+$0x71B0] =	vst v16;
	v16 =	vmul.f32 v19, v17  }
.Ltmp9:
0x227: {  	_ = 	snop;
	(pc) =	sbr.rel .LBB2_12-.Ltmp9, $1  }
0x228: {  	_ =	sdelay $0x3  }
.LBB2_14:
.Ltmp10:
0x229: {  	(pc) =	sbr.rel @!p0 .LBB2_16-.Ltmp10, $4  }
.Ltmp11:
0x22a: {  	(pc) =	sbr.rel @p0 .LBB2_18-.Ltmp11, $4  }
0x22b: {  	_ = 	snop  }
0x22c: {  	_ = 	snop  }
0x22d: {  	s17 =	simm.s32 $0x1  }
0x22e: {  	_ = 	snop  }
.LBB2_17:
0x22f: {  	p0 =	seq.s32 s17, $0x0  }
.Ltmp12:
0x230: {  	_ = 	snop;
	(pc) =	sbr.rel @p0 .LBB2_21-.Ltmp12, $1  }
0x231: {  	_ =	sdelay $0x3  }
.LBB2_18:
0x232: {  	_ =	swait.ge [sflag:s12], $0x2000  }
0x233: {  	[sflag:s12] =	ssyncset.done $0x0  }
0x234: {  	[sflag:s12] =	ssyncadd.s32 $0xFFFFE000  }
0x235: {  	_ =	swait.ge [sflag:s13], $0x2000  }
0x236: {  	[sflag:s13] =	ssyncset.done $0x0  }
0x237: {  	s14 =	simm.s32 $0x0;
	[sflag:s13] =	ssyncadd.s32 $0xFFFFE000  }
0x238: {  	v9 =	vld [tilespmem:s14+$0x31F0]  }
0x239: {  	v10 =	vld [tilespmem:s14+$0x51F0]  }
0x23a: {  	v11 =	vld [tilespmem:s14+$0x3100]  }
0x23b: {  	v12 =	vld [tilespmem:s14+$0x5100]  }
0x23c: {  	v13 =	vld [tilespmem:s14+$0x3110]  }
0x23d: {  	v14 =	vld [tilespmem:s14+$0x5110]  }
0x23e: {  	v15 =	vld [tilespmem:s14+$0x3120]  }
0x23f: {  	v16 =	vld [tilespmem:s14+$0x3130]  }
0x240: {  	v9 =	vmul.f32 v10, v9;
	v10 =	vld [tilespmem:s14+$0x5120]  }
0x241: {  	v11 =	vmul.f32 v12, v11;
	v12 =	vld [tilespmem:s14+$0x3140]  }
0x242: {  	[tilespmem:s14+$0x71F0] =	vst v9;
	v9 =	vld [tilespmem:s14+$0x5130]  }
0x243: {  	[tilespmem:s14+$0x7100] =	vst v11;
	v11 =	vmul.f32 v14, v13;
	v13 =	vld [tilespmem:s14+$0x5140]  }
0x244: {  	v14 =	vld [tilespmem:s14+$0x5150]  }
0x245: {  	[tilespmem:s14+$0x7110] =	vst v11;
	v11 =	vld [tilespmem:s14+$0x3150];
	v10 =	vmul.f32 v10, v15  }
0x246: {  	v15 =	vld [tilespmem:s14+$0x5160]  }
0x247: {  	[tilespmem:s14+$0x7120] =	vst v10;
	v9 =	vmul.f32 v9, v16;
	v10 =	vld [tilespmem:s14+$0x3160]  }
0x248: {  	v16 =	vld [tilespmem:s14+$0x51B0]  }
0x249: {  	[tilespmem:s14+$0x7130] =	vst v9;
	v9 =	vmul.f32 v13, v12;
	v12 =	vld [tilespmem:s14+$0x3170]  }
0x24a: {  	v13 =	vld [tilespmem:s14+$0x5170]  }
0x24b: {  	[tilespmem:s14+$0x7140] =	vst v9;
	v9 =	vmul.f32 v14, v11;
	v11 =	vld [tilespmem:s14+$0x3180]  }
0x24c: {  	v14 =	vld [tilespmem:s14+$0x5180]  }
0x24d: {  	[tilespmem:s14+$0x7150] =	vst v9;
	v9 =	vmul.f32 v15, v10;
	v10 =	vld [tilespmem:s14+$0x3190]  }
0x24e: {  	v15 =	vld [tilespmem:s14+$0x5190]  }
0x24f: {  	[tilespmem:s14+$0x7160] =	vst v9;
	v9 =	vmul.f32 v13, v12;
	v12 =	vld [tilespmem:s14+$0x31A0]  }
0x250: {  	v13 =	vld [tilespmem:s14+$0x51A0]  }
0x251: {  	[tilespmem:s14+$0x7170] =	vst v9;
	v9 =	vmul.f32 v14, v11;
	v14 =	vld [tilespmem:s14+$0x31B0]  }
0x252: {  	v17 =	vld [tilespmem:s14+$0x51C0]  }
0x253: {  	[tilespmem:s14+$0x7180] =	vst v9;
	v9 =	vmul.f32 v15, v10;
	v15 =	vld [tilespmem:s14+$0x31C0]  }
0x254: {  	v11 =	vld [tilespmem:s14+$0x31D0]  }
0x255: {  	[tilespmem:s14+$0x7190] =	vst v9;
	v9 =	vmul.f32 v13, v12;
	v12 =	vld [tilespmem:s14+$0x51D0]  }
0x256: {  	v13 =	vld [tilespmem:s14+$0x51E0];
	v14 =	vmul.f32 v16, v14  }
0x257: {  	s19 =	simm.s32 $0x100;
	[tilespmem:s14+$0x71A0] =	vst v9;
	v9 =	vld [tilespmem:s14+$0x31E0]  }
0x258: {  	s17 =	simm.s32 $0x800;
	v10 =	vld [tilespmem:s19+$0x31F0];
	[tilespmem:s14+$0x71B0] =	vst v14;
	v14 =	vmul.f32 v17, v15  }
.LBB2_19:
0x259: {  	p0 =	sne.s32 s17, $0x7C00;
	v15 =	vld [tilespmem:s19+$0x51F0]  }
0x25a: {  	v16 =	vld [tilespmem:s19+$0x3100];
	[tilespmem:s14+$0x71C0] =	vst v14;
	v11 =	vmul.f32 v12, v11  }
0x25b: {  	v12 =	vld [tilespmem:s19+$0x5100]  }
0x25c: {  	v14 =	vld [tilespmem:s19+$0x3110];
	[tilespmem:s14+$0x71D0] =	vst v11;
	v9 =	vmul.f32 v13, v9  }
0x25d: {  	v11 =	vld [tilespmem:s19+$0x5110]  }
0x25e: {  	v13 =	vld [tilespmem:s19+$0x3120];
	v10 =	vmul.f32 v15, v10;
	[tilespmem:s14+$0x71E0] =	vst v9;
	s14 =	smov.u32 s19  }
0x25f: {  	v9 =	vld [tilespmem:s14+$0x5120]  }
0x260: {  	v12 =	vmul.f32 v12, v16;
	v15 =	vld [tilespmem:s14+$0x3130];
	[tilespmem:s14+$0x71F0] =	vst v10  }
0x261: {  	v10 =	vld [tilespmem:s14+$0x5130]  }
0x262: {  	[tilespmem:s14+$0x7100] =	vst v12;
	v11 =	vmul.f32 v11, v14;
	v12 =	vld [tilespmem:s14+$0x3140]  }
0x263: {  	v14 =	vld [tilespmem:s14+$0x5140]  }
0x264: {  	[tilespmem:s14+$0x7110] =	vst v11;
	v9 =	vmul.f32 v9, v13;
	v11 =	vld [tilespmem:s14+$0x3150]  }
0x265: {  	v13 =	vld [tilespmem:s14+$0x5150]  }
0x266: {  	[tilespmem:s14+$0x7120] =	vst v9;
	v9 =	vmul.f32 v10, v15;
	v10 =	vld [tilespmem:s14+$0x3160]  }
0x267: {  	v15 =	vld [tilespmem:s14+$0x5160]  }
0x268: {  	[tilespmem:s14+$0x7130] =	vst v9;
	v9 =	vmul.f32 v14, v12;
	v12 =	vld [tilespmem:s14+$0x3170]  }
0x269: {  	v14 =	vld [tilespmem:s14+$0x5170]  }
0x26a: {  	[tilespmem:s14+$0x7140] =	vst v9;
	v9 =	vmul.f32 v13, v11;
	v11 =	vld [tilespmem:s14+$0x3180]  }
0x26b: {  	v13 =	vld [tilespmem:s14+$0x5180]  }
0x26c: {  	[tilespmem:s14+$0x7150] =	vst v9;
	v9 =	vmul.f32 v15, v10;
	v10 =	vld [tilespmem:s14+$0x3190]  }
0x26d: {  	v15 =	vld [tilespmem:s14+$0x5190]  }
0x26e: {  	[tilespmem:s14+$0x7160] =	vst v9;
	v9 =	vmul.f32 v14, v12;
	v12 =	vld [tilespmem:s14+$0x31A0]  }
0x26f: {  	v14 =	vld [tilespmem:s14+$0x51A0]  }
0x270: {  	[tilespmem:s14+$0x7170] =	vst v9;
	v9 =	vmul.f32 v13, v11;
	v13 =	vld [tilespmem:s14+$0x31B0]  }
0x271: {  	v16 =	vld [tilespmem:s14+$0x51B0]  }
0x272: {  	[tilespmem:s14+$0x7180] =	vst v9;
	v9 =	vmul.f32 v15, v10;
	v15 =	vld [tilespmem:s14+$0x31C0]  }
0x273: {  	v17 =	vld [tilespmem:s14+$0x51C0]  }
.Ltmp13:
0x274: {  	[tilespmem:s14+$0x7190] =	vst v9;
	v9 =	vmul.f32 v14, v12;
	v11 =	vld [tilespmem:s14+$0x31D0];
	(pc) =	sbr.rel @p0 .LBB2_19-.Ltmp13, $4  }
0x275: {  	v12 =	vld [tilespmem:s14+$0x51D0]  }
0x276: {  	[tilespmem:s14+$0x71A0] =	vst v9;
	v14 =	vmul.f32 v16, v13;
	v9 =	vld [tilespmem:s14+$0x31E0]  }
0x277: {  	s19 =	sshra.s32 s17, $0x2;
	v13 =	vld [tilespmem:s14+$0x51E0]  }
0x278: {  	s17 =	sadd.s32 $0x400, s17;
	v10 =	vld [tilespmem:s19+$0x31F0];
	[tilespmem:s14+$0x71B0] =	vst v14;
	v14 =	vmul.f32 v17, v15  }
0x279: {  	v15 =	vld [tilespmem:s19+$0x51F0]  }
0x27a: {  	v16 =	vld [tilespmem:s19+$0x3100];
	[tilespmem:s14+$0x71C0] =	vst v14;
	v11 =	vmul.f32 v12, v11  }
0x27b: {  	v12 =	vld [tilespmem:s19+$0x5100]  }
0x27c: {  	v14 =	vld [tilespmem:s19+$0x3110];
	[tilespmem:s14+$0x71D0] =	vst v11;
	v9 =	vmul.f32 v13, v9  }
0x27d: {  	v11 =	vld [tilespmem:s19+$0x5110]  }
0x27e: {  	v13 =	vld [tilespmem:s19+$0x3120];
	[tilespmem:s14+$0x71E0] =	vst v9  }
0x27f: {  	v9 =	vmul.f32 v15, v10;
	v10 =	vld [tilespmem:s19+$0x5120]  }
0x280: {  	v15 =	vld [tilespmem:s19+$0x3130]  }
0x281: {  	v12 =	vmul.f32 v12, v16;
	[tilespmem:s19+$0x71F0] =	vst v9;
	v9 =	vld [tilespmem:s19+$0x5130]  }
0x282: {  	v16 =	vld [tilespmem:s19+$0x51E0]  }
0x283: {  	[tilespmem:s19+$0x7100] =	vst v12;
	v11 =	vmul.f32 v11, v14;
	v12 =	vld [tilespmem:s19+$0x3140]  }
0x284: {  	v14 =	vld [tilespmem:s19+$0x5140]  }
0x285: {  	[tilespmem:s19+$0x7110] =	vst v11;
	v11 =	vld [tilespmem:s19+$0x3150]  }
0x286: {  	v10 =	vmul.f32 v10, v13;
	v13 =	vld [tilespmem:s19+$0x5150]  }
0x287: {  	v9 =	vmul.f32 v9, v15;
	v15 =	vld [tilespmem:s19+$0x5160]  }
0x288: {  	[tilespmem:s19+$0x7120] =	vst v10;
	v10 =	vld [tilespmem:s19+$0x3160]  }
0x289: {  	[tilespmem:s19+$0x7130] =	vst v9;
	v9 =	vmul.f32 v14, v12;
	v12 =	vld [tilespmem:s19+$0x3170]  }
0x28a: {  	v14 =	vld [tilespmem:s19+$0x5170]  }
0x28b: {  	[tilespmem:s19+$0x7140] =	vst v9;
	v9 =	vmul.f32 v13, v11;
	v11 =	vld [tilespmem:s19+$0x3180]  }
0x28c: {  	v13 =	vld [tilespmem:s19+$0x5180]  }
0x28d: {  	[tilespmem:s19+$0x7150] =	vst v9;
	v9 =	vmul.f32 v15, v10;
	v10 =	vld [tilespmem:s19+$0x3190]  }
0x28e: {  	v15 =	vld [tilespmem:s19+$0x5190]  }
0x28f: {  	[tilespmem:s19+$0x7160] =	vst v9;
	v9 =	vmul.f32 v14, v12;
	v12 =	vld [tilespmem:s19+$0x31A0]  }
0x290: {  	v14 =	vld [tilespmem:s19+$0x51A0]  }
0x291: {  	[tilespmem:s19+$0x7170] =	vst v9;
	v9 =	vmul.f32 v13, v11;
	v11 =	vld [tilespmem:s19+$0x31B0]  }
0x292: {  	v13 =	vld [tilespmem:s19+$0x51B0]  }
0x293: {  	[tilespmem:s19+$0x7180] =	vst v9;
	v9 =	vmul.f32 v15, v10;
	v10 =	vld [tilespmem:s19+$0x31C0]  }
0x294: {  	v15 =	vld [tilespmem:s19+$0x51C0]  }
0x295: {  	[tilespmem:s19+$0x7190] =	vst v9;
	v9 =	vmul.f32 v14, v12;
	v12 =	vld [tilespmem:s19+$0x31D0]  }
0x296: {  	v14 =	vld [tilespmem:s19+$0x51D0]  }
0x297: {  	[tilespmem:s19+$0x71A0] =	vst v9;
	v9 =	vld [tilespmem:s19+$0x31E0];
	_ =	sdelay $0x1  }
0x298: {  	v11 =	vmul.f32 v13, v11  }
0x299: {  	v10 =	vmul.f32 v15, v10  }
0x29a: {  	[tilespmem:s19+$0x71B0] =	vst v11;
	v11 =	vmul.f32 v14, v12  }
0x29b: {  	s30 =	sadd.s32 $0x780, s22;
	[tilespmem:s19+$0x71C0] =	vst v10;
	v9 =	vmul.f32 v16, v9  }
0x29c: {  	s14 =	sand.u32 $0x780, s30;
	[tilespmem:s19+$0x71D0] =	vst v11  }
0x29d: {  	s14 =	sadd.s32 $0x1900, s14;
	[tilespmem:s19+$0x71E0] =	vst v9  }
0x29e: {  	[spmem:s4] =	stream.indirect.scatter.add.f32 [tilespmem:s8], [sflag:$0x5], $0x40, s14, s9, $0xb8;
	[tilespmem:$0x1C9C0] =	vst v63  }
0x29f: {  	_ =	swait.ge [sflag:s6], $0x2000  }
0x2a0: {  	[sflag:s6] =	ssyncset.done $0x0  }
0x2a1: {  	[sflag:s6] =	ssyncadd.s32 $0xFFFFE000  }
.LBB2_21:
0x2a2: {  	s14 =	ssub.s32 s23, s22  }
0x2a3: {  	v10 =	vadd.s32 $0x1, v0;
	v9 =	vmov s14  }
0x2a4: {  	v11 =	vadd.s32 $0x11, v0;
	v12 =	vor.u32 $0x4E20, v0;
	s14 =	sand.u32 $0x780, s22;
	vm0 =	vlt.s32 v9, v10  }
0x2a5: {  	v10 =	vor.u32 s14, v0;
	vm1 =	vlt.s32 v9, v11;
	v11 =	vadd.s32 $0x21, v0  }
0x2a6: {  	v13 =	vor.u32 s14, v1;
	vm2 =	vlt.s32 v9, v11;
	v11 =	vadd.s32 $0x31, v0  }
0x2a7: {  	v14 =	vor.u32 s14, v2;
	vm3 =	vlt.s32 v9, v11;
	v11 =	vadd.s32 $0x41, v0  }
0x2a8: {  	v15 =	vor.u32 s14, v3;
	vm4 =	vlt.s32 v9, v11;
	v11 =	vadd.s32 $0x51, v0  }
0x2a9: {  	v16 =	vor.u32 s14, v4;
	vm5 =	vlt.s32 v9, v11;
	v11 =	vadd.s32 $0x61, v0  }
0x2aa: {  	vm14 =	vlt.s32 v9, v11;
	v11 =	vadd.s32 $0x71, v0;
	[tilespmem:v10+s15+$0x0] =	vst.idx.msk vm0, v12;
	v10 =	vor.u32 s14, v5  }
0x2ab: {  	vm15 =	vlt.s32 v9, v11;
	v9 =	vor.u32 s14, v6;
	[tilespmem:v13+s15+$0x0] =	vst.idx.msk vm1, v12  }
0x2ac: {  	v11 =	vor.u32 s14, v7;
	[tilespmem:v14+s15+$0x0] =	vst.idx.msk vm2, v12  }
0x2ad: {  	[tilespmem:v15+s15+$0x0] =	vst.idx.msk vm3, v12  }
0x2ae: {  	[tilespmem:v16+s15+$0x0] =	vst.idx.msk vm4, v12  }
0x2af: {  	[tilespmem:v10+s15+$0x0] =	vst.idx.msk vm5, v12  }
0x2b0: {  	[tilespmem:v9+s15+$0x0] =	vst.idx.msk vm14, v12  }
0x2b1: {  	s17 =	sadd.s32 $0x2100, s14;
	[tilespmem:v11+s15+$0x0] =	vst.idx.msk vm15, v12  }
0x2b2: {  	[tilespmem:s10], [sflag:$0x1] =	stream.indirect.gather [hbm4b:s0+s9], $0x40, s17, s9, $0xb8;
	[tilespmem:$0x1C9C0] =	vst v63  }
0x2b3: {  	s30 =	sadd.s32 $0x2900, s14  }
0x2b4: {  	[tilespmem:s11], [sflag:$0x2] =	stream.indirect.gather [hbm4b:s7+s9], $0x40, s30, s9, $0xb8;
	[tilespmem:$0x1C9C0] =	vst v63  }
0x2b5: {  	_ =	swait.ge [sflag:s12], $0x2000  }
0x2b6: {  	[sflag:s12] =	ssyncset.done $0x0  }
0x2b7: {  	[sflag:s12] =	ssyncadd.s32 $0xFFFFE000  }
0x2b8: {  	_ =	swait.ge [sflag:s13], $0x2000  }
0x2b9: {  	[sflag:s13] =	ssyncset.done $0x0  }
0x2ba: {  	s17 =	simm.s32 $0x0;
	[sflag:s13] =	ssyncadd.s32 $0xFFFFE000  }
0x2bb: {  	v9 =	vld [tilespmem:s17+$0x31F0]  }
0x2bc: {  	v10 =	vld [tilespmem:s17+$0x51F0]  }
0x2bd: {  	v11 =	vld [tilespmem:s17+$0x3100]  }
0x2be: {  	v12 =	vld [tilespmem:s17+$0x5100]  }
0x2bf: {  	v13 =	vld [tilespmem:s17+$0x3110]  }
0x2c0: {  	v14 =	vld [tilespmem:s17+$0x5110]  }
0x2c1: {  	v15 =	vld [tilespmem:s17+$0x3120]  }
0x2c2: {  	v16 =	vld [tilespmem:s17+$0x3130]  }
0x2c3: {  	v9 =	vmul.f32 v10, v9;
	v10 =	vld [tilespmem:s17+$0x5120]  }
0x2c4: {  	v11 =	vmul.f32 v12, v11;
	v12 =	vld [tilespmem:s17+$0x3140]  }
0x2c5: {  	[tilespmem:s17+$0x71F0] =	vst v9;
	v9 =	vld [tilespmem:s17+$0x5130]  }
0x2c6: {  	[tilespmem:s17+$0x7100] =	vst v11;
	v11 =	vmul.f32 v14, v13;
	v13 =	vld [tilespmem:s17+$0x5140]  }
0x2c7: {  	v14 =	vld [tilespmem:s17+$0x5150]  }
0x2c8: {  	[tilespmem:s17+$0x7110] =	vst v11;
	v11 =	vld [tilespmem:s17+$0x3150];
	v10 =	vmul.f32 v10, v15  }
0x2c9: {  	v15 =	vld [tilespmem:s17+$0x5160]  }
0x2ca: {  	[tilespmem:s17+$0x7120] =	vst v10;
	v9 =	vmul.f32 v9, v16;
	v10 =	vld [tilespmem:s17+$0x3160]  }
0x2cb: {  	v16 =	vld [tilespmem:s17+$0x51B0]  }
0x2cc: {  	[tilespmem:s17+$0x7130] =	vst v9;
	v9 =	vmul.f32 v13, v12;
	v12 =	vld [tilespmem:s17+$0x3170]  }
0x2cd: {  	v13 =	vld [tilespmem:s17+$0x5170]  }
0x2ce: {  	[tilespmem:s17+$0x7140] =	vst v9;
	v9 =	vmul.f32 v14, v11;
	v11 =	vld [tilespmem:s17+$0x3180]  }
0x2cf: {  	v14 =	vld [tilespmem:s17+$0x5180]  }
0x2d0: {  	[tilespmem:s17+$0x7150] =	vst v9;
	v9 =	vmul.f32 v15, v10;
	v10 =	vld [tilespmem:s17+$0x3190]  }
0x2d1: {  	v15 =	vld [tilespmem:s17+$0x5190]  }
0x2d2: {  	[tilespmem:s17+$0x7160] =	vst v9;
	v9 =	vmul.f32 v13, v12;
	v12 =	vld [tilespmem:s17+$0x31A0]  }
0x2d3: {  	v13 =	vld [tilespmem:s17+$0x51A0]  }
0x2d4: {  	[tilespmem:s17+$0x7170] =	vst v9;
	v9 =	vmul.f32 v14, v11;
	v14 =	vld [tilespmem:s17+$0x31B0]  }
0x2d5: {  	v17 =	vld [tilespmem:s17+$0x51C0]  }
0x2d6: {  	[tilespmem:s17+$0x7180] =	vst v9;
	v9 =	vmul.f32 v15, v10;
	v15 =	vld [tilespmem:s17+$0x31C0]  }
0x2d7: {  	v11 =	vld [tilespmem:s17+$0x31D0]  }
0x2d8: {  	[tilespmem:s17+$0x7190] =	vst v9;
	v9 =	vmul.f32 v13, v12;
	v12 =	vld [tilespmem:s17+$0x51D0]  }
0x2d9: {  	v13 =	vld [tilespmem:s17+$0x51E0];
	v14 =	vmul.f32 v16, v14  }
0x2da: {  	s22 =	simm.s32 $0x100;
	[tilespmem:s17+$0x71A0] =	vst v9;
	v9 =	vld [tilespmem:s17+$0x31E0]  }
0x2db: {  	s19 =	simm.s32 $0x800;
	v10 =	vld [tilespmem:s22+$0x31F0];
	[tilespmem:s17+$0x71B0] =	vst v14;
	v14 =	vmul.f32 v17, v15  }
.LBB2_22:
0x2dc: {  	p0 =	sne.s32 s19, $0x7C00;
	v15 =	vld [tilespmem:s22+$0x51F0]  }
0x2dd: {  	v16 =	vld [tilespmem:s22+$0x3100];
	[tilespmem:s17+$0x71C0] =	vst v14;
	v11 =	vmul.f32 v12, v11  }
0x2de: {  	v12 =	vld [tilespmem:s22+$0x5100]  }
0x2df: {  	v14 =	vld [tilespmem:s22+$0x3110];
	[tilespmem:s17+$0x71D0] =	vst v11;
	v9 =	vmul.f32 v13, v9  }
0x2e0: {  	v11 =	vld [tilespmem:s22+$0x5110]  }
0x2e1: {  	v13 =	vld [tilespmem:s22+$0x3120];
	v10 =	vmul.f32 v15, v10;
	[tilespmem:s17+$0x71E0] =	vst v9;
	s17 =	smov.u32 s22  }
0x2e2: {  	v9 =	vld [tilespmem:s17+$0x5120]  }
0x2e3: {  	v12 =	vmul.f32 v12, v16;
	v15 =	vld [tilespmem:s17+$0x3130];
	[tilespmem:s17+$0x71F0] =	vst v10  }
0x2e4: {  	v10 =	vld [tilespmem:s17+$0x5130]  }
0x2e5: {  	[tilespmem:s17+$0x7100] =	vst v12;
	v11 =	vmul.f32 v11, v14;
	v12 =	vld [tilespmem:s17+$0x3140]  }
0x2e6: {  	v14 =	vld [tilespmem:s17+$0x5140]  }
0x2e7: {  	[tilespmem:s17+$0x7110] =	vst v11;
	v9 =	vmul.f32 v9, v13;
	v11 =	vld [tilespmem:s17+$0x3150]  }
0x2e8: {  	v13 =	vld [tilespmem:s17+$0x5150]  }
0x2e9: {  	[tilespmem:s17+$0x7120] =	vst v9;
	v9 =	vmul.f32 v10, v15;
	v10 =	vld [tilespmem:s17+$0x3160]  }
0x2ea: {  	v15 =	vld [tilespmem:s17+$0x5160]  }
0x2eb: {  	[tilespmem:s17+$0x7130] =	vst v9;
	v9 =	vmul.f32 v14, v12;
	v12 =	vld [tilespmem:s17+$0x3170]  }
0x2ec: {  	v14 =	vld [tilespmem:s17+$0x5170]  }
0x2ed: {  	[tilespmem:s17+$0x7140] =	vst v9;
	v9 =	vmul.f32 v13, v11;
	v11 =	vld [tilespmem:s17+$0x3180]  }
0x2ee: {  	v13 =	vld [tilespmem:s17+$0x5180]  }
0x2ef: {  	[tilespmem:s17+$0x7150] =	vst v9;
	v9 =	vmul.f32 v15, v10;
	v10 =	vld [tilespmem:s17+$0x3190]  }
0x2f0: {  	v15 =	vld [tilespmem:s17+$0x5190]  }
0x2f1: {  	[tilespmem:s17+$0x7160] =	vst v9;
	v9 =	vmul.f32 v14, v12;
	v12 =	vld [tilespmem:s17+$0x31A0]  }
0x2f2: {  	v14 =	vld [tilespmem:s17+$0x51A0]  }
0x2f3: {  	[tilespmem:s17+$0x7170] =	vst v9;
	v9 =	vmul.f32 v13, v11;
	v13 =	vld [tilespmem:s17+$0x31B0]  }
0x2f4: {  	v16 =	vld [tilespmem:s17+$0x51B0]  }
0x2f5: {  	[tilespmem:s17+$0x7180] =	vst v9;
	v9 =	vmul.f32 v15, v10;
	v15 =	vld [tilespmem:s17+$0x31C0]  }
0x2f6: {  	v17 =	vld [tilespmem:s17+$0x51C0]  }
.Ltmp14:
0x2f7: {  	[tilespmem:s17+$0x7190] =	vst v9;
	v9 =	vmul.f32 v14, v12;
	v11 =	vld [tilespmem:s17+$0x31D0];
	(pc) =	sbr.rel @p0 .LBB2_22-.Ltmp14, $4  }
0x2f8: {  	v12 =	vld [tilespmem:s17+$0x51D0]  }
0x2f9: {  	[tilespmem:s17+$0x71A0] =	vst v9;
	v14 =	vmul.f32 v16, v13;
	v9 =	vld [tilespmem:s17+$0x31E0]  }
0x2fa: {  	s22 =	sshra.s32 s19, $0x2;
	v13 =	vld [tilespmem:s17+$0x51E0]  }
0x2fb: {  	s19 =	sadd.s32 $0x400, s19;
	v10 =	vld [tilespmem:s22+$0x31F0];
	[tilespmem:s17+$0x71B0] =	vst v14;
	v14 =	vmul.f32 v17, v15  }
0x2fc: {  	v15 =	vld [tilespmem:s22+$0x51F0]  }
0x2fd: {  	v16 =	vld [tilespmem:s22+$0x3100];
	[tilespmem:s17+$0x71C0] =	vst v14;
	v11 =	vmul.f32 v12, v11  }
0x2fe: {  	v12 =	vld [tilespmem:s22+$0x5100]  }
0x2ff: {  	v14 =	vld [tilespmem:s22+$0x3110];
	[tilespmem:s17+$0x71D0] =	vst v11;
	v9 =	vmul.f32 v13, v9  }
0x300: {  	v11 =	vld [tilespmem:s22+$0x5110]  }
0x301: {  	v13 =	vld [tilespmem:s22+$0x3120];
	[tilespmem:s17+$0x71E0] =	vst v9  }
0x302: {  	v9 =	vmul.f32 v15, v10;
	v10 =	vld [tilespmem:s22+$0x5120]  }
0x303: {  	v15 =	vld [tilespmem:s22+$0x3130]  }
0x304: {  	v12 =	vmul.f32 v12, v16;
	[tilespmem:s22+$0x71F0] =	vst v9;
	v9 =	vld [tilespmem:s22+$0x5130]  }
0x305: {  	v16 =	vld [tilespmem:s22+$0x51E0]  }
0x306: {  	[tilespmem:s22+$0x7100] =	vst v12;
	v11 =	vmul.f32 v11, v14;
	v12 =	vld [tilespmem:s22+$0x3140]  }
0x307: {  	v14 =	vld [tilespmem:s22+$0x5140]  }
0x308: {  	[tilespmem:s22+$0x7110] =	vst v11;
	v11 =	vld [tilespmem:s22+$0x3150]  }
0x309: {  	v10 =	vmul.f32 v10, v13;
	v13 =	vld [tilespmem:s22+$0x5150]  }
0x30a: {  	v9 =	vmul.f32 v9, v15;
	v15 =	vld [tilespmem:s22+$0x5160]  }
0x30b: {  	[tilespmem:s22+$0x7120] =	vst v10;
	v10 =	vld [tilespmem:s22+$0x3160]  }
0x30c: {  	[tilespmem:s22+$0x7130] =	vst v9;
	v9 =	vmul.f32 v14, v12;
	v12 =	vld [tilespmem:s22+$0x3170]  }
0x30d: {  	v14 =	vld [tilespmem:s22+$0x5170]  }
0x30e: {  	[tilespmem:s22+$0x7140] =	vst v9;
	v9 =	vmul.f32 v13, v11;
	v11 =	vld [tilespmem:s22+$0x3180]  }
0x30f: {  	v13 =	vld [tilespmem:s22+$0x5180]  }
0x310: {  	[tilespmem:s22+$0x7150] =	vst v9;
	v9 =	vmul.f32 v15, v10;
	v10 =	vld [tilespmem:s22+$0x3190]  }
0x311: {  	v15 =	vld [tilespmem:s22+$0x5190]  }
0x312: {  	[tilespmem:s22+$0x7160] =	vst v9;
	v9 =	vmul.f32 v14, v12;
	v12 =	vld [tilespmem:s22+$0x31A0]  }
0x313: {  	v14 =	vld [tilespmem:s22+$0x51A0]  }
0x314: {  	[tilespmem:s22+$0x7170] =	vst v9;
	v9 =	vmul.f32 v13, v11;
	v11 =	vld [tilespmem:s22+$0x31B0]  }
0x315: {  	v13 =	vld [tilespmem:s22+$0x51B0]  }
0x316: {  	[tilespmem:s22+$0x7180] =	vst v9;
	v9 =	vmul.f32 v15, v10;
	v10 =	vld [tilespmem:s22+$0x31C0]  }
0x317: {  	v15 =	vld [tilespmem:s22+$0x51C0]  }
0x318: {  	[tilespmem:s22+$0x7190] =	vst v9;
	v9 =	vmul.f32 v14, v12;
	v12 =	vld [tilespmem:s22+$0x31D0]  }
0x319: {  	v14 =	vld [tilespmem:s22+$0x51D0]  }
0x31a: {  	[tilespmem:s22+$0x71A0] =	vst v9;
	v9 =	vld [tilespmem:s22+$0x31E0];
	_ =	sdelay $0x1  }
0x31b: {  	v11 =	vmul.f32 v13, v11  }
0x31c: {  	v10 =	vmul.f32 v15, v10  }
0x31d: {  	[tilespmem:s22+$0x71B0] =	vst v11;
	v11 =	vmul.f32 v14, v12  }
0x31e: {  	[tilespmem:s22+$0x71C0] =	vst v10;
	v9 =	vmul.f32 v16, v9  }
0x31f: {  	[tilespmem:s22+$0x71D0] =	vst v11  }
0x320: {  	s14 =	sadd.s32 $0x1900, s14;
	[tilespmem:s22+$0x71E0] =	vst v9  }
0x321: {  	[spmem:s4] =	stream.indirect.scatter.add.f32 [tilespmem:s8], [sflag:$0x5], $0x40, s14, s9, $0xb8;
	[tilespmem:$0x1C9C0] =	vst v63  }
0x322: {  	_ =	swait.ge [sflag:s6], $0x2000  }
0x323: {  	[sflag:s6] =	ssyncset.done $0x0  }
0x324: {  	s28 =	rddreg [dreg:$0xe];
	[sflag:s6] =	ssyncadd.s32 $0xFFFFE000  }
0x325: {  	s29 =	stileid.u32;
	s14 =	sadd.s32 s28, s21;
	[bflag:$0x0] =	sbarrier.arrive $0xFFFF  }
0x326: {  	s17 =	sshll.u32 s29, $0x6;
	s14 =	sshll.u32 s14, $0x3;
	s19 =	rddreg [dreg:$0x7]  }
0x327: {  	s30 =	sshrl.u32 s31, $0x3;
	s17 =	sor.u32 $0x1C05, s17;
	s19 =	sadd.s32 s19, s14  }
0x328: {  	[hbm:s19], [sflag:s17] =	dma.local [spmem:s30], $0x3E8  }
0x329: {  	s23 =	smov.u32 s3;
	_ =	swait.ge [sflag:s6], $0x3E8  }
0x32a: {  	s22 =	smov.u32 s31;
	[sflag:s6] =	ssyncset.done $0x0;
	s31 =	rddreg [dreg:$0x8]  }
0x32b: {  	s3 =	sshrl.u32 s3, $0x3;
	[sflag:s6] =	ssyncadd.s32 $0xFFFFFC18;
	s19 =	sadd.s32 s14, s31  }
0x32c: {  	[hbm:s19], [sflag:s17] =	dma.local [spmem:s3], $0x3E8  }
0x32d: {  	_ =	swait.ge [sflag:s6], $0x3E8  }
0x32e: {  	s26 =	rddreg [dreg:$0x9]  }
0x32f: {  	[sflag:s6] =	ssyncset.done $0x0;
	s28 =	rddreg [dreg:$0x16]  }
0x330: {  	[sflag:s6] =	ssyncadd.s32 $0xFFFFFC18;
	s19 =	sadd.s32 s14, s26;
	s29 =	sshrl.u32 s28, $0x3  }
0x331: {  	[hbm:s19], [sflag:s17] =	dma.local [spmem:s29], $0x3E8  }
0x332: {  	_ =	swait.ge [sflag:s6], $0x3E8  }
0x333: {  	s30 =	rddreg [dreg:$0xa]  }
0x334: {  	[sflag:s6] =	ssyncset.done $0x0;
	s31 =	rddreg [dreg:$0x17]  }
0x335: {  	[sflag:s6] =	ssyncadd.s32 $0xFFFFFC18;
	s19 =	sadd.s32 s14, s30;
	s3 =	sshrl.u32 s31, $0x3  }
0x336: {  	[hbm:s19], [sflag:s17] =	dma.local [spmem:s3], $0x3E8  }
0x337: {  	_ =	swait.ge [sflag:s6], $0x3E8  }
0x338: {  	s26 =	rddreg [dreg:$0xc]  }
0x339: {  	[sflag:s6] =	ssyncset.done $0x0;
	s28 =	rddreg [dreg:$0x18]  }
0x33a: {  	[sflag:s6] =	ssyncadd.s32 $0xFFFFFC18;
	s19 =	sadd.s32 s14, s26;
	s29 =	sshrl.u32 s28, $0x3  }
0x33b: {  	[hbm:s19], [sflag:s17] =	dma.local [spmem:s29], $0x3E8  }
0x33c: {  	_ =	swait.ge [sflag:s6], $0x3E8  }
0x33d: {  	s30 =	rddreg [dreg:$0xd]  }
0x33e: {  	[sflag:s6] =	ssyncset.done $0x0;
	s31 =	rddreg [dreg:$0x19]  }
0x33f: {  	[sflag:s6] =	ssyncadd.s32 $0xFFFFFC18;
	s19 =	sadd.s32 s14, s30;
	s3 =	sshrl.u32 s31, $0x3  }
0x340: {  	[hbm:s19], [sflag:s17] =	dma.local [spmem:s3], $0x3E8  }
0x341: {  	_ =	swait.ge [sflag:s6], $0x3E8  }
0x342: {  	s21 =	rddreg [dreg:$0xf]  }
0x343: {  	[sflag:s6] =	ssyncset.done $0x0;
	s26 =	rddreg [dreg:$0x1a]  }
0x344: {  	[sflag:s6] =	ssyncadd.s32 $0xFFFFFC18;
	s19 =	sadd.s32 s14, s21;
	s28 =	sshrl.u32 s26, $0x3  }
0x345: {  	[hbm:s19], [sflag:s17] =	dma.local [spmem:s28], $0x3E8  }
0x346: {  	_ =	swait.ge [sflag:s6], $0x3E8  }
0x347: {  	s29 =	rddreg [dreg:$0x10]  }
0x348: {  	[sflag:s6] =	ssyncset.done $0x0;
	s31 =	rddreg [dreg:$0x1b]  }
0x349: {  	[sflag:s6] =	ssyncadd.s32 $0xFFFFFC18;
	s30 =	sadd.s32 s14, s29;
	s3 =	sshrl.u32 s31, $0x3  }
0x34a: {  	[hbm:s30], [sflag:s17] =	dma.local [spmem:s3], $0x3E8  }
0x34b: {  	_ =	swait.ge [sflag:s6], $0x3E8  }
0x34c: {  	[sflag:s6] =	ssyncset.done $0x0;
	s26 =	rddreg [dreg:$0x13]  }
0x34d: {  	s29 =	sshrl.u32 s25, $0x3;
	[sflag:s6] =	ssyncadd.s32 $0xFFFFFC18;
	s28 =	sadd.s32 s14, s26  }
0x34e: {  	[hbm:s28], [sflag:s17] =	dma.local [spmem:s29], $0x3E8  }
0x34f: {  	s20 =	sadd.s32 $0x1, s20;
	_ =	swait.ge [sflag:s6], $0x3E8  }
0x350: {  	p0 =	sne.s32 s20, $0x8;
	[sflag:s6] =	ssyncset.done $0x0;
	s30 =	rddreg [dreg:$0x14]  }
0x351: {  	s31 =	sshrl.u32 s5, $0x3;
	[sflag:s6] =	ssyncadd.s32 $0xFFFFFC18;
	s14 =	sadd.s32 s14, s30  }
0x352: {  	[hbm:s14], [sflag:s17] =	dma.local [spmem:s31], $0x3E8  }
.Ltmp15:
0x353: {  	_ =	swait.ge [sflag:s6], $0x3E8;
	(pc) =	sbr.rel @p0 .LBB2_2-.Ltmp15, $3  }
0x354: {  	[sflag:s6] =	ssyncset.done $0x0  }
0x355: {  	[sflag:s6] =	ssyncadd.s32 $0xFFFFFC18  }
0x356: {  	[bflag:$0x0] =	sbarrier.arrive $0xFFFF;
	_ =	sdelay $0x1  }
0x357: {  	s14 =	rddreg [dreg:$0x6]  }
0x358: {  	s3 =	rddreg [dreg:$0x15];
	s14 =	sadd.s32 $0x1, s14  }
0x359: {  	p0 =	sne.s32 s14, s3  }
.Ltmp16:
0x35a: {  	_ = 	snop;
	(pc) =	sbr.rel @p0 .LBB2_1-.Ltmp16, $1  }
0x35b: {  	_ =	sdelay $0x3  }
0x35c: {  	_ =	sfence.sel $0x180000  }
0x35d: {  	[bflag:$0x0] =	sbarrier.arrive $0xFFFF  }
0x35e: {  	_ =	strace $0x90000047  }
0x35f: {  	s0 =	stileid.u32;
	[bflag:$0x2] =	sbarrier.arrive $0xFFFF  }
0x360: {  	p0 =	sne.s32 s0, $0x0;
	s0 =	rddreg [dreg:$0x5]  }
0x361: {  	s0 =	sadd.s32 @!p0 $0x100000, s0  }
0x362: {  	[sflag:s0] =	ssyncadd.tile.s32 @!p0 $0x1;
	_ =	shalt  }
.Lfunc_end2:
_tile_overlayer_lowered:
.L_overlay_start_2:
0x363: {  	(tag) =	ssettag $0x2  }
0x364: {  	s0 =	rddreg [dreg:$0x0];
	s2 =	stileid.u32  }
0x365: {  	s1 =	rddreg [dreg:$0x1];
	p0 =	sne.s32 s2, $0x0  }
0x366: {  	s3 =	rddreg [dreg:$0x2];
	[bflag:$0x3] =	sbarrier.arrive $0xFFFF;
	s2 =	simm.s32 @!p0 $0x1C05  }
0x367: {  	[timem:s3], [sflag:s2] =	dma.local @!p0 [hbm:s0], s1  }
0x368: {  	s0 =	simm.s32 @!p0 $0x5  }
0x369: {  	_ =	swait.ge @!p0 [sflag:s0], s1  }
0x36a: {  	s1 =	ssub.s32 @!p0 $0x0, s1;
	[sflag:s0] =	ssyncset.done @!p0 $0x0  }
0x36b: {  	[sflag:s0] =	ssyncadd.s32 @!p0 s1  }
0x36c: {  	[bflag:$0x3] =	sbarrier.arrive $0xFFFF  }
0x36d: {  	_ =	shalt  }

</sc_bundles>
